<compile_context>
chip_gen: v7x
topology: tpu7x:2x2x1
jax: 0.10.2.dev20260603
libtpu: 0.0.44.dev20260713+nightly
codegen_flags: <defaults>
</compile_context>

<pallas_src>
import functools
import math

import jax
import jax.numpy as jnp
from jax import lax
from jax.experimental import pallas as pl
from jax.experimental.pallas import tpu as pltpu
from jax.experimental.pallas import tpu_sc as plsc

D_MODEL = 64
SCALE = math.sqrt(D_MODEL)

NC = 2
NS = 16
NW = NC * NS

IB = 128
L = 16
RING = 4


@jax.jit
def _embed(xp, table):
    nj_hi, nt, nj_lo, ib = xp.shape
    nj = nj_hi * nj_lo
    assert nt == NW and ib == IB and nj % RING == 0
    mesh = plsc.VectorSubcoreMesh(core_axis_name="c", subcore_axis_name="s")

    @functools.partial(
        pl.kernel,
        mesh=mesh,
        out_type=jax.ShapeDtypeStruct(
            (nj, D_MODEL // 8, NW, 8, IB), jnp.float32
        ),
        scratch_types=[
            pltpu.VMEM((nj_hi, nj_lo, IB), jnp.int32),
            pltpu.VMEM((IB, D_MODEL), jnp.float32),
            pltpu.VMEM((IB, D_MODEL), jnp.float32),
            pltpu.VMEM((IB, D_MODEL), jnp.float32),
            pltpu.VMEM((IB, D_MODEL), jnp.float32),
            pltpu.VMEM((D_MODEL // 8, 8, IB + 1), jnp.float32),
            pltpu.VMEM((D_MODEL // 8, 8, IB + 1), jnp.float32),
            pltpu.SemaphoreType.DMA,
            pltpu.SemaphoreType.DMA,
            pltpu.SemaphoreType.DMA,
            pltpu.SemaphoreType.DMA,
            pltpu.SemaphoreType.DMA,
            pltpu.SemaphoreType.DMA,
        ],
        compiler_params=pltpu.CompilerParams(
            use_tc_tiling_on_sc=False, needs_layout_passes=False
        ),
    )
    def k(xp_hbm, table_hbm, out_hbm,
          xv, r0, r1, r2, r3, b0, b1, g0, g1, g2, g3, w0, w1):
        t = lax.axis_index("s") * NC + lax.axis_index("c")
        rows = (r0, r1, r2, r3)
        blks = (b0, b1)
        gsems = (g0, g1, g2, g3)
        wsems = (w0, w1)

        pltpu.sync_copy(xp_hbm.at[:, t], xv)

        iota = lax.iota(jnp.int32, L)

        def fire(j, s):
            pltpu.async_copy(
                table_hbm.at[xv.at[j // nj_lo, j % nj_lo]],
                rows[s],
                gsems[s],
            )

        def drain_gather(s):
            pltpu.make_async_copy(
                table_hbm.at[pl.ds(0, IB)], rows[s], gsems[s]
            ).wait()

        def blk_view(p):
            return blks[p].at[:, :, pl.ds(0, IB)]

        def drain_wb(p):
            pltpu.make_async_copy(
                out_hbm.at[0, :, 0], blk_view(p), wsems[p]
            ).wait()

        def transpose_scale(s, p):
            for kg in range(D_MODEL // L):
                kvec = iota + kg * L
                khi = kvec >> 3
                klo = kvec & 7

                @plsc.parallel_loop(0, IB, unroll=8)
                def _(i):
                    vals = rows[s][i, pl.ds(kg * L, L)]
                    col = jnp.full((L,), i, jnp.int32)
                    plsc.store_scatter(
                        blks[p], [khi, klo, col], vals * SCALE
                    )

        for s in range(RING - 1):
            fire(s, s)

        def outer(g4, carry):
            for r in range(RING):
                j = g4 * RING + r

                @pl.when(j + RING - 1 < nj)
                def _():
                    fire(j + RING - 1, (r + RING - 1) % RING)

                drain_gather(r)
                p = r % 2

                @pl.when(j >= 2)
                def _():
                    drain_wb(p)

                transpose_scale(r, p)
                pltpu.async_copy(blk_view(p), out_hbm.at[j, :, t], wsems[p])
            return carry

        lax.fori_loop(0, nj // RING, outer, 0)
        drain_wb(0)
        drain_wb(1)

    return k(xp, table)


def kernel(x, table):
    n_batch, n_seq = x.shape
    ni = n_batch // IB
    xp = (
        x.T.reshape(n_seq // 8, 8, ni, IB)
        .transpose(0, 2, 1, 3)
        .astype(jnp.int32)
    )
    out5 = _embed(xp, table)
    return out5.transpose(2, 4, 0, 1, 3).reshape(n_batch, n_seq, D_MODEL)

# --- scband reference (transcript-rebuilt; emitter-appended) ---
"""Pipeline reference for scband-embedder-43920335569409 (READ-ONLY COPY).

The authoritative reference and input builder live on the scoring server;
editing this copy changes nothing except your own understanding.
"""

import jax, jax.numpy as jnp
import numpy as np
import math

VOCAB_SIZE = 1000000
D_MODEL = 64

def setup_inputs(seed: int = 0) -> dict:
    key = jax.random.key(seed)
    k_idx, k_tab = jax.random.split(key)
    x = jax.random.randint(k_idx, (4096, 200), 0, VOCAB_SIZE, dtype=jnp.int64 if jax.config.jax_enable_x64 else jnp.int32)
    # nn.Embedding default init: N(0, 1)
    table = jax.random.normal(k_tab, (VOCAB_SIZE, D_MODEL), dtype=jnp.float32)
    return {"x": x, "table": table}

def reference(x, table):
    # Embedder.forward: self.embed(x) * math.sqrt(self.d_model)
    out = jnp.take(table, x, axis=0) * math.sqrt(D_MODEL)
    return out

if __name__ == "__main__":
    import jax
    _d = setup_inputs()
    print(jax.jit(kernel)(*tuple(_d.values())))

</pallas_src>

<mosaic_0001>
#map = affine_map<(d0, d1) -> (0, 0, 0, 0)>
#map1 = affine_map<(d0, d1) -> (0, 0)>
#map2 = affine_map<(d0, d1) -> (0, 0, 0, 0, 0)>
module attributes {stable_mosaic.version = 14 : i64} {
  func.func @k(%arg0: i32, %arg1: i32, %arg2: memref<25x32x8x128xi32, #tpu.memory_space<hbm>>, %arg3: memref<1000000x64xf32, #tpu.memory_space<hbm>>, %arg4: memref<200x8x32x8x128xf32, #tpu.memory_space<hbm>>, %arg5: memref<25x8x128xi32, #tpu.memory_space<vmem>>, %arg6: memref<128x64xf32, #tpu.memory_space<vmem>>, %arg7: memref<128x64xf32, #tpu.memory_space<vmem>>, %arg8: memref<128x64xf32, #tpu.memory_space<vmem>>, %arg9: memref<128x64xf32, #tpu.memory_space<vmem>>, %arg10: memref<8x8x129xf32, #tpu.memory_space<vmem>>, %arg11: memref<8x8x129xf32, #tpu.memory_space<vmem>>, %arg12: memref<!tpu.dma_semaphore, #tpu.memory_space<semaphore_mem>>, %arg13: memref<!tpu.dma_semaphore, #tpu.memory_space<semaphore_mem>>, %arg14: memref<!tpu.dma_semaphore, #tpu.memory_space<semaphore_mem>>, %arg15: memref<!tpu.dma_semaphore, #tpu.memory_space<semaphore_mem>>, %arg16: memref<!tpu.dma_semaphore, #tpu.memory_space<semaphore_mem>>, %arg17: memref<!tpu.dma_semaphore, #tpu.memory_space<semaphore_mem>>) attributes {dimension_semantics = [#tpu.dimension_semantics<core_parallel>, #tpu.dimension_semantics<subcore_parallel>], iteration_bounds = array<i64: 2, 16>, scalar_prefetch = 0 : i64, scratch_operands = 13 : i64, tpu.core_type = #tpu.core_type<sc_vector_subcore>, window_params = [{transform_indices = #map}, {transform_indices = #map1}, {transform_indices = #map2}]} {
    %mul3A = arith.constant 2 : i32
    %mul3A_0 = arith.muli %arg1, %mul3A : i32
    %add3A = arith.addi %mul3A_0, %arg0 : i32
    "tpu.region"() ({
      %run_scoped3A = tpu.sem_alloc : memref<!tpu.dma_semaphore, #tpu.memory_space<semaphore_mem>>
      %dma_start3A_68 = arith.constant 0 : i32
      %dma_start3A_69 = arith.constant 0 : i32
      %dma_start3A_70 = arith.constant 0 : i32
      %dma_start3A_71 = tpu.memref_slice %arg2[%dma_start3A_68, %add3A, %dma_start3A_69, %dma_start3A_70] : memref<25x32x8x128xi32, #tpu.memory_space<hbm>> -> memref<25x1x8x128xi32, #tpu.memory_space<hbm>>
      %dma_start3A_72 = tpu.memref_squeeze %dma_start3A_71 : memref<25x1x8x128xi32, #tpu.memory_space<hbm>> -> memref<25x8x128xi32, #tpu.memory_space<hbm>>
      %dma_start3A_73 = arith.constant 0 : i32
      %dma_start3A_74 = arith.constant 0 : i32
      %dma_start3A_75 = arith.constant 0 : i32
      %dma_start3A_76 = tpu.memref_slice %arg2[%dma_start3A_73, %add3A, %dma_start3A_74, %dma_start3A_75] : memref<25x32x8x128xi32, #tpu.memory_space<hbm>> -> memref<25x1x8x128xi32, #tpu.memory_space<hbm>>
      %dma_start3A_77 = tpu.memref_squeeze %dma_start3A_76 : memref<25x1x8x128xi32, #tpu.memory_space<hbm>> -> memref<25x8x128xi32, #tpu.memory_space<hbm>>
      tpu.enqueue_dma source(%dma_start3A_77 : memref<25x8x128xi32, #tpu.memory_space<hbm>>) target(%arg5 : memref<25x8x128xi32, #tpu.memory_space<vmem>>) target_semaphore(%run_scoped3A : memref<!tpu.dma_semaphore, #tpu.memory_space<semaphore_mem>>)
      %dma_wait3A_78 = arith.constant 0 : i32
      %dma_wait3A_79 = arith.constant 0 : i32
      %dma_wait3A_80 = arith.constant 0 : i32
      %dma_wait3A_81 = tpu.memref_slice %arg2[%dma_wait3A_78, %add3A, %dma_wait3A_79, %dma_wait3A_80] : memref<25x32x8x128xi32, #tpu.memory_space<hbm>> -> memref<25x1x8x128xi32, #tpu.memory_space<hbm>>
      %dma_wait3A_82 = tpu.memref_squeeze %dma_wait3A_81 : memref<25x1x8x128xi32, #tpu.memory_space<hbm>> -> memref<25x8x128xi32, #tpu.memory_space<hbm>>
      %dma_wait3A_83 = arith.constant 0 : i32
      %dma_wait3A_84 = arith.constant 0 : i32
      %dma_wait3A_85 = arith.constant 0 : i32
      %dma_wait3A_86 = tpu.memref_slice %arg2[%dma_wait3A_83, %add3A, %dma_wait3A_84, %dma_wait3A_85] : memref<25x32x8x128xi32, #tpu.memory_space<hbm>> -> memref<25x1x8x128xi32, #tpu.memory_space<hbm>>
      %dma_wait3A_87 = tpu.memref_squeeze %dma_wait3A_86 : memref<25x1x8x128xi32, #tpu.memory_space<hbm>> -> memref<25x8x128xi32, #tpu.memory_space<hbm>>
      tpu.wait_dma2 semaphore(%run_scoped3A : memref<!tpu.dma_semaphore, #tpu.memory_space<semaphore_mem>>) src(%dma_wait3A_87 : memref<25x8x128xi32, #tpu.memory_space<hbm>>) dst(%arg5 : memref<25x8x128xi32, #tpu.memory_space<vmem>>)
      tpu.yield
    }) : () -> ()
    %iota3A = tpu.iota {dimensions = array<i32: 0>} : vector<16xi32>
    %dma_start3A = arith.constant 0 : i32
    %dma_start3A_1 = arith.constant 0 : i32
    %dma_start3A_2 = arith.constant 0 : i32
    %dma_start3A_3 = tpu.memref_slice %arg5[%dma_start3A, %dma_start3A_1, %dma_start3A_2] : memref<25x8x128xi32, #tpu.memory_space<vmem>> -> memref<1x1x128xi32, #tpu.memory_space<vmem>>
    %dma_start3A_4 = tpu.memref_squeeze %dma_start3A_3 : memref<1x1x128xi32, #tpu.memory_space<vmem>> -> memref<128xi32, #tpu.memory_space<vmem>>
    %dma_start3A_5 = arith.constant 0 : i32
    %dma_start3A_6 = arith.constant 0 : i32
    %dma_start3A_7 = tpu.memref_slice %arg3[%dma_start3A_5, %dma_start3A_6] : memref<1000000x64xf32, #tpu.memory_space<hbm>> -> memref<1000000x64xf32, #tpu.memory_space<hbm>>
    tpu.enqueue_indirect_dma source(%dma_start3A_7 : memref<1000000x64xf32, #tpu.memory_space<hbm>>) target(%arg6 : memref<128x64xf32, #tpu.memory_space<vmem>>) offsets(%dma_start3A_4 : memref<128xi32, #tpu.memory_space<vmem>>) semaphore(%arg12 : memref<!tpu.dma_semaphore, #tpu.memory_space<semaphore_mem>>)
    %dma_start3A_8 = arith.constant 0 : i32
    %dma_start3A_9 = arith.constant 1 : i32
    %dma_start3A_10 = arith.constant 0 : i32
    %dma_start3A_11 = tpu.memref_slice %arg5[%dma_start3A_8, %dma_start3A_9, %dma_start3A_10] : memref<25x8x128xi32, #tpu.memory_space<vmem>> -> memref<1x1x128xi32, #tpu.memory_space<vmem>>
    %dma_start3A_12 = tpu.memref_squeeze %dma_start3A_11 : memref<1x1x128xi32, #tpu.memory_space<vmem>> -> memref<128xi32, #tpu.memory_space<vmem>>
    %dma_start3A_13 = arith.constant 0 : i32
    %dma_start3A_14 = arith.constant 0 : i32
    %dma_start3A_15 = tpu.memref_slice %arg3[%dma_start3A_13, %dma_start3A_14] : memref<1000000x64xf32, #tpu.memory_space<hbm>> -> memref<1000000x64xf32, #tpu.memory_space<hbm>>
    tpu.enqueue_indirect_dma source(%dma_start3A_15 : memref<1000000x64xf32, #tpu.memory_space<hbm>>) target(%arg7 : memref<128x64xf32, #tpu.memory_space<vmem>>) offsets(%dma_start3A_12 : memref<128xi32, #tpu.memory_space<vmem>>) semaphore(%arg13 : memref<!tpu.dma_semaphore, #tpu.memory_space<semaphore_mem>>)
    %dma_start3A_16 = arith.constant 0 : i32
    %dma_start3A_17 = arith.constant 2 : i32
    %dma_start3A_18 = arith.constant 0 : i32
    %dma_start3A_19 = tpu.memref_slice %arg5[%dma_start3A_16, %dma_start3A_17, %dma_start3A_18] : memref<25x8x128xi32, #tpu.memory_space<vmem>> -> memref<1x1x128xi32, #tpu.memory_space<vmem>>
    %dma_start3A_20 = tpu.memref_squeeze %dma_start3A_19 : memref<1x1x128xi32, #tpu.memory_space<vmem>> -> memref<128xi32, #tpu.memory_space<vmem>>
    %dma_start3A_21 = arith.constant 0 : i32
    %dma_start3A_22 = arith.constant 0 : i32
    %dma_start3A_23 = tpu.memref_slice %arg3[%dma_start3A_21, %dma_start3A_22] : memref<1000000x64xf32, #tpu.memory_space<hbm>> -> memref<1000000x64xf32, #tpu.memory_space<hbm>>
    tpu.enqueue_indirect_dma source(%dma_start3A_23 : memref<1000000x64xf32, #tpu.memory_space<hbm>>) target(%arg8 : memref<128x64xf32, #tpu.memory_space<vmem>>) offsets(%dma_start3A_20 : memref<128xi32, #tpu.memory_space<vmem>>) semaphore(%arg14 : memref<!tpu.dma_semaphore, #tpu.memory_space<semaphore_mem>>)
    %scan3A = arith.constant 0 : i32
    %scan3A_24 = arith.constant 0 : i32
    %scan3A_25 = arith.constant 50 : i32
    %scan3A_26 = arith.addi %scan3A_24, %scan3A_25 : i32
    %scan3A_27 = arith.constant 1 : i32
    scf.for %scan3A_68 = %scan3A_24 to %scan3A_26 step %scan3A_27  : i32 {
      %mul3A_69 = arith.constant 4 : i32
      %mul3A_70 = arith.muli %scan3A_68, %mul3A_69 : i32
      %add3A_71 = arith.constant 0 : i32
      %add3A_72 = arith.addi %mul3A_70, %add3A_71 : i32
      %add3A_73 = arith.constant 4 : i32
      %add3A_74 = arith.addi %add3A_72, %add3A_73 : i32
      %sub3A = arith.constant 1 : i32
      %sub3A_75 = arith.subi %add3A_74, %sub3A : i32
      %lt3A = arith.constant 200 : i32
      %lt3A_76 = arith.cmpi slt, %sub3A_75, %lt3A : i32
      %convert_element_type3A = arith.extui %lt3A_76 : i1 to i32
      %cond3A = arith.constant 0 : i32
      %cond3A_77 = arith.cmpi ne, %convert_element_type3A, %cond3A : i32
      scf.if %cond3A_77 {
        %add3A_421 = arith.constant 4 : i32
        %add3A_422 = arith.addi %add3A_72, %add3A_421 : i32
        %sub3A_423 = arith.constant 1 : i32
        %sub3A_424 = arith.subi %add3A_422, %sub3A_423 : i32
        %jit3A = arith.constant 8 : i32
        %div3A = arith.divsi %sub3A_424, %jit3A : i32
        %sign3A = arith.constant 0 : i32
        %sign3A_425 = arith.cmpi sgt, %sub3A_424, %sign3A : i32
        %sign3A_426 = arith.extui %sign3A_425 : i1 to i32
        %sign3A_427 = arith.constant 0 : i32
        %sign3A_428 = arith.cmpi slt, %sub3A_424, %sign3A_427 : i32
        %sign3A_429 = arith.extui %sign3A_428 : i1 to i32
        %sign3A_430 = arith.subi %sign3A_426, %sign3A_429 : i32
        %sign3A_431 = arith.constant 0 : i32
        %sign3A_432 = arith.cmpi sgt, %jit3A, %sign3A_431 : i32
        %sign3A_433 = arith.extui %sign3A_432 : i1 to i32
        %sign3A_434 = arith.constant 0 : i32
        %sign3A_435 = arith.cmpi slt, %jit3A, %sign3A_434 : i32
        %sign3A_436 = arith.extui %sign3A_435 : i1 to i32
        %sign3A_437 = arith.subi %sign3A_433, %sign3A_436 : i32
        %ne3A = arith.cmpi ne, %sign3A_430, %sign3A_437 : i32
        %rem3A = arith.remsi %sub3A_424, %jit3A : i32
        %ne3A_438 = arith.constant 0 : i32
        %ne3A_439 = arith.cmpi ne, %rem3A, %ne3A_438 : i32
        %and3A_440 = arith.andi %ne3A, %ne3A_439 : i1
        %sub3A_441 = arith.constant 1 : i32
        %sub3A_442 = arith.subi %div3A, %sub3A_441 : i32
        %select_n3A = arith.select %and3A_440, %sub3A_442, %div3A : i32
        %jit3A_443 = arith.constant 8 : i32
        %eq3A = arith.constant 0 : i32
        %eq3A_444 = arith.cmpi eq, %jit3A_443, %eq3A : i32
        %jit3A_445 = arith.constant 1 : i32
        %select_n3A_446 = arith.select %eq3A_444, %jit3A_445, %jit3A_443 : i32
        %rem3A_447 = arith.remsi %sub3A_424, %select_n3A_446 : i32
        %ne3A_448 = arith.constant 0 : i32
        %ne3A_449 = arith.cmpi ne, %rem3A_447, %ne3A_448 : i32
        %lt3A_450 = arith.constant 0 : i32
        %lt3A_451 = arith.cmpi slt, %rem3A_447, %lt3A_450 : i32
        %lt3A_452 = arith.constant 0 : i32
        %lt3A_453 = arith.cmpi slt, %select_n3A_446, %lt3A_452 : i32
        %ne3A_454 = arith.xori %lt3A_451, %lt3A_453 : i1
        %and3A_455 = arith.andi %ne3A_454, %ne3A_449 : i1
        %add3A_456 = arith.addi %rem3A_447, %select_n3A_446 : i32
        %select_n3A_457 = arith.select %and3A_455, %add3A_456, %rem3A_447 : i32
        %dma_start3A_458 = arith.constant 0 : i32
        %dma_start3A_459 = tpu.memref_slice %arg5[%select_n3A, %select_n3A_457, %dma_start3A_458] : memref<25x8x128xi32, #tpu.memory_space<vmem>> -> memref<1x1x128xi32, #tpu.memory_space<vmem>>
        %dma_start3A_460 = tpu.memref_squeeze %dma_start3A_459 : memref<1x1x128xi32, #tpu.memory_space<vmem>> -> memref<128xi32, #tpu.memory_space<vmem>>
        %dma_start3A_461 = arith.constant 0 : i32
        %dma_start3A_462 = arith.constant 0 : i32
        %dma_start3A_463 = tpu.memref_slice %arg3[%dma_start3A_461, %dma_start3A_462] : memref<1000000x64xf32, #tpu.memory_space<hbm>> -> memref<1000000x64xf32, #tpu.memory_space<hbm>>
        tpu.enqueue_indirect_dma source(%dma_start3A_463 : memref<1000000x64xf32, #tpu.memory_space<hbm>>) target(%arg9 : memref<128x64xf32, #tpu.memory_space<vmem>>) offsets(%dma_start3A_460 : memref<128xi32, #tpu.memory_space<vmem>>) semaphore(%arg15 : memref<!tpu.dma_semaphore, #tpu.memory_space<semaphore_mem>>)
      } else {
      }
      %dma_wait3A_78 = arith.constant 0 : i32
      %dma_wait3A_79 = arith.constant 0 : i32
      %dma_wait3A_80 = tpu.memref_slice %arg3[%dma_wait3A_78, %dma_wait3A_79] : memref<1000000x64xf32, #tpu.memory_space<hbm>> -> memref<128x64xf32, #tpu.memory_space<hbm>>
      %dma_wait3A_81 = arith.constant 0 : i32
      %dma_wait3A_82 = arith.constant 0 : i32
      %dma_wait3A_83 = tpu.memref_slice %arg3[%dma_wait3A_81, %dma_wait3A_82] : memref<1000000x64xf32, #tpu.memory_space<hbm>> -> memref<128x64xf32, #tpu.memory_space<hbm>>
      tpu.wait_dma2 semaphore(%arg12 : memref<!tpu.dma_semaphore, #tpu.memory_space<semaphore_mem>>) src(%dma_wait3A_83 : memref<128x64xf32, #tpu.memory_space<hbm>>) dst(%arg6 : memref<128x64xf32, #tpu.memory_space<vmem>>)
      %ge3A = arith.constant 2 : i32
      %ge3A_84 = arith.cmpi sge, %add3A_72, %ge3A : i32
      %convert_element_type3A_85 = arith.extui %ge3A_84 : i1 to i32
      %cond3A_86 = arith.constant 0 : i32
      %cond3A_87 = arith.cmpi ne, %convert_element_type3A_85, %cond3A_86 : i32
      scf.if %cond3A_87 {
        %dma_wait3A_421 = arith.constant 0 : i32
        %dma_wait3A_422 = arith.constant 0 : i32
        %dma_wait3A_423 = arith.constant 0 : i32
        %dma_wait3A_424 = arith.constant 0 : i32
        %dma_wait3A_425 = arith.constant 0 : i32
        %dma_wait3A_426 = tpu.memref_slice %arg10[%dma_wait3A_423, %dma_wait3A_424, %dma_wait3A_425] : memref<8x8x129xf32, #tpu.memory_space<vmem>> -> memref<8x8x128xf32, #tpu.memory_space<vmem>>
        %dma_wait3A_427 = arith.constant 0 : i32
        %dma_wait3A_428 = arith.constant 0 : i32
        %dma_wait3A_429 = arith.constant 0 : i32
        %dma_wait3A_430 = tpu.memref_slice %arg4[%dma_wait3A_421, %dma_wait3A_427, %dma_wait3A_422, %dma_wait3A_428, %dma_wait3A_429] : memref<200x8x32x8x128xf32, #tpu.memory_space<hbm>> -> memref<1x8x1x8x128xf32, #tpu.memory_space<hbm>>
        %dma_wait3A_431 = tpu.memref_squeeze %dma_wait3A_430 : memref<1x8x1x8x128xf32, #tpu.memory_space<hbm>> -> memref<8x8x128xf32, #tpu.memory_space<hbm>>
        %dma_wait3A_432 = arith.constant 0 : i32
        %dma_wait3A_433 = arith.constant 0 : i32
        %dma_wait3A_434 = arith.constant 0 : i32
        %dma_wait3A_435 = tpu.memref_slice %arg10[%dma_wait3A_432, %dma_wait3A_433, %dma_wait3A_434] : memref<8x8x129xf32, #tpu.memory_space<vmem>> -> memref<8x8x128xf32, #tpu.memory_space<vmem>>
        %dma_wait3A_436 = arith.constant 0 : i32
        %dma_wait3A_437 = arith.constant 0 : i32
        %dma_wait3A_438 = arith.constant 0 : i32
        %dma_wait3A_439 = tpu.memref_slice %arg4[%dma_wait3A_421, %dma_wait3A_436, %dma_wait3A_422, %dma_wait3A_437, %dma_wait3A_438] : memref<200x8x32x8x128xf32, #tpu.memory_space<hbm>> -> memref<1x8x1x8x128xf32, #tpu.memory_space<hbm>>
        %dma_wait3A_440 = tpu.memref_squeeze %dma_wait3A_439 : memref<1x8x1x8x128xf32, #tpu.memory_space<hbm>> -> memref<8x8x128xf32, #tpu.memory_space<hbm>>
        tpu.wait_dma2 semaphore(%arg16 : memref<!tpu.dma_semaphore, #tpu.memory_space<semaphore_mem>>) src(%dma_wait3A_440 : memref<8x8x128xf32, #tpu.memory_space<hbm>>) dst(%dma_wait3A_435 : memref<8x8x128xf32, #tpu.memory_space<vmem>>)
      } else {
      }
      %add3A_88 = arith.constant 0 : i32
      %add3A_89 = vector.broadcast %add3A_88 : i32 to vector<16xi32>
      %add3A_90 = arith.addi %iota3A, %add3A_89 : vector<16xi32>
      %shift_right_arithmetic3A = arith.constant 3 : i32
      %shift_right_arithmetic3A_91 = vector.broadcast %shift_right_arithmetic3A : i32 to vector<16xi32>
      %shift_right_arithmetic3A_92 = arith.shrsi %add3A_90, %shift_right_arithmetic3A_91 : vector<16xi32>
      %and3A = arith.constant 7 : i32
      %and3A_93 = vector.broadcast %and3A : i32 to vector<16xi32>
      %and3A_94 = arith.andi %add3A_90, %and3A_93 : vector<16xi32>
      %parallel_loop3A = arith.constant 0 : i32
      %parallel_loop3A_95 = arith.constant 128 : i32
      %parallel_loop3A_96 = arith.constant 1 : i32
      scf.for %parallel_loop3A_421 = %parallel_loop3A to %parallel_loop3A_95 step %parallel_loop3A_96  : i32 {
        %parallel_loop3A_422 = arith.index_cast %parallel_loop3A_421 : i32 to index
        %parallel_loop3A_423 = arith.constant 0 : index
        %parallel_loop3A_424 = tpu.vector_load %arg6[%parallel_loop3A_422, %parallel_loop3A_423] {strides = array<i32>} : memref<128x64xf32, #tpu.memory_space<vmem>>, vector<16xf32>,
        %parallel_loop3A_425 = vector.broadcast %parallel_loop3A_421 : i32 to vector<16xi32>
        %parallel_loop3A_426 = arith.constant 8.000000e+00 : f32
        %parallel_loop3A_427 = vector.broadcast %parallel_loop3A_426 : f32 to vector<16xf32>
        %parallel_loop3A_428 = arith.mulf %parallel_loop3A_424, %parallel_loop3A_427 : vector<16xf32>
        tpu.vector_store_idx %arg10[%shift_right_arithmetic3A_92, %and3A_94, %parallel_loop3A_425], %parallel_loop3A_428 : memref<8x8x129xf32, #tpu.memory_space<vmem>>[vector<16xi32>, vector<16xi32>, vector<16xi32>], vector<16xf32>,
      } {sc.loop_unroll_factor = 8 : i64, sc.parallel_access}
      %add3A_97 = arith.constant 16 : i32
      %add3A_98 = vector.broadcast %add3A_97 : i32 to vector<16xi32>
      %add3A_99 = arith.addi %iota3A, %add3A_98 : vector<16xi32>
      %shift_right_arithmetic3A_100 = arith.constant 3 : i32
      %shift_right_arithmetic3A_101 = vector.broadcast %shift_right_arithmetic3A_100 : i32 to vector<16xi32>
      %shift_right_arithmetic3A_102 = arith.shrsi %add3A_99, %shift_right_arithmetic3A_101 : vector<16xi32>
      %and3A_103 = arith.constant 7 : i32
      %and3A_104 = vector.broadcast %and3A_103 : i32 to vector<16xi32>
      %and3A_105 = arith.andi %add3A_99, %and3A_104 : vector<16xi32>
      %parallel_loop3A_106 = arith.constant 0 : i32
      %parallel_loop3A_107 = arith.constant 128 : i32
      %parallel_loop3A_108 = arith.constant 1 : i32
      scf.for %parallel_loop3A_421 = %parallel_loop3A_106 to %parallel_loop3A_107 step %parallel_loop3A_108  : i32 {
        %parallel_loop3A_422 = arith.index_cast %parallel_loop3A_421 : i32 to index
        %parallel_loop3A_423 = arith.constant 16 : index
        %parallel_loop3A_424 = tpu.vector_load %arg6[%parallel_loop3A_422, %parallel_loop3A_423] {strides = array<i32>} : memref<128x64xf32, #tpu.memory_space<vmem>>, vector<16xf32>,
        %parallel_loop3A_425 = vector.broadcast %parallel_loop3A_421 : i32 to vector<16xi32>
        %parallel_loop3A_426 = arith.constant 8.000000e+00 : f32
        %parallel_loop3A_427 = vector.broadcast %parallel_loop3A_426 : f32 to vector<16xf32>
        %parallel_loop3A_428 = arith.mulf %parallel_loop3A_424, %parallel_loop3A_427 : vector<16xf32>
        tpu.vector_store_idx %arg10[%shift_right_arithmetic3A_102, %and3A_105, %parallel_loop3A_425], %parallel_loop3A_428 : memref<8x8x129xf32, #tpu.memory_space<vmem>>[vector<16xi32>, vector<16xi32>, vector<16xi32>], vector<16xf32>,
      } {sc.loop_unroll_factor = 8 : i64, sc.parallel_access}
      %add3A_109 = arith.constant 32 : i32
      %add3A_110 = vector.broadcast %add3A_109 : i32 to vector<16xi32>
      %add3A_111 = arith.addi %iota3A, %add3A_110 : vector<16xi32>
      %shift_right_arithmetic3A_112 = arith.constant 3 : i32
      %shift_right_arithmetic3A_113 = vector.broadcast %shift_right_arithmetic3A_112 : i32 to vector<16xi32>
      %shift_right_arithmetic3A_114 = arith.shrsi %add3A_111, %shift_right_arithmetic3A_113 : vector<16xi32>
      %and3A_115 = arith.constant 7 : i32
      %and3A_116 = vector.broadcast %and3A_115 : i32 to vector<16xi32>
      %and3A_117 = arith.andi %add3A_111, %and3A_116 : vector<16xi32>
      %parallel_loop3A_118 = arith.constant 0 : i32
      %parallel_loop3A_119 = arith.constant 128 : i32
      %parallel_loop3A_120 = arith.constant 1 : i32
      scf.for %parallel_loop3A_421 = %parallel_loop3A_118 to %parallel_loop3A_119 step %parallel_loop3A_120  : i32 {
        %parallel_loop3A_422 = arith.index_cast %parallel_loop3A_421 : i32 to index
        %parallel_loop3A_423 = arith.constant 32 : index
        %parallel_loop3A_424 = tpu.vector_load %arg6[%parallel_loop3A_422, %parallel_loop3A_423] {strides = array<i32>} : memref<128x64xf32, #tpu.memory_space<vmem>>, vector<16xf32>,
        %parallel_loop3A_425 = vector.broadcast %parallel_loop3A_421 : i32 to vector<16xi32>
        %parallel_loop3A_426 = arith.constant 8.000000e+00 : f32
        %parallel_loop3A_427 = vector.broadcast %parallel_loop3A_426 : f32 to vector<16xf32>
        %parallel_loop3A_428 = arith.mulf %parallel_loop3A_424, %parallel_loop3A_427 : vector<16xf32>
        tpu.vector_store_idx %arg10[%shift_right_arithmetic3A_114, %and3A_117, %parallel_loop3A_425], %parallel_loop3A_428 : memref<8x8x129xf32, #tpu.memory_space<vmem>>[vector<16xi32>, vector<16xi32>, vector<16xi32>], vector<16xf32>,
      } {sc.loop_unroll_factor = 8 : i64, sc.parallel_access}
      %add3A_121 = arith.constant 48 : i32
      %add3A_122 = vector.broadcast %add3A_121 : i32 to vector<16xi32>
      %add3A_123 = arith.addi %iota3A, %add3A_122 : vector<16xi32>
      %shift_right_arithmetic3A_124 = arith.constant 3 : i32
      %shift_right_arithmetic3A_125 = vector.broadcast %shift_right_arithmetic3A_124 : i32 to vector<16xi32>
      %shift_right_arithmetic3A_126 = arith.shrsi %add3A_123, %shift_right_arithmetic3A_125 : vector<16xi32>
      %and3A_127 = arith.constant 7 : i32
      %and3A_128 = vector.broadcast %and3A_127 : i32 to vector<16xi32>
      %and3A_129 = arith.andi %add3A_123, %and3A_128 : vector<16xi32>
      %parallel_loop3A_130 = arith.constant 0 : i32
      %parallel_loop3A_131 = arith.constant 128 : i32
      %parallel_loop3A_132 = arith.constant 1 : i32
      scf.for %parallel_loop3A_421 = %parallel_loop3A_130 to %parallel_loop3A_131 step %parallel_loop3A_132  : i32 {
        %parallel_loop3A_422 = arith.index_cast %parallel_loop3A_421 : i32 to index
        %parallel_loop3A_423 = arith.constant 48 : index
        %parallel_loop3A_424 = tpu.vector_load %arg6[%parallel_loop3A_422, %parallel_loop3A_423] {strides = array<i32>} : memref<128x64xf32, #tpu.memory_space<vmem>>, vector<16xf32>,
        %parallel_loop3A_425 = vector.broadcast %parallel_loop3A_421 : i32 to vector<16xi32>
        %parallel_loop3A_426 = arith.constant 8.000000e+00 : f32
        %parallel_loop3A_427 = vector.broadcast %parallel_loop3A_426 : f32 to vector<16xf32>
        %parallel_loop3A_428 = arith.mulf %parallel_loop3A_424, %parallel_loop3A_427 : vector<16xf32>
        tpu.vector_store_idx %arg10[%shift_right_arithmetic3A_126, %and3A_129, %parallel_loop3A_425], %parallel_loop3A_428 : memref<8x8x129xf32, #tpu.memory_space<vmem>>[vector<16xi32>, vector<16xi32>, vector<16xi32>], vector<16xf32>,
      } {sc.loop_unroll_factor = 8 : i64, sc.parallel_access}
      %dma_start3A_133 = arith.constant 0 : i32
      %dma_start3A_134 = arith.constant 0 : i32
      %dma_start3A_135 = arith.constant 0 : i32
      %dma_start3A_136 = tpu.memref_slice %arg10[%dma_start3A_133, %dma_start3A_134, %dma_start3A_135] : memref<8x8x129xf32, #tpu.memory_space<vmem>> -> memref<8x8x128xf32, #tpu.memory_space<vmem>>
      %dma_start3A_137 = arith.constant 0 : i32
      %dma_start3A_138 = arith.constant 0 : i32
      %dma_start3A_139 = arith.constant 0 : i32
      %dma_start3A_140 = tpu.memref_slice %arg4[%add3A_72, %dma_start3A_137, %add3A, %dma_start3A_138, %dma_start3A_139] : memref<200x8x32x8x128xf32, #tpu.memory_space<hbm>> -> memref<1x8x1x8x128xf32, #tpu.memory_space<hbm>>
      %dma_start3A_141 = tpu.memref_squeeze %dma_start3A_140 : memref<1x8x1x8x128xf32, #tpu.memory_space<hbm>> -> memref<8x8x128xf32, #tpu.memory_space<hbm>>
      %dma_start3A_142 = arith.constant 0 : i32
      %dma_start3A_143 = arith.constant 0 : i32
      %dma_start3A_144 = arith.constant 0 : i32
      %dma_start3A_145 = tpu.memref_slice %arg4[%add3A_72, %dma_start3A_142, %add3A, %dma_start3A_143, %dma_start3A_144] : memref<200x8x32x8x128xf32, #tpu.memory_space<hbm>> -> memref<1x8x1x8x128xf32, #tpu.memory_space<hbm>>
      %dma_start3A_146 = tpu.memref_squeeze %dma_start3A_145 : memref<1x8x1x8x128xf32, #tpu.memory_space<hbm>> -> memref<8x8x128xf32, #tpu.memory_space<hbm>>
      %dma_start3A_147 = arith.constant 0 : i32
      %dma_start3A_148 = arith.constant 0 : i32
      %dma_start3A_149 = arith.constant 0 : i32
      %dma_start3A_150 = tpu.memref_slice %arg10[%dma_start3A_147, %dma_start3A_148, %dma_start3A_149] : memref<8x8x129xf32, #tpu.memory_space<vmem>> -> memref<8x8x128xf32, #tpu.memory_space<vmem>>
      tpu.enqueue_dma source(%dma_start3A_150 : memref<8x8x128xf32, #tpu.memory_space<vmem>>) target(%dma_start3A_146 : memref<8x8x128xf32, #tpu.memory_space<hbm>>) target_semaphore(%arg16 : memref<!tpu.dma_semaphore, #tpu.memory_space<semaphore_mem>>)
      %mul3A_151 = arith.constant 4 : i32
      %mul3A_152 = arith.muli %scan3A_68, %mul3A_151 : i32
      %add3A_153 = arith.constant 1 : i32
      %add3A_154 = arith.addi %mul3A_152, %add3A_153 : i32
      %add3A_155 = arith.constant 4 : i32
      %add3A_156 = arith.addi %add3A_154, %add3A_155 : i32
      %sub3A_157 = arith.constant 1 : i32
      %sub3A_158 = arith.subi %add3A_156, %sub3A_157 : i32
      %lt3A_159 = arith.constant 200 : i32
      %lt3A_160 = arith.cmpi slt, %sub3A_158, %lt3A_159 : i32
      %convert_element_type3A_161 = arith.extui %lt3A_160 : i1 to i32
      %cond3A_162 = arith.constant 0 : i32
      %cond3A_163 = arith.cmpi ne, %convert_element_type3A_161, %cond3A_162 : i32
      scf.if %cond3A_163 {
        %add3A_421 = arith.constant 4 : i32
        %add3A_422 = arith.addi %add3A_154, %add3A_421 : i32
        %sub3A_423 = arith.constant 1 : i32
        %sub3A_424 = arith.subi %add3A_422, %sub3A_423 : i32
        %jit3A = arith.constant 8 : i32
        %div3A = arith.divsi %sub3A_424, %jit3A : i32
        %sign3A = arith.constant 0 : i32
        %sign3A_425 = arith.cmpi sgt, %sub3A_424, %sign3A : i32
        %sign3A_426 = arith.extui %sign3A_425 : i1 to i32
        %sign3A_427 = arith.constant 0 : i32
        %sign3A_428 = arith.cmpi slt, %sub3A_424, %sign3A_427 : i32
        %sign3A_429 = arith.extui %sign3A_428 : i1 to i32
        %sign3A_430 = arith.subi %sign3A_426, %sign3A_429 : i32
        %sign3A_431 = arith.constant 0 : i32
        %sign3A_432 = arith.cmpi sgt, %jit3A, %sign3A_431 : i32
        %sign3A_433 = arith.extui %sign3A_432 : i1 to i32
        %sign3A_434 = arith.constant 0 : i32
        %sign3A_435 = arith.cmpi slt, %jit3A, %sign3A_434 : i32
        %sign3A_436 = arith.extui %sign3A_435 : i1 to i32
        %sign3A_437 = arith.subi %sign3A_433, %sign3A_436 : i32
        %ne3A = arith.cmpi ne, %sign3A_430, %sign3A_437 : i32
        %rem3A = arith.remsi %sub3A_424, %jit3A : i32
        %ne3A_438 = arith.constant 0 : i32
        %ne3A_439 = arith.cmpi ne, %rem3A, %ne3A_438 : i32
        %and3A_440 = arith.andi %ne3A, %ne3A_439 : i1
        %sub3A_441 = arith.constant 1 : i32
        %sub3A_442 = arith.subi %div3A, %sub3A_441 : i32
        %select_n3A = arith.select %and3A_440, %sub3A_442, %div3A : i32
        %jit3A_443 = arith.constant 8 : i32
        %eq3A = arith.constant 0 : i32
        %eq3A_444 = arith.cmpi eq, %jit3A_443, %eq3A : i32
        %jit3A_445 = arith.constant 1 : i32
        %select_n3A_446 = arith.select %eq3A_444, %jit3A_445, %jit3A_443 : i32
        %rem3A_447 = arith.remsi %sub3A_424, %select_n3A_446 : i32
        %ne3A_448 = arith.constant 0 : i32
        %ne3A_449 = arith.cmpi ne, %rem3A_447, %ne3A_448 : i32
        %lt3A_450 = arith.constant 0 : i32
        %lt3A_451 = arith.cmpi slt, %rem3A_447, %lt3A_450 : i32
        %lt3A_452 = arith.constant 0 : i32
        %lt3A_453 = arith.cmpi slt, %select_n3A_446, %lt3A_452 : i32
        %ne3A_454 = arith.xori %lt3A_451, %lt3A_453 : i1
        %and3A_455 = arith.andi %ne3A_454, %ne3A_449 : i1
        %add3A_456 = arith.addi %rem3A_447, %select_n3A_446 : i32
        %select_n3A_457 = arith.select %and3A_455, %add3A_456, %rem3A_447 : i32
        %dma_start3A_458 = arith.constant 0 : i32
        %dma_start3A_459 = tpu.memref_slice %arg5[%select_n3A, %select_n3A_457, %dma_start3A_458] : memref<25x8x128xi32, #tpu.memory_space<vmem>> -> memref<1x1x128xi32, #tpu.memory_space<vmem>>
        %dma_start3A_460 = tpu.memref_squeeze %dma_start3A_459 : memref<1x1x128xi32, #tpu.memory_space<vmem>> -> memref<128xi32, #tpu.memory_space<vmem>>
        %dma_start3A_461 = arith.constant 0 : i32
        %dma_start3A_462 = arith.constant 0 : i32
        %dma_start3A_463 = tpu.memref_slice %arg3[%dma_start3A_461, %dma_start3A_462] : memref<1000000x64xf32, #tpu.memory_space<hbm>> -> memref<1000000x64xf32, #tpu.memory_space<hbm>>
        tpu.enqueue_indirect_dma source(%dma_start3A_463 : memref<1000000x64xf32, #tpu.memory_space<hbm>>) target(%arg6 : memref<128x64xf32, #tpu.memory_space<vmem>>) offsets(%dma_start3A_460 : memref<128xi32, #tpu.memory_space<vmem>>) semaphore(%arg12 : memref<!tpu.dma_semaphore, #tpu.memory_space<semaphore_mem>>)
      } else {
      }
      %dma_wait3A_164 = arith.constant 0 : i32
      %dma_wait3A_165 = arith.constant 0 : i32
      %dma_wait3A_166 = tpu.memref_slice %arg3[%dma_wait3A_164, %dma_wait3A_165] : memref<1000000x64xf32, #tpu.memory_space<hbm>> -> memref<128x64xf32, #tpu.memory_space<hbm>>
      %dma_wait3A_167 = arith.constant 0 : i32
      %dma_wait3A_168 = arith.constant 0 : i32
      %dma_wait3A_169 = tpu.memref_slice %arg3[%dma_wait3A_167, %dma_wait3A_168] : memref<1000000x64xf32, #tpu.memory_space<hbm>> -> memref<128x64xf32, #tpu.memory_space<hbm>>
      tpu.wait_dma2 semaphore(%arg13 : memref<!tpu.dma_semaphore, #tpu.memory_space<semaphore_mem>>) src(%dma_wait3A_169 : memref<128x64xf32, #tpu.memory_space<hbm>>) dst(%arg7 : memref<128x64xf32, #tpu.memory_space<vmem>>)
      %ge3A_170 = arith.constant 2 : i32
      %ge3A_171 = arith.cmpi sge, %add3A_154, %ge3A_170 : i32
      %convert_element_type3A_172 = arith.extui %ge3A_171 : i1 to i32
      %cond3A_173 = arith.constant 0 : i32
      %cond3A_174 = arith.cmpi ne, %convert_element_type3A_172, %cond3A_173 : i32
      scf.if %cond3A_174 {
        %dma_wait3A_421 = arith.constant 0 : i32
        %dma_wait3A_422 = arith.constant 0 : i32
        %dma_wait3A_423 = arith.constant 0 : i32
        %dma_wait3A_424 = arith.constant 0 : i32
        %dma_wait3A_425 = arith.constant 0 : i32
        %dma_wait3A_426 = tpu.memref_slice %arg11[%dma_wait3A_423, %dma_wait3A_424, %dma_wait3A_425] : memref<8x8x129xf32, #tpu.memory_space<vmem>> -> memref<8x8x128xf32, #tpu.memory_space<vmem>>
        %dma_wait3A_427 = arith.constant 0 : i32
        %dma_wait3A_428 = arith.constant 0 : i32
        %dma_wait3A_429 = arith.constant 0 : i32
        %dma_wait3A_430 = tpu.memref_slice %arg4[%dma_wait3A_421, %dma_wait3A_427, %dma_wait3A_422, %dma_wait3A_428, %dma_wait3A_429] : memref<200x8x32x8x128xf32, #tpu.memory_space<hbm>> -> memref<1x8x1x8x128xf32, #tpu.memory_space<hbm>>
        %dma_wait3A_431 = tpu.memref_squeeze %dma_wait3A_430 : memref<1x8x1x8x128xf32, #tpu.memory_space<hbm>> -> memref<8x8x128xf32, #tpu.memory_space<hbm>>
        %dma_wait3A_432 = arith.constant 0 : i32
        %dma_wait3A_433 = arith.constant 0 : i32
        %dma_wait3A_434 = arith.constant 0 : i32
        %dma_wait3A_435 = tpu.memref_slice %arg11[%dma_wait3A_432, %dma_wait3A_433, %dma_wait3A_434] : memref<8x8x129xf32, #tpu.memory_space<vmem>> -> memref<8x8x128xf32, #tpu.memory_space<vmem>>
        %dma_wait3A_436 = arith.constant 0 : i32
        %dma_wait3A_437 = arith.constant 0 : i32
        %dma_wait3A_438 = arith.constant 0 : i32
        %dma_wait3A_439 = tpu.memref_slice %arg4[%dma_wait3A_421, %dma_wait3A_436, %dma_wait3A_422, %dma_wait3A_437, %dma_wait3A_438] : memref<200x8x32x8x128xf32, #tpu.memory_space<hbm>> -> memref<1x8x1x8x128xf32, #tpu.memory_space<hbm>>
        %dma_wait3A_440 = tpu.memref_squeeze %dma_wait3A_439 : memref<1x8x1x8x128xf32, #tpu.memory_space<hbm>> -> memref<8x8x128xf32, #tpu.memory_space<hbm>>
        tpu.wait_dma2 semaphore(%arg17 : memref<!tpu.dma_semaphore, #tpu.memory_space<semaphore_mem>>) src(%dma_wait3A_440 : memref<8x8x128xf32, #tpu.memory_space<hbm>>) dst(%dma_wait3A_435 : memref<8x8x128xf32, #tpu.memory_space<vmem>>)
      } else {
      }
      %add3A_175 = arith.constant 0 : i32
      %add3A_176 = vector.broadcast %add3A_175 : i32 to vector<16xi32>
      %add3A_177 = arith.addi %iota3A, %add3A_176 : vector<16xi32>
      %shift_right_arithmetic3A_178 = arith.constant 3 : i32
      %shift_right_arithmetic3A_179 = vector.broadcast %shift_right_arithmetic3A_178 : i32 to vector<16xi32>
      %shift_right_arithmetic3A_180 = arith.shrsi %add3A_177, %shift_right_arithmetic3A_179 : vector<16xi32>
      %and3A_181 = arith.constant 7 : i32
      %and3A_182 = vector.broadcast %and3A_181 : i32 to vector<16xi32>
      %and3A_183 = arith.andi %add3A_177, %and3A_182 : vector<16xi32>
      %parallel_loop3A_184 = arith.constant 0 : i32
      %parallel_loop3A_185 = arith.constant 128 : i32
      %parallel_loop3A_186 = arith.constant 1 : i32
      scf.for %parallel_loop3A_421 = %parallel_loop3A_184 to %parallel_loop3A_185 step %parallel_loop3A_186  : i32 {
        %parallel_loop3A_422 = arith.index_cast %parallel_loop3A_421 : i32 to index
        %parallel_loop3A_423 = arith.constant 0 : index
        %parallel_loop3A_424 = tpu.vector_load %arg7[%parallel_loop3A_422, %parallel_loop3A_423] {strides = array<i32>} : memref<128x64xf32, #tpu.memory_space<vmem>>, vector<16xf32>,
        %parallel_loop3A_425 = vector.broadcast %parallel_loop3A_421 : i32 to vector<16xi32>
        %parallel_loop3A_426 = arith.constant 8.000000e+00 : f32
        %parallel_loop3A_427 = vector.broadcast %parallel_loop3A_426 : f32 to vector<16xf32>
        %parallel_loop3A_428 = arith.mulf %parallel_loop3A_424, %parallel_loop3A_427 : vector<16xf32>
        tpu.vector_store_idx %arg11[%shift_right_arithmetic3A_180, %and3A_183, %parallel_loop3A_425], %parallel_loop3A_428 : memref<8x8x129xf32, #tpu.memory_space<vmem>>[vector<16xi32>, vector<16xi32>, vector<16xi32>], vector<16xf32>,
      } {sc.loop_unroll_factor = 8 : i64, sc.parallel_access}
      %add3A_187 = arith.constant 16 : i32
      %add3A_188 = vector.broadcast %add3A_187 : i32 to vector<16xi32>
      %add3A_189 = arith.addi %iota3A, %add3A_188 : vector<16xi32>
      %shift_right_arithmetic3A_190 = arith.constant 3 : i32
      %shift_right_arithmetic3A_191 = vector.broadcast %shift_right_arithmetic3A_190 : i32 to vector<16xi32>
      %shift_right_arithmetic3A_192 = arith.shrsi %add3A_189, %shift_right_arithmetic3A_191 : vector<16xi32>
      %and3A_193 = arith.constant 7 : i32
      %and3A_194 = vector.broadcast %and3A_193 : i32 to vector<16xi32>
      %and3A_195 = arith.andi %add3A_189, %and3A_194 : vector<16xi32>
      %parallel_loop3A_196 = arith.constant 0 : i32
      %parallel_loop3A_197 = arith.constant 128 : i32
      %parallel_loop3A_198 = arith.constant 1 : i32
      scf.for %parallel_loop3A_421 = %parallel_loop3A_196 to %parallel_loop3A_197 step %parallel_loop3A_198  : i32 {
        %parallel_loop3A_422 = arith.index_cast %parallel_loop3A_421 : i32 to index
        %parallel_loop3A_423 = arith.constant 16 : index
        %parallel_loop3A_424 = tpu.vector_load %arg7[%parallel_loop3A_422, %parallel_loop3A_423] {strides = array<i32>} : memref<128x64xf32, #tpu.memory_space<vmem>>, vector<16xf32>,
        %parallel_loop3A_425 = vector.broadcast %parallel_loop3A_421 : i32 to vector<16xi32>
        %parallel_loop3A_426 = arith.constant 8.000000e+00 : f32
        %parallel_loop3A_427 = vector.broadcast %parallel_loop3A_426 : f32 to vector<16xf32>
        %parallel_loop3A_428 = arith.mulf %parallel_loop3A_424, %parallel_loop3A_427 : vector<16xf32>
        tpu.vector_store_idx %arg11[%shift_right_arithmetic3A_192, %and3A_195, %parallel_loop3A_425], %parallel_loop3A_428 : memref<8x8x129xf32, #tpu.memory_space<vmem>>[vector<16xi32>, vector<16xi32>, vector<16xi32>], vector<16xf32>,
      } {sc.loop_unroll_factor = 8 : i64, sc.parallel_access}
      %add3A_199 = arith.constant 32 : i32
      %add3A_200 = vector.broadcast %add3A_199 : i32 to vector<16xi32>
      %add3A_201 = arith.addi %iota3A, %add3A_200 : vector<16xi32>
      %shift_right_arithmetic3A_202 = arith.constant 3 : i32
      %shift_right_arithmetic3A_203 = vector.broadcast %shift_right_arithmetic3A_202 : i32 to vector<16xi32>
      %shift_right_arithmetic3A_204 = arith.shrsi %add3A_201, %shift_right_arithmetic3A_203 : vector<16xi32>
      %and3A_205 = arith.constant 7 : i32
      %and3A_206 = vector.broadcast %and3A_205 : i32 to vector<16xi32>
      %and3A_207 = arith.andi %add3A_201, %and3A_206 : vector<16xi32>
      %parallel_loop3A_208 = arith.constant 0 : i32
      %parallel_loop3A_209 = arith.constant 128 : i32
      %parallel_loop3A_210 = arith.constant 1 : i32
      scf.for %parallel_loop3A_421 = %parallel_loop3A_208 to %parallel_loop3A_209 step %parallel_loop3A_210  : i32 {
        %parallel_loop3A_422 = arith.index_cast %parallel_loop3A_421 : i32 to index
        %parallel_loop3A_423 = arith.constant 32 : index
        %parallel_loop3A_424 = tpu.vector_load %arg7[%parallel_loop3A_422, %parallel_loop3A_423] {strides = array<i32>} : memref<128x64xf32, #tpu.memory_space<vmem>>, vector<16xf32>,
        %parallel_loop3A_425 = vector.broadcast %parallel_loop3A_421 : i32 to vector<16xi32>
        %parallel_loop3A_426 = arith.constant 8.000000e+00 : f32
        %parallel_loop3A_427 = vector.broadcast %parallel_loop3A_426 : f32 to vector<16xf32>
        %parallel_loop3A_428 = arith.mulf %parallel_loop3A_424, %parallel_loop3A_427 : vector<16xf32>
        tpu.vector_store_idx %arg11[%shift_right_arithmetic3A_204, %and3A_207, %parallel_loop3A_425], %parallel_loop3A_428 : memref<8x8x129xf32, #tpu.memory_space<vmem>>[vector<16xi32>, vector<16xi32>, vector<16xi32>], vector<16xf32>,
      } {sc.loop_unroll_factor = 8 : i64, sc.parallel_access}
      %add3A_211 = arith.constant 48 : i32
      %add3A_212 = vector.broadcast %add3A_211 : i32 to vector<16xi32>
      %add3A_213 = arith.addi %iota3A, %add3A_212 : vector<16xi32>
      %shift_right_arithmetic3A_214 = arith.constant 3 : i32
      %shift_right_arithmetic3A_215 = vector.broadcast %shift_right_arithmetic3A_214 : i32 to vector<16xi32>
      %shift_right_arithmetic3A_216 = arith.shrsi %add3A_213, %shift_right_arithmetic3A_215 : vector<16xi32>
      %and3A_217 = arith.constant 7 : i32
      %and3A_218 = vector.broadcast %and3A_217 : i32 to vector<16xi32>
      %and3A_219 = arith.andi %add3A_213, %and3A_218 : vector<16xi32>
      %parallel_loop3A_220 = arith.constant 0 : i32
      %parallel_loop3A_221 = arith.constant 128 : i32
      %parallel_loop3A_222 = arith.constant 1 : i32
      scf.for %parallel_loop3A_421 = %parallel_loop3A_220 to %parallel_loop3A_221 step %parallel_loop3A_222  : i32 {
        %parallel_loop3A_422 = arith.index_cast %parallel_loop3A_421 : i32 to index
        %parallel_loop3A_423 = arith.constant 48 : index
        %parallel_loop3A_424 = tpu.vector_load %arg7[%parallel_loop3A_422, %parallel_loop3A_423] {strides = array<i32>} : memref<128x64xf32, #tpu.memory_space<vmem>>, vector<16xf32>,
        %parallel_loop3A_425 = vector.broadcast %parallel_loop3A_421 : i32 to vector<16xi32>
        %parallel_loop3A_426 = arith.constant 8.000000e+00 : f32
        %parallel_loop3A_427 = vector.broadcast %parallel_loop3A_426 : f32 to vector<16xf32>
        %parallel_loop3A_428 = arith.mulf %parallel_loop3A_424, %parallel_loop3A_427 : vector<16xf32>
        tpu.vector_store_idx %arg11[%shift_right_arithmetic3A_216, %and3A_219, %parallel_loop3A_425], %parallel_loop3A_428 : memref<8x8x129xf32, #tpu.memory_space<vmem>>[vector<16xi32>, vector<16xi32>, vector<16xi32>], vector<16xf32>,
      } {sc.loop_unroll_factor = 8 : i64, sc.parallel_access}
      %dma_start3A_223 = arith.constant 0 : i32
      %dma_start3A_224 = arith.constant 0 : i32
      %dma_start3A_225 = arith.constant 0 : i32
      %dma_start3A_226 = tpu.memref_slice %arg11[%dma_start3A_223, %dma_start3A_224, %dma_start3A_225] : memref<8x8x129xf32, #tpu.memory_space<vmem>> -> memref<8x8x128xf32, #tpu.memory_space<vmem>>
      %dma_start3A_227 = arith.constant 0 : i32
      %dma_start3A_228 = arith.constant 0 : i32
      %dma_start3A_229 = arith.constant 0 : i32
      %dma_start3A_230 = tpu.memref_slice %arg4[%add3A_154, %dma_start3A_227, %add3A, %dma_start3A_228, %dma_start3A_229] : memref<200x8x32x8x128xf32, #tpu.memory_space<hbm>> -> memref<1x8x1x8x128xf32, #tpu.memory_space<hbm>>
      %dma_start3A_231 = tpu.memref_squeeze %dma_start3A_230 : memref<1x8x1x8x128xf32, #tpu.memory_space<hbm>> -> memref<8x8x128xf32, #tpu.memory_space<hbm>>
      %dma_start3A_232 = arith.constant 0 : i32
      %dma_start3A_233 = arith.constant 0 : i32
      %dma_start3A_234 = arith.constant 0 : i32
      %dma_start3A_235 = tpu.memref_slice %arg4[%add3A_154, %dma_start3A_232, %add3A, %dma_start3A_233, %dma_start3A_234] : memref<200x8x32x8x128xf32, #tpu.memory_space<hbm>> -> memref<1x8x1x8x128xf32, #tpu.memory_space<hbm>>
      %dma_start3A_236 = tpu.memref_squeeze %dma_start3A_235 : memref<1x8x1x8x128xf32, #tpu.memory_space<hbm>> -> memref<8x8x128xf32, #tpu.memory_space<hbm>>
      %dma_start3A_237 = arith.constant 0 : i32
      %dma_start3A_238 = arith.constant 0 : i32
      %dma_start3A_239 = arith.constant 0 : i32
      %dma_start3A_240 = tpu.memref_slice %arg11[%dma_start3A_237, %dma_start3A_238, %dma_start3A_239] : memref<8x8x129xf32, #tpu.memory_space<vmem>> -> memref<8x8x128xf32, #tpu.memory_space<vmem>>
      tpu.enqueue_dma source(%dma_start3A_240 : memref<8x8x128xf32, #tpu.memory_space<vmem>>) target(%dma_start3A_236 : memref<8x8x128xf32, #tpu.memory_space<hbm>>) target_semaphore(%arg17 : memref<!tpu.dma_semaphore, #tpu.memory_space<semaphore_mem>>)
      %mul3A_241 = arith.constant 4 : i32
      %mul3A_242 = arith.muli %scan3A_68, %mul3A_241 : i32
      %add3A_243 = arith.constant 2 : i32
      %add3A_244 = arith.addi %mul3A_242, %add3A_243 : i32
      %add3A_245 = arith.constant 4 : i32
      %add3A_246 = arith.addi %add3A_244, %add3A_245 : i32
      %sub3A_247 = arith.constant 1 : i32
      %sub3A_248 = arith.subi %add3A_246, %sub3A_247 : i32
      %lt3A_249 = arith.constant 200 : i32
      %lt3A_250 = arith.cmpi slt, %sub3A_248, %lt3A_249 : i32
      %convert_element_type3A_251 = arith.extui %lt3A_250 : i1 to i32
      %cond3A_252 = arith.constant 0 : i32
      %cond3A_253 = arith.cmpi ne, %convert_element_type3A_251, %cond3A_252 : i32
      scf.if %cond3A_253 {
        %add3A_421 = arith.constant 4 : i32
        %add3A_422 = arith.addi %add3A_244, %add3A_421 : i32
        %sub3A_423 = arith.constant 1 : i32
        %sub3A_424 = arith.subi %add3A_422, %sub3A_423 : i32
        %jit3A = arith.constant 8 : i32
        %div3A = arith.divsi %sub3A_424, %jit3A : i32
        %sign3A = arith.constant 0 : i32
        %sign3A_425 = arith.cmpi sgt, %sub3A_424, %sign3A : i32
        %sign3A_426 = arith.extui %sign3A_425 : i1 to i32
        %sign3A_427 = arith.constant 0 : i32
        %sign3A_428 = arith.cmpi slt, %sub3A_424, %sign3A_427 : i32
        %sign3A_429 = arith.extui %sign3A_428 : i1 to i32
        %sign3A_430 = arith.subi %sign3A_426, %sign3A_429 : i32
        %sign3A_431 = arith.constant 0 : i32
        %sign3A_432 = arith.cmpi sgt, %jit3A, %sign3A_431 : i32
        %sign3A_433 = arith.extui %sign3A_432 : i1 to i32
        %sign3A_434 = arith.constant 0 : i32
        %sign3A_435 = arith.cmpi slt, %jit3A, %sign3A_434 : i32
        %sign3A_436 = arith.extui %sign3A_435 : i1 to i32
        %sign3A_437 = arith.subi %sign3A_433, %sign3A_436 : i32
        %ne3A = arith.cmpi ne, %sign3A_430, %sign3A_437 : i32
        %rem3A = arith.remsi %sub3A_424, %jit3A : i32
        %ne3A_438 = arith.constant 0 : i32
        %ne3A_439 = arith.cmpi ne, %rem3A, %ne3A_438 : i32
        %and3A_440 = arith.andi %ne3A, %ne3A_439 : i1
        %sub3A_441 = arith.constant 1 : i32
        %sub3A_442 = arith.subi %div3A, %sub3A_441 : i32
        %select_n3A = arith.select %and3A_440, %sub3A_442, %div3A : i32
        %jit3A_443 = arith.constant 8 : i32
        %eq3A = arith.constant 0 : i32
        %eq3A_444 = arith.cmpi eq, %jit3A_443, %eq3A : i32
        %jit3A_445 = arith.constant 1 : i32
        %select_n3A_446 = arith.select %eq3A_444, %jit3A_445, %jit3A_443 : i32
        %rem3A_447 = arith.remsi %sub3A_424, %select_n3A_446 : i32
        %ne3A_448 = arith.constant 0 : i32
        %ne3A_449 = arith.cmpi ne, %rem3A_447, %ne3A_448 : i32
        %lt3A_450 = arith.constant 0 : i32
        %lt3A_451 = arith.cmpi slt, %rem3A_447, %lt3A_450 : i32
        %lt3A_452 = arith.constant 0 : i32
        %lt3A_453 = arith.cmpi slt, %select_n3A_446, %lt3A_452 : i32
        %ne3A_454 = arith.xori %lt3A_451, %lt3A_453 : i1
        %and3A_455 = arith.andi %ne3A_454, %ne3A_449 : i1
        %add3A_456 = arith.addi %rem3A_447, %select_n3A_446 : i32
        %select_n3A_457 = arith.select %and3A_455, %add3A_456, %rem3A_447 : i32
        %dma_start3A_458 = arith.constant 0 : i32
        %dma_start3A_459 = tpu.memref_slice %arg5[%select_n3A, %select_n3A_457, %dma_start3A_458] : memref<25x8x128xi32, #tpu.memory_space<vmem>> -> memref<1x1x128xi32, #tpu.memory_space<vmem>>
        %dma_start3A_460 = tpu.memref_squeeze %dma_start3A_459 : memref<1x1x128xi32, #tpu.memory_space<vmem>> -> memref<128xi32, #tpu.memory_space<vmem>>
        %dma_start3A_461 = arith.constant 0 : i32
        %dma_start3A_462 = arith.constant 0 : i32
        %dma_start3A_463 = tpu.memref_slice %arg3[%dma_start3A_461, %dma_start3A_462] : memref<1000000x64xf32, #tpu.memory_space<hbm>> -> memref<1000000x64xf32, #tpu.memory_space<hbm>>
        tpu.enqueue_indirect_dma source(%dma_start3A_463 : memref<1000000x64xf32, #tpu.memory_space<hbm>>) target(%arg7 : memref<128x64xf32, #tpu.memory_space<vmem>>) offsets(%dma_start3A_460 : memref<128xi32, #tpu.memory_space<vmem>>) semaphore(%arg13 : memref<!tpu.dma_semaphore, #tpu.memory_space<semaphore_mem>>)
      } else {
      }
      %dma_wait3A_254 = arith.constant 0 : i32
      %dma_wait3A_255 = arith.constant 0 : i32
      %dma_wait3A_256 = tpu.memref_slice %arg3[%dma_wait3A_254, %dma_wait3A_255] : memref<1000000x64xf32, #tpu.memory_space<hbm>> -> memref<128x64xf32, #tpu.memory_space<hbm>>
      %dma_wait3A_257 = arith.constant 0 : i32
      %dma_wait3A_258 = arith.constant 0 : i32
      %dma_wait3A_259 = tpu.memref_slice %arg3[%dma_wait3A_257, %dma_wait3A_258] : memref<1000000x64xf32, #tpu.memory_space<hbm>> -> memref<128x64xf32, #tpu.memory_space<hbm>>
      tpu.wait_dma2 semaphore(%arg14 : memref<!tpu.dma_semaphore, #tpu.memory_space<semaphore_mem>>) src(%dma_wait3A_259 : memref<128x64xf32, #tpu.memory_space<hbm>>) dst(%arg8 : memref<128x64xf32, #tpu.memory_space<vmem>>)
      %ge3A_260 = arith.constant 2 : i32
      %ge3A_261 = arith.cmpi sge, %add3A_244, %ge3A_260 : i32
      %convert_element_type3A_262 = arith.extui %ge3A_261 : i1 to i32
      %cond3A_263 = arith.constant 0 : i32
      %cond3A_264 = arith.cmpi ne, %convert_element_type3A_262, %cond3A_263 : i32
      scf.if %cond3A_264 {
        %dma_wait3A_421 = arith.constant 0 : i32
        %dma_wait3A_422 = arith.constant 0 : i32
        %dma_wait3A_423 = arith.constant 0 : i32
        %dma_wait3A_424 = arith.constant 0 : i32
        %dma_wait3A_425 = arith.constant 0 : i32
        %dma_wait3A_426 = tpu.memref_slice %arg10[%dma_wait3A_423, %dma_wait3A_424, %dma_wait3A_425] : memref<8x8x129xf32, #tpu.memory_space<vmem>> -> memref<8x8x128xf32, #tpu.memory_space<vmem>>
        %dma_wait3A_427 = arith.constant 0 : i32
        %dma_wait3A_428 = arith.constant 0 : i32
        %dma_wait3A_429 = arith.constant 0 : i32
        %dma_wait3A_430 = tpu.memref_slice %arg4[%dma_wait3A_421, %dma_wait3A_427, %dma_wait3A_422, %dma_wait3A_428, %dma_wait3A_429] : memref<200x8x32x8x128xf32, #tpu.memory_space<hbm>> -> memref<1x8x1x8x128xf32, #tpu.memory_space<hbm>>
        %dma_wait3A_431 = tpu.memref_squeeze %dma_wait3A_430 : memref<1x8x1x8x128xf32, #tpu.memory_space<hbm>> -> memref<8x8x128xf32, #tpu.memory_space<hbm>>
        %dma_wait3A_432 = arith.constant 0 : i32
        %dma_wait3A_433 = arith.constant 0 : i32
        %dma_wait3A_434 = arith.constant 0 : i32
        %dma_wait3A_435 = tpu.memref_slice %arg10[%dma_wait3A_432, %dma_wait3A_433, %dma_wait3A_434] : memref<8x8x129xf32, #tpu.memory_space<vmem>> -> memref<8x8x128xf32, #tpu.memory_space<vmem>>
        %dma_wait3A_436 = arith.constant 0 : i32
        %dma_wait3A_437 = arith.constant 0 : i32
        %dma_wait3A_438 = arith.constant 0 : i32
        %dma_wait3A_439 = tpu.memref_slice %arg4[%dma_wait3A_421, %dma_wait3A_436, %dma_wait3A_422, %dma_wait3A_437, %dma_wait3A_438] : memref<200x8x32x8x128xf32, #tpu.memory_space<hbm>> -> memref<1x8x1x8x128xf32, #tpu.memory_space<hbm>>
        %dma_wait3A_440 = tpu.memref_squeeze %dma_wait3A_439 : memref<1x8x1x8x128xf32, #tpu.memory_space<hbm>> -> memref<8x8x128xf32, #tpu.memory_space<hbm>>
        tpu.wait_dma2 semaphore(%arg16 : memref<!tpu.dma_semaphore, #tpu.memory_space<semaphore_mem>>) src(%dma_wait3A_440 : memref<8x8x128xf32, #tpu.memory_space<hbm>>) dst(%dma_wait3A_435 : memref<8x8x128xf32, #tpu.memory_space<vmem>>)
      } else {
      }
      %add3A_265 = arith.constant 0 : i32
      %add3A_266 = vector.broadcast %add3A_265 : i32 to vector<16xi32>
      %add3A_267 = arith.addi %iota3A, %add3A_266 : vector<16xi32>
      %shift_right_arithmetic3A_268 = arith.constant 3 : i32
      %shift_right_arithmetic3A_269 = vector.broadcast %shift_right_arithmetic3A_268 : i32 to vector<16xi32>
      %shift_right_arithmetic3A_270 = arith.shrsi %add3A_267, %shift_right_arithmetic3A_269 : vector<16xi32>
      %and3A_271 = arith.constant 7 : i32
      %and3A_272 = vector.broadcast %and3A_271 : i32 to vector<16xi32>
      %and3A_273 = arith.andi %add3A_267, %and3A_272 : vector<16xi32>
      %parallel_loop3A_274 = arith.constant 0 : i32
      %parallel_loop3A_275 = arith.constant 128 : i32
      %parallel_loop3A_276 = arith.constant 1 : i32
      scf.for %parallel_loop3A_421 = %parallel_loop3A_274 to %parallel_loop3A_275 step %parallel_loop3A_276  : i32 {
        %parallel_loop3A_422 = arith.index_cast %parallel_loop3A_421 : i32 to index
        %parallel_loop3A_423 = arith.constant 0 : index
        %parallel_loop3A_424 = tpu.vector_load %arg8[%parallel_loop3A_422, %parallel_loop3A_423] {strides = array<i32>} : memref<128x64xf32, #tpu.memory_space<vmem>>, vector<16xf32>,
        %parallel_loop3A_425 = vector.broadcast %parallel_loop3A_421 : i32 to vector<16xi32>
        %parallel_loop3A_426 = arith.constant 8.000000e+00 : f32
        %parallel_loop3A_427 = vector.broadcast %parallel_loop3A_426 : f32 to vector<16xf32>
        %parallel_loop3A_428 = arith.mulf %parallel_loop3A_424, %parallel_loop3A_427 : vector<16xf32>
        tpu.vector_store_idx %arg10[%shift_right_arithmetic3A_270, %and3A_273, %parallel_loop3A_425], %parallel_loop3A_428 : memref<8x8x129xf32, #tpu.memory_space<vmem>>[vector<16xi32>, vector<16xi32>, vector<16xi32>], vector<16xf32>,
      } {sc.loop_unroll_factor = 8 : i64, sc.parallel_access}
      %add3A_277 = arith.constant 16 : i32
      %add3A_278 = vector.broadcast %add3A_277 : i32 to vector<16xi32>
      %add3A_279 = arith.addi %iota3A, %add3A_278 : vector<16xi32>
      %shift_right_arithmetic3A_280 = arith.constant 3 : i32
      %shift_right_arithmetic3A_281 = vector.broadcast %shift_right_arithmetic3A_280 : i32 to vector<16xi32>
      %shift_right_arithmetic3A_282 = arith.shrsi %add3A_279, %shift_right_arithmetic3A_281 : vector<16xi32>
      %and3A_283 = arith.constant 7 : i32
      %and3A_284 = vector.broadcast %and3A_283 : i32 to vector<16xi32>
      %and3A_285 = arith.andi %add3A_279, %and3A_284 : vector<16xi32>
      %parallel_loop3A_286 = arith.constant 0 : i32
      %parallel_loop3A_287 = arith.constant 128 : i32
      %parallel_loop3A_288 = arith.constant 1 : i32
      scf.for %parallel_loop3A_421 = %parallel_loop3A_286 to %parallel_loop3A_287 step %parallel_loop3A_288  : i32 {
        %parallel_loop3A_422 = arith.index_cast %parallel_loop3A_421 : i32 to index
        %parallel_loop3A_423 = arith.constant 16 : index
        %parallel_loop3A_424 = tpu.vector_load %arg8[%parallel_loop3A_422, %parallel_loop3A_423] {strides = array<i32>} : memref<128x64xf32, #tpu.memory_space<vmem>>, vector<16xf32>,
        %parallel_loop3A_425 = vector.broadcast %parallel_loop3A_421 : i32 to vector<16xi32>
        %parallel_loop3A_426 = arith.constant 8.000000e+00 : f32
        %parallel_loop3A_427 = vector.broadcast %parallel_loop3A_426 : f32 to vector<16xf32>
        %parallel_loop3A_428 = arith.mulf %parallel_loop3A_424, %parallel_loop3A_427 : vector<16xf32>
        tpu.vector_store_idx %arg10[%shift_right_arithmetic3A_282, %and3A_285, %parallel_loop3A_425], %parallel_loop3A_428 : memref<8x8x129xf32, #tpu.memory_space<vmem>>[vector<16xi32>, vector<16xi32>, vector<16xi32>], vector<16xf32>,
      } {sc.loop_unroll_factor = 8 : i64, sc.parallel_access}
      %add3A_289 = arith.constant 32 : i32
      %add3A_290 = vector.broadcast %add3A_289 : i32 to vector<16xi32>
      %add3A_291 = arith.addi %iota3A, %add3A_290 : vector<16xi32>
      %shift_right_arithmetic3A_292 = arith.constant 3 : i32
      %shift_right_arithmetic3A_293 = vector.broadcast %shift_right_arithmetic3A_292 : i32 to vector<16xi32>
      %shift_right_arithmetic3A_294 = arith.shrsi %add3A_291, %shift_right_arithmetic3A_293 : vector<16xi32>
      %and3A_295 = arith.constant 7 : i32
      %and3A_296 = vector.broadcast %and3A_295 : i32 to vector<16xi32>
      %and3A_297 = arith.andi %add3A_291, %and3A_296 : vector<16xi32>
      %parallel_loop3A_298 = arith.constant 0 : i32
      %parallel_loop3A_299 = arith.constant 128 : i32
      %parallel_loop3A_300 = arith.constant 1 : i32
      scf.for %parallel_loop3A_421 = %parallel_loop3A_298 to %parallel_loop3A_299 step %parallel_loop3A_300  : i32 {
        %parallel_loop3A_422 = arith.index_cast %parallel_loop3A_421 : i32 to index
        %parallel_loop3A_423 = arith.constant 32 : index
        %parallel_loop3A_424 = tpu.vector_load %arg8[%parallel_loop3A_422, %parallel_loop3A_423] {strides = array<i32>} : memref<128x64xf32, #tpu.memory_space<vmem>>, vector<16xf32>,
        %parallel_loop3A_425 = vector.broadcast %parallel_loop3A_421 : i32 to vector<16xi32>
        %parallel_loop3A_426 = arith.constant 8.000000e+00 : f32
        %parallel_loop3A_427 = vector.broadcast %parallel_loop3A_426 : f32 to vector<16xf32>
        %parallel_loop3A_428 = arith.mulf %parallel_loop3A_424, %parallel_loop3A_427 : vector<16xf32>
        tpu.vector_store_idx %arg10[%shift_right_arithmetic3A_294, %and3A_297, %parallel_loop3A_425], %parallel_loop3A_428 : memref<8x8x129xf32, #tpu.memory_space<vmem>>[vector<16xi32>, vector<16xi32>, vector<16xi32>], vector<16xf32>,
      } {sc.loop_unroll_factor = 8 : i64, sc.parallel_access}
      %add3A_301 = arith.constant 48 : i32
      %add3A_302 = vector.broadcast %add3A_301 : i32 to vector<16xi32>
      %add3A_303 = arith.addi %iota3A, %add3A_302 : vector<16xi32>
      %shift_right_arithmetic3A_304 = arith.constant 3 : i32
      %shift_right_arithmetic3A_305 = vector.broadcast %shift_right_arithmetic3A_304 : i32 to vector<16xi32>
      %shift_right_arithmetic3A_306 = arith.shrsi %add3A_303, %shift_right_arithmetic3A_305 : vector<16xi32>
      %and3A_307 = arith.constant 7 : i32
      %and3A_308 = vector.broadcast %and3A_307 : i32 to vector<16xi32>
      %and3A_309 = arith.andi %add3A_303, %and3A_308 : vector<16xi32>
      %parallel_loop3A_310 = arith.constant 0 : i32
      %parallel_loop3A_311 = arith.constant 128 : i32
      %parallel_loop3A_312 = arith.constant 1 : i32
      scf.for %parallel_loop3A_421 = %parallel_loop3A_310 to %parallel_loop3A_311 step %parallel_loop3A_312  : i32 {
        %parallel_loop3A_422 = arith.index_cast %parallel_loop3A_421 : i32 to index
        %parallel_loop3A_423 = arith.constant 48 : index
        %parallel_loop3A_424 = tpu.vector_load %arg8[%parallel_loop3A_422, %parallel_loop3A_423] {strides = array<i32>} : memref<128x64xf32, #tpu.memory_space<vmem>>, vector<16xf32>,
        %parallel_loop3A_425 = vector.broadcast %parallel_loop3A_421 : i32 to vector<16xi32>
        %parallel_loop3A_426 = arith.constant 8.000000e+00 : f32
        %parallel_loop3A_427 = vector.broadcast %parallel_loop3A_426 : f32 to vector<16xf32>
        %parallel_loop3A_428 = arith.mulf %parallel_loop3A_424, %parallel_loop3A_427 : vector<16xf32>
        tpu.vector_store_idx %arg10[%shift_right_arithmetic3A_306, %and3A_309, %parallel_loop3A_425], %parallel_loop3A_428 : memref<8x8x129xf32, #tpu.memory_space<vmem>>[vector<16xi32>, vector<16xi32>, vector<16xi32>], vector<16xf32>,
      } {sc.loop_unroll_factor = 8 : i64, sc.parallel_access}
      %dma_start3A_313 = arith.constant 0 : i32
      %dma_start3A_314 = arith.constant 0 : i32
      %dma_start3A_315 = arith.constant 0 : i32
      %dma_start3A_316 = tpu.memref_slice %arg10[%dma_start3A_313, %dma_start3A_314, %dma_start3A_315] : memref<8x8x129xf32, #tpu.memory_space<vmem>> -> memref<8x8x128xf32, #tpu.memory_space<vmem>>
      %dma_start3A_317 = arith.constant 0 : i32
      %dma_start3A_318 = arith.constant 0 : i32
      %dma_start3A_319 = arith.constant 0 : i32
      %dma_start3A_320 = tpu.memref_slice %arg4[%add3A_244, %dma_start3A_317, %add3A, %dma_start3A_318, %dma_start3A_319] : memref<200x8x32x8x128xf32, #tpu.memory_space<hbm>> -> memref<1x8x1x8x128xf32, #tpu.memory_space<hbm>>
      %dma_start3A_321 = tpu.memref_squeeze %dma_start3A_320 : memref<1x8x1x8x128xf32, #tpu.memory_space<hbm>> -> memref<8x8x128xf32, #tpu.memory_space<hbm>>
      %dma_start3A_322 = arith.constant 0 : i32
      %dma_start3A_323 = arith.constant 0 : i32
      %dma_start3A_324 = arith.constant 0 : i32
      %dma_start3A_325 = tpu.memref_slice %arg4[%add3A_244, %dma_start3A_322, %add3A, %dma_start3A_323, %dma_start3A_324] : memref<200x8x32x8x128xf32, #tpu.memory_space<hbm>> -> memref<1x8x1x8x128xf32, #tpu.memory_space<hbm>>
      %dma_start3A_326 = tpu.memref_squeeze %dma_start3A_325 : memref<1x8x1x8x128xf32, #tpu.memory_space<hbm>> -> memref<8x8x128xf32, #tpu.memory_space<hbm>>
      %dma_start3A_327 = arith.constant 0 : i32
      %dma_start3A_328 = arith.constant 0 : i32
      %dma_start3A_329 = arith.constant 0 : i32
      %dma_start3A_330 = tpu.memref_slice %arg10[%dma_start3A_327, %dma_start3A_328, %dma_start3A_329] : memref<8x8x129xf32, #tpu.memory_space<vmem>> -> memref<8x8x128xf32, #tpu.memory_space<vmem>>
      tpu.enqueue_dma source(%dma_start3A_330 : memref<8x8x128xf32, #tpu.memory_space<vmem>>) target(%dma_start3A_326 : memref<8x8x128xf32, #tpu.memory_space<hbm>>) target_semaphore(%arg16 : memref<!tpu.dma_semaphore, #tpu.memory_space<semaphore_mem>>)
      %mul3A_331 = arith.constant 4 : i32
      %mul3A_332 = arith.muli %scan3A_68, %mul3A_331 : i32
      %add3A_333 = arith.constant 3 : i32
      %add3A_334 = arith.addi %mul3A_332, %add3A_333 : i32
      %add3A_335 = arith.constant 4 : i32
      %add3A_336 = arith.addi %add3A_334, %add3A_335 : i32
      %sub3A_337 = arith.constant 1 : i32
      %sub3A_338 = arith.subi %add3A_336, %sub3A_337 : i32
      %lt3A_339 = arith.constant 200 : i32
      %lt3A_340 = arith.cmpi slt, %sub3A_338, %lt3A_339 : i32
      %convert_element_type3A_341 = arith.extui %lt3A_340 : i1 to i32
      %cond3A_342 = arith.constant 0 : i32
      %cond3A_343 = arith.cmpi ne, %convert_element_type3A_341, %cond3A_342 : i32
      scf.if %cond3A_343 {
        %add3A_421 = arith.constant 4 : i32
        %add3A_422 = arith.addi %add3A_334, %add3A_421 : i32
        %sub3A_423 = arith.constant 1 : i32
        %sub3A_424 = arith.subi %add3A_422, %sub3A_423 : i32
        %jit3A = arith.constant 8 : i32
        %div3A = arith.divsi %sub3A_424, %jit3A : i32
        %sign3A = arith.constant 0 : i32
        %sign3A_425 = arith.cmpi sgt, %sub3A_424, %sign3A : i32
        %sign3A_426 = arith.extui %sign3A_425 : i1 to i32
        %sign3A_427 = arith.constant 0 : i32
        %sign3A_428 = arith.cmpi slt, %sub3A_424, %sign3A_427 : i32
        %sign3A_429 = arith.extui %sign3A_428 : i1 to i32
        %sign3A_430 = arith.subi %sign3A_426, %sign3A_429 : i32
        %sign3A_431 = arith.constant 0 : i32
        %sign3A_432 = arith.cmpi sgt, %jit3A, %sign3A_431 : i32
        %sign3A_433 = arith.extui %sign3A_432 : i1 to i32
        %sign3A_434 = arith.constant 0 : i32
        %sign3A_435 = arith.cmpi slt, %jit3A, %sign3A_434 : i32
        %sign3A_436 = arith.extui %sign3A_435 : i1 to i32
        %sign3A_437 = arith.subi %sign3A_433, %sign3A_436 : i32
        %ne3A = arith.cmpi ne, %sign3A_430, %sign3A_437 : i32
        %rem3A = arith.remsi %sub3A_424, %jit3A : i32
        %ne3A_438 = arith.constant 0 : i32
        %ne3A_439 = arith.cmpi ne, %rem3A, %ne3A_438 : i32
        %and3A_440 = arith.andi %ne3A, %ne3A_439 : i1
        %sub3A_441 = arith.constant 1 : i32
        %sub3A_442 = arith.subi %div3A, %sub3A_441 : i32
        %select_n3A = arith.select %and3A_440, %sub3A_442, %div3A : i32
        %jit3A_443 = arith.constant 8 : i32
        %eq3A = arith.constant 0 : i32
        %eq3A_444 = arith.cmpi eq, %jit3A_443, %eq3A : i32
        %jit3A_445 = arith.constant 1 : i32
        %select_n3A_446 = arith.select %eq3A_444, %jit3A_445, %jit3A_443 : i32
        %rem3A_447 = arith.remsi %sub3A_424, %select_n3A_446 : i32
        %ne3A_448 = arith.constant 0 : i32
        %ne3A_449 = arith.cmpi ne, %rem3A_447, %ne3A_448 : i32
        %lt3A_450 = arith.constant 0 : i32
        %lt3A_451 = arith.cmpi slt, %rem3A_447, %lt3A_450 : i32
        %lt3A_452 = arith.constant 0 : i32
        %lt3A_453 = arith.cmpi slt, %select_n3A_446, %lt3A_452 : i32
        %ne3A_454 = arith.xori %lt3A_451, %lt3A_453 : i1
        %and3A_455 = arith.andi %ne3A_454, %ne3A_449 : i1
        %add3A_456 = arith.addi %rem3A_447, %select_n3A_446 : i32
        %select_n3A_457 = arith.select %and3A_455, %add3A_456, %rem3A_447 : i32
        %dma_start3A_458 = arith.constant 0 : i32
        %dma_start3A_459 = tpu.memref_slice %arg5[%select_n3A, %select_n3A_457, %dma_start3A_458] : memref<25x8x128xi32, #tpu.memory_space<vmem>> -> memref<1x1x128xi32, #tpu.memory_space<vmem>>
        %dma_start3A_460 = tpu.memref_squeeze %dma_start3A_459 : memref<1x1x128xi32, #tpu.memory_space<vmem>> -> memref<128xi32, #tpu.memory_space<vmem>>
        %dma_start3A_461 = arith.constant 0 : i32
        %dma_start3A_462 = arith.constant 0 : i32
        %dma_start3A_463 = tpu.memref_slice %arg3[%dma_start3A_461, %dma_start3A_462] : memref<1000000x64xf32, #tpu.memory_space<hbm>> -> memref<1000000x64xf32, #tpu.memory_space<hbm>>
        tpu.enqueue_indirect_dma source(%dma_start3A_463 : memref<1000000x64xf32, #tpu.memory_space<hbm>>) target(%arg8 : memref<128x64xf32, #tpu.memory_space<vmem>>) offsets(%dma_start3A_460 : memref<128xi32, #tpu.memory_space<vmem>>) semaphore(%arg14 : memref<!tpu.dma_semaphore, #tpu.memory_space<semaphore_mem>>)
      } else {
      }
      %dma_wait3A_344 = arith.constant 0 : i32
      %dma_wait3A_345 = arith.constant 0 : i32
      %dma_wait3A_346 = tpu.memref_slice %arg3[%dma_wait3A_344, %dma_wait3A_345] : memref<1000000x64xf32, #tpu.memory_space<hbm>> -> memref<128x64xf32, #tpu.memory_space<hbm>>
      %dma_wait3A_347 = arith.constant 0 : i32
      %dma_wait3A_348 = arith.constant 0 : i32
      %dma_wait3A_349 = tpu.memref_slice %arg3[%dma_wait3A_347, %dma_wait3A_348] : memref<1000000x64xf32, #tpu.memory_space<hbm>> -> memref<128x64xf32, #tpu.memory_space<hbm>>
      tpu.wait_dma2 semaphore(%arg15 : memref<!tpu.dma_semaphore, #tpu.memory_space<semaphore_mem>>) src(%dma_wait3A_349 : memref<128x64xf32, #tpu.memory_space<hbm>>) dst(%arg9 : memref<128x64xf32, #tpu.memory_space<vmem>>)
      %ge3A_350 = arith.constant 2 : i32
      %ge3A_351 = arith.cmpi sge, %add3A_334, %ge3A_350 : i32
      %convert_element_type3A_352 = arith.extui %ge3A_351 : i1 to i32
      %cond3A_353 = arith.constant 0 : i32
      %cond3A_354 = arith.cmpi ne, %convert_element_type3A_352, %cond3A_353 : i32
      scf.if %cond3A_354 {
        %dma_wait3A_421 = arith.constant 0 : i32
        %dma_wait3A_422 = arith.constant 0 : i32
        %dma_wait3A_423 = arith.constant 0 : i32
        %dma_wait3A_424 = arith.constant 0 : i32
        %dma_wait3A_425 = arith.constant 0 : i32
        %dma_wait3A_426 = tpu.memref_slice %arg11[%dma_wait3A_423, %dma_wait3A_424, %dma_wait3A_425] : memref<8x8x129xf32, #tpu.memory_space<vmem>> -> memref<8x8x128xf32, #tpu.memory_space<vmem>>
        %dma_wait3A_427 = arith.constant 0 : i32
        %dma_wait3A_428 = arith.constant 0 : i32
        %dma_wait3A_429 = arith.constant 0 : i32
        %dma_wait3A_430 = tpu.memref_slice %arg4[%dma_wait3A_421, %dma_wait3A_427, %dma_wait3A_422, %dma_wait3A_428, %dma_wait3A_429] : memref<200x8x32x8x128xf32, #tpu.memory_space<hbm>> -> memref<1x8x1x8x128xf32, #tpu.memory_space<hbm>>
        %dma_wait3A_431 = tpu.memref_squeeze %dma_wait3A_430 : memref<1x8x1x8x128xf32, #tpu.memory_space<hbm>> -> memref<8x8x128xf32, #tpu.memory_space<hbm>>
        %dma_wait3A_432 = arith.constant 0 : i32
        %dma_wait3A_433 = arith.constant 0 : i32
        %dma_wait3A_434 = arith.constant 0 : i32
        %dma_wait3A_435 = tpu.memref_slice %arg11[%dma_wait3A_432, %dma_wait3A_433, %dma_wait3A_434] : memref<8x8x129xf32, #tpu.memory_space<vmem>> -> memref<8x8x128xf32, #tpu.memory_space<vmem>>
        %dma_wait3A_436 = arith.constant 0 : i32
        %dma_wait3A_437 = arith.constant 0 : i32
        %dma_wait3A_438 = arith.constant 0 : i32
        %dma_wait3A_439 = tpu.memref_slice %arg4[%dma_wait3A_421, %dma_wait3A_436, %dma_wait3A_422, %dma_wait3A_437, %dma_wait3A_438] : memref<200x8x32x8x128xf32, #tpu.memory_space<hbm>> -> memref<1x8x1x8x128xf32, #tpu.memory_space<hbm>>
        %dma_wait3A_440 = tpu.memref_squeeze %dma_wait3A_439 : memref<1x8x1x8x128xf32, #tpu.memory_space<hbm>> -> memref<8x8x128xf32, #tpu.memory_space<hbm>>
        tpu.wait_dma2 semaphore(%arg17 : memref<!tpu.dma_semaphore, #tpu.memory_space<semaphore_mem>>) src(%dma_wait3A_440 : memref<8x8x128xf32, #tpu.memory_space<hbm>>) dst(%dma_wait3A_435 : memref<8x8x128xf32, #tpu.memory_space<vmem>>)
      } else {
      }
      %add3A_355 = arith.constant 0 : i32
      %add3A_356 = vector.broadcast %add3A_355 : i32 to vector<16xi32>
      %add3A_357 = arith.addi %iota3A, %add3A_356 : vector<16xi32>
      %shift_right_arithmetic3A_358 = arith.constant 3 : i32
      %shift_right_arithmetic3A_359 = vector.broadcast %shift_right_arithmetic3A_358 : i32 to vector<16xi32>
      %shift_right_arithmetic3A_360 = arith.shrsi %add3A_357, %shift_right_arithmetic3A_359 : vector<16xi32>
      %and3A_361 = arith.constant 7 : i32
      %and3A_362 = vector.broadcast %and3A_361 : i32 to vector<16xi32>
      %and3A_363 = arith.andi %add3A_357, %and3A_362 : vector<16xi32>
      %parallel_loop3A_364 = arith.constant 0 : i32
      %parallel_loop3A_365 = arith.constant 128 : i32
      %parallel_loop3A_366 = arith.constant 1 : i32
      scf.for %parallel_loop3A_421 = %parallel_loop3A_364 to %parallel_loop3A_365 step %parallel_loop3A_366  : i32 {
        %parallel_loop3A_422 = arith.index_cast %parallel_loop3A_421 : i32 to index
        %parallel_loop3A_423 = arith.constant 0 : index
        %parallel_loop3A_424 = tpu.vector_load %arg9[%parallel_loop3A_422, %parallel_loop3A_423] {strides = array<i32>} : memref<128x64xf32, #tpu.memory_space<vmem>>, vector<16xf32>,
        %parallel_loop3A_425 = vector.broadcast %parallel_loop3A_421 : i32 to vector<16xi32>
        %parallel_loop3A_426 = arith.constant 8.000000e+00 : f32
        %parallel_loop3A_427 = vector.broadcast %parallel_loop3A_426 : f32 to vector<16xf32>
        %parallel_loop3A_428 = arith.mulf %parallel_loop3A_424, %parallel_loop3A_427 : vector<16xf32>
        tpu.vector_store_idx %arg11[%shift_right_arithmetic3A_360, %and3A_363, %parallel_loop3A_425], %parallel_loop3A_428 : memref<8x8x129xf32, #tpu.memory_space<vmem>>[vector<16xi32>, vector<16xi32>, vector<16xi32>], vector<16xf32>,
      } {sc.loop_unroll_factor = 8 : i64, sc.parallel_access}
      %add3A_367 = arith.constant 16 : i32
      %add3A_368 = vector.broadcast %add3A_367 : i32 to vector<16xi32>
      %add3A_369 = arith.addi %iota3A, %add3A_368 : vector<16xi32>
      %shift_right_arithmetic3A_370 = arith.constant 3 : i32
      %shift_right_arithmetic3A_371 = vector.broadcast %shift_right_arithmetic3A_370 : i32 to vector<16xi32>
      %shift_right_arithmetic3A_372 = arith.shrsi %add3A_369, %shift_right_arithmetic3A_371 : vector<16xi32>
      %and3A_373 = arith.constant 7 : i32
      %and3A_374 = vector.broadcast %and3A_373 : i32 to vector<16xi32>
      %and3A_375 = arith.andi %add3A_369, %and3A_374 : vector<16xi32>
      %parallel_loop3A_376 = arith.constant 0 : i32
      %parallel_loop3A_377 = arith.constant 128 : i32
      %parallel_loop3A_378 = arith.constant 1 : i32
      scf.for %parallel_loop3A_421 = %parallel_loop3A_376 to %parallel_loop3A_377 step %parallel_loop3A_378  : i32 {
        %parallel_loop3A_422 = arith.index_cast %parallel_loop3A_421 : i32 to index
        %parallel_loop3A_423 = arith.constant 16 : index
        %parallel_loop3A_424 = tpu.vector_load %arg9[%parallel_loop3A_422, %parallel_loop3A_423] {strides = array<i32>} : memref<128x64xf32, #tpu.memory_space<vmem>>, vector<16xf32>,
        %parallel_loop3A_425 = vector.broadcast %parallel_loop3A_421 : i32 to vector<16xi32>
        %parallel_loop3A_426 = arith.constant 8.000000e+00 : f32
        %parallel_loop3A_427 = vector.broadcast %parallel_loop3A_426 : f32 to vector<16xf32>
        %parallel_loop3A_428 = arith.mulf %parallel_loop3A_424, %parallel_loop3A_427 : vector<16xf32>
        tpu.vector_store_idx %arg11[%shift_right_arithmetic3A_372, %and3A_375, %parallel_loop3A_425], %parallel_loop3A_428 : memref<8x8x129xf32, #tpu.memory_space<vmem>>[vector<16xi32>, vector<16xi32>, vector<16xi32>], vector<16xf32>,
      } {sc.loop_unroll_factor = 8 : i64, sc.parallel_access}
      %add3A_379 = arith.constant 32 : i32
      %add3A_380 = vector.broadcast %add3A_379 : i32 to vector<16xi32>
      %add3A_381 = arith.addi %iota3A, %add3A_380 : vector<16xi32>
      %shift_right_arithmetic3A_382 = arith.constant 3 : i32
      %shift_right_arithmetic3A_383 = vector.broadcast %shift_right_arithmetic3A_382 : i32 to vector<16xi32>
      %shift_right_arithmetic3A_384 = arith.shrsi %add3A_381, %shift_right_arithmetic3A_383 : vector<16xi32>
      %and3A_385 = arith.constant 7 : i32
      %and3A_386 = vector.broadcast %and3A_385 : i32 to vector<16xi32>
      %and3A_387 = arith.andi %add3A_381, %and3A_386 : vector<16xi32>
      %parallel_loop3A_388 = arith.constant 0 : i32
      %parallel_loop3A_389 = arith.constant 128 : i32
      %parallel_loop3A_390 = arith.constant 1 : i32
      scf.for %parallel_loop3A_421 = %parallel_loop3A_388 to %parallel_loop3A_389 step %parallel_loop3A_390  : i32 {
        %parallel_loop3A_422 = arith.index_cast %parallel_loop3A_421 : i32 to index
        %parallel_loop3A_423 = arith.constant 32 : index
        %parallel_loop3A_424 = tpu.vector_load %arg9[%parallel_loop3A_422, %parallel_loop3A_423] {strides = array<i32>} : memref<128x64xf32, #tpu.memory_space<vmem>>, vector<16xf32>,
        %parallel_loop3A_425 = vector.broadcast %parallel_loop3A_421 : i32 to vector<16xi32>
        %parallel_loop3A_426 = arith.constant 8.000000e+00 : f32
        %parallel_loop3A_427 = vector.broadcast %parallel_loop3A_426 : f32 to vector<16xf32>
        %parallel_loop3A_428 = arith.mulf %parallel_loop3A_424, %parallel_loop3A_427 : vector<16xf32>
        tpu.vector_store_idx %arg11[%shift_right_arithmetic3A_384, %and3A_387, %parallel_loop3A_425], %parallel_loop3A_428 : memref<8x8x129xf32, #tpu.memory_space<vmem>>[vector<16xi32>, vector<16xi32>, vector<16xi32>], vector<16xf32>,
      } {sc.loop_unroll_factor = 8 : i64, sc.parallel_access}
      %add3A_391 = arith.constant 48 : i32
      %add3A_392 = vector.broadcast %add3A_391 : i32 to vector<16xi32>
      %add3A_393 = arith.addi %iota3A, %add3A_392 : vector<16xi32>
      %shift_right_arithmetic3A_394 = arith.constant 3 : i32
      %shift_right_arithmetic3A_395 = vector.broadcast %shift_right_arithmetic3A_394 : i32 to vector<16xi32>
      %shift_right_arithmetic3A_396 = arith.shrsi %add3A_393, %shift_right_arithmetic3A_395 : vector<16xi32>
      %and3A_397 = arith.constant 7 : i32
      %and3A_398 = vector.broadcast %and3A_397 : i32 to vector<16xi32>
      %and3A_399 = arith.andi %add3A_393, %and3A_398 : vector<16xi32>
      %parallel_loop3A_400 = arith.constant 0 : i32
      %parallel_loop3A_401 = arith.constant 128 : i32
      %parallel_loop3A_402 = arith.constant 1 : i32
      scf.for %parallel_loop3A_421 = %parallel_loop3A_400 to %parallel_loop3A_401 step %parallel_loop3A_402  : i32 {
        %parallel_loop3A_422 = arith.index_cast %parallel_loop3A_421 : i32 to index
        %parallel_loop3A_423 = arith.constant 48 : index
        %parallel_loop3A_424 = tpu.vector_load %arg9[%parallel_loop3A_422, %parallel_loop3A_423] {strides = array<i32>} : memref<128x64xf32, #tpu.memory_space<vmem>>, vector<16xf32>,
        %parallel_loop3A_425 = vector.broadcast %parallel_loop3A_421 : i32 to vector<16xi32>
        %parallel_loop3A_426 = arith.constant 8.000000e+00 : f32
        %parallel_loop3A_427 = vector.broadcast %parallel_loop3A_426 : f32 to vector<16xf32>
        %parallel_loop3A_428 = arith.mulf %parallel_loop3A_424, %parallel_loop3A_427 : vector<16xf32>
        tpu.vector_store_idx %arg11[%shift_right_arithmetic3A_396, %and3A_399, %parallel_loop3A_425], %parallel_loop3A_428 : memref<8x8x129xf32, #tpu.memory_space<vmem>>[vector<16xi32>, vector<16xi32>, vector<16xi32>], vector<16xf32>,
      } {sc.loop_unroll_factor = 8 : i64, sc.parallel_access}
      %dma_start3A_403 = arith.constant 0 : i32
      %dma_start3A_404 = arith.constant 0 : i32
      %dma_start3A_405 = arith.constant 0 : i32
      %dma_start3A_406 = tpu.memref_slice %arg11[%dma_start3A_403, %dma_start3A_404, %dma_start3A_405] : memref<8x8x129xf32, #tpu.memory_space<vmem>> -> memref<8x8x128xf32, #tpu.memory_space<vmem>>
      %dma_start3A_407 = arith.constant 0 : i32
      %dma_start3A_408 = arith.constant 0 : i32
      %dma_start3A_409 = arith.constant 0 : i32
      %dma_start3A_410 = tpu.memref_slice %arg4[%add3A_334, %dma_start3A_407, %add3A, %dma_start3A_408, %dma_start3A_409] : memref<200x8x32x8x128xf32, #tpu.memory_space<hbm>> -> memref<1x8x1x8x128xf32, #tpu.memory_space<hbm>>
      %dma_start3A_411 = tpu.memref_squeeze %dma_start3A_410 : memref<1x8x1x8x128xf32, #tpu.memory_space<hbm>> -> memref<8x8x128xf32, #tpu.memory_space<hbm>>
      %dma_start3A_412 = arith.constant 0 : i32
      %dma_start3A_413 = arith.constant 0 : i32
      %dma_start3A_414 = arith.constant 0 : i32
      %dma_start3A_415 = tpu.memref_slice %arg4[%add3A_334, %dma_start3A_412, %add3A, %dma_start3A_413, %dma_start3A_414] : memref<200x8x32x8x128xf32, #tpu.memory_space<hbm>> -> memref<1x8x1x8x128xf32, #tpu.memory_space<hbm>>
      %dma_start3A_416 = tpu.memref_squeeze %dma_start3A_415 : memref<1x8x1x8x128xf32, #tpu.memory_space<hbm>> -> memref<8x8x128xf32, #tpu.memory_space<hbm>>
      %dma_start3A_417 = arith.constant 0 : i32
      %dma_start3A_418 = arith.constant 0 : i32
      %dma_start3A_419 = arith.constant 0 : i32
      %dma_start3A_420 = tpu.memref_slice %arg11[%dma_start3A_417, %dma_start3A_418, %dma_start3A_419] : memref<8x8x129xf32, #tpu.memory_space<vmem>> -> memref<8x8x128xf32, #tpu.memory_space<vmem>>
      tpu.enqueue_dma source(%dma_start3A_420 : memref<8x8x128xf32, #tpu.memory_space<vmem>>) target(%dma_start3A_416 : memref<8x8x128xf32, #tpu.memory_space<hbm>>) target_semaphore(%arg17 : memref<!tpu.dma_semaphore, #tpu.memory_space<semaphore_mem>>)
    }
    %scan3A_28 = arith.constant 50 : i32
    %dma_wait3A = arith.constant 0 : i32
    %dma_wait3A_29 = arith.constant 0 : i32
    %dma_wait3A_30 = arith.constant 0 : i32
    %dma_wait3A_31 = arith.constant 0 : i32
    %dma_wait3A_32 = arith.constant 0 : i32
    %dma_wait3A_33 = tpu.memref_slice %arg10[%dma_wait3A_30, %dma_wait3A_31, %dma_wait3A_32] : memref<8x8x129xf32, #tpu.memory_space<vmem>> -> memref<8x8x128xf32, #tpu.memory_space<vmem>>
    %dma_wait3A_34 = arith.constant 0 : i32
    %dma_wait3A_35 = arith.constant 0 : i32
    %dma_wait3A_36 = arith.constant 0 : i32
    %dma_wait3A_37 = tpu.memref_slice %arg4[%dma_wait3A, %dma_wait3A_34, %dma_wait3A_29, %dma_wait3A_35, %dma_wait3A_36] : memref<200x8x32x8x128xf32, #tpu.memory_space<hbm>> -> memref<1x8x1x8x128xf32, #tpu.memory_space<hbm>>
    %dma_wait3A_38 = tpu.memref_squeeze %dma_wait3A_37 : memref<1x8x1x8x128xf32, #tpu.memory_space<hbm>> -> memref<8x8x128xf32, #tpu.memory_space<hbm>>
    %dma_wait3A_39 = arith.constant 0 : i32
    %dma_wait3A_40 = arith.constant 0 : i32
    %dma_wait3A_41 = arith.constant 0 : i32
    %dma_wait3A_42 = tpu.memref_slice %arg10[%dma_wait3A_39, %dma_wait3A_40, %dma_wait3A_41] : memref<8x8x129xf32, #tpu.memory_space<vmem>> -> memref<8x8x128xf32, #tpu.memory_space<vmem>>
    %dma_wait3A_43 = arith.constant 0 : i32
    %dma_wait3A_44 = arith.constant 0 : i32
    %dma_wait3A_45 = arith.constant 0 : i32
    %dma_wait3A_46 = tpu.memref_slice %arg4[%dma_wait3A, %dma_wait3A_43, %dma_wait3A_29, %dma_wait3A_44, %dma_wait3A_45] : memref<200x8x32x8x128xf32, #tpu.memory_space<hbm>> -> memref<1x8x1x8x128xf32, #tpu.memory_space<hbm>>
    %dma_wait3A_47 = tpu.memref_squeeze %dma_wait3A_46 : memref<1x8x1x8x128xf32, #tpu.memory_space<hbm>> -> memref<8x8x128xf32, #tpu.memory_space<hbm>>
    tpu.wait_dma2 semaphore(%arg16 : memref<!tpu.dma_semaphore, #tpu.memory_space<semaphore_mem>>) src(%dma_wait3A_47 : memref<8x8x128xf32, #tpu.memory_space<hbm>>) dst(%dma_wait3A_42 : memref<8x8x128xf32, #tpu.memory_space<vmem>>)
    %dma_wait3A_48 = arith.constant 0 : i32
    %dma_wait3A_49 = arith.constant 0 : i32
    %dma_wait3A_50 = arith.constant 0 : i32
    %dma_wait3A_51 = arith.constant 0 : i32
    %dma_wait3A_52 = arith.constant 0 : i32
    %dma_wait3A_53 = tpu.memref_slice %arg11[%dma_wait3A_50, %dma_wait3A_51, %dma_wait3A_52] : memref<8x8x129xf32, #tpu.memory_space<vmem>> -> memref<8x8x128xf32, #tpu.memory_space<vmem>>
    %dma_wait3A_54 = arith.constant 0 : i32
    %dma_wait3A_55 = arith.constant 0 : i32
    %dma_wait3A_56 = arith.constant 0 : i32
    %dma_wait3A_57 = tpu.memref_slice %arg4[%dma_wait3A_48, %dma_wait3A_54, %dma_wait3A_49, %dma_wait3A_55, %dma_wait3A_56] : memref<200x8x32x8x128xf32, #tpu.memory_space<hbm>> -> memref<1x8x1x8x128xf32, #tpu.memory_space<hbm>>
    %dma_wait3A_58 = tpu.memref_squeeze %dma_wait3A_57 : memref<1x8x1x8x128xf32, #tpu.memory_space<hbm>> -> memref<8x8x128xf32, #tpu.memory_space<hbm>>
    %dma_wait3A_59 = arith.constant 0 : i32
    %dma_wait3A_60 = arith.constant 0 : i32
    %dma_wait3A_61 = arith.constant 0 : i32
    %dma_wait3A_62 = tpu.memref_slice %arg11[%dma_wait3A_59, %dma_wait3A_60, %dma_wait3A_61] : memref<8x8x129xf32, #tpu.memory_space<vmem>> -> memref<8x8x128xf32, #tpu.memory_space<vmem>>
    %dma_wait3A_63 = arith.constant 0 : i32
    %dma_wait3A_64 = arith.constant 0 : i32
    %dma_wait3A_65 = arith.constant 0 : i32
    %dma_wait3A_66 = tpu.memref_slice %arg4[%dma_wait3A_48, %dma_wait3A_63, %dma_wait3A_49, %dma_wait3A_64, %dma_wait3A_65] : memref<200x8x32x8x128xf32, #tpu.memory_space<hbm>> -> memref<1x8x1x8x128xf32, #tpu.memory_space<hbm>>
    %dma_wait3A_67 = tpu.memref_squeeze %dma_wait3A_66 : memref<1x8x1x8x128xf32, #tpu.memory_space<hbm>> -> memref<8x8x128xf32, #tpu.memory_space<hbm>>
    tpu.wait_dma2 semaphore(%arg17 : memref<!tpu.dma_semaphore, #tpu.memory_space<semaphore_mem>>) src(%dma_wait3A_67 : memref<8x8x128xf32, #tpu.memory_space<hbm>>) dst(%dma_wait3A_62 : memref<8x8x128xf32, #tpu.memory_space<vmem>>)
    return
  }
}

</mosaic_0001>

<sc_bundles>
// kernel: _embed.3.cloned.1.call-start
scs
__scs_entry_jumppad:
0x0: {  	(pc) =	sbr.rel $0x88, $3  }
0x1: {  	(tag) =	ssettag $0x0;
	lr =	simm.s32 $0x1  }
0x2: {  	[smem:$0x3F9F] =	sst lr;
	_ =	strace $0xD0000000  }
0x3: {  	_ = 	snop  }
0x4: {  	_ = 	snop  }
0x5: {  	_ = 	snop  }
0x6: {  	_ = 	snop  }
0x7: {  	_ = 	snop  }
__scs_overlays_trampoline_lowered:
0x8: {  	[smem:$0x3FAE] =	sst s0  }
0x9: {  	[smem:$0x3FAF] =	sst s1  }
0xa: {  	[smem:$0x3FB0] =	sst s2  }
0xb: {  	[smem:$0x3FB1] =	sst s3  }
0xc: {  	[smem:$0x3FB2] =	sst s4  }
0xd: {  	[smem:$0x3FB3] =	sst s5  }
0xe: {  	[smem:$0x3FB4] =	sst s6  }
0xf: {  	[smem:$0x3FB5] =	sst s7  }
0x10: {  	[smem:$0x3FB6] =	sst s8  }
0x11: {  	[smem:$0x3FB7] =	sst s9;
	s0 =	simm.s32 @!p0 $0x0  }
0x12: {  	s1 =	sld [smem:$0x3F9D];
	s0 =	simm.s32 @p0 $0x1  }
0x13: {  	[smem:$0x3FB8] =	sst s0;
	s0 =	simm.s32 @!p1 $0x0  }
0x14: {  	s2 =	sld [smem:$0x3F9C];
	s0 =	simm.s32 @p1 $0x1  }
0x15: {  	[smem:$0x3FB9] =	sst s0;
	s0 =	simm.s32 @!p2 $0x0  }
0x16: {  	s3 =	sld [smem:$0x3FDB];
	s0 =	simm.s32 @p2 $0x1  }
0x17: {  	s4 =	simm.s32 $0x1BF5;
	[smem:$0x3FBB] =	sst s0  }
0x18: {  	s0 =	sld [smem:$0x3F9E];
	_ =	swait.ge [sflag:s4], $0x0  }
0x19: {  	s7 =	sld [smem:$0x3F9F]  }
0x1a: {  	s8 =	sadd.s32 $0xFFFFE003, lr  }
0x1b: {  	s9 =	sadd.s32 $0xFFFFFEF7, lr;
	s5 =	simm.s32 $0xFFFFFFFF;
	p2 =	slt.u32 s8, $0xFFFFF086  }
0x1c: {  	p1 =	slt.u32 s9, $0xF7A;
	s5 =	simm.s32 @!p2 $0x0  }
0x1d: {  	s5 =	simm.s32 @p1 $0x1;
	p0 =	seq.s32 s7, s2  }
0x1e: {  	s7 =	smul.u32 @!p0 $0xF7A, s2;
	p2 =	seq.s32 @!p0 s5, $0x0  }
0x1f: {  	s9 =	smul.u32 $0xF7A, s1;
	s8 =	simm.s32 @!p0 $0x1BF5;
	p2 =	por !p2, p0  }
0x20: {  	[sflag:s8] =	ssyncset.s32 @!p0 $0xFFFFF086;
	s6 =	sadd.s32 @!p0 s3, s7;
	s7 =	simm.s32 @!p0 $0x108  }
0x21: {  	s3 =	sadd.s32 s3, s9;
	s6 =	sadd.s32 @!p0 $0x88, s6;
	s7 =	simm.s32 @p2 $0x1082  }
0x22: {  	[simem:s7], [sflag:s8] =	dma.local @!p0 [hbm:s6], $0xF7A  }
0x23: {  	s9 =	sor.u32 $0xD0000000, s2;
	s6 =	simm.s32 $0x108;
	_ =	swait.ge @!p0 [sflag:s8], $0x0  }
0x24: {  	s3 =	sadd.s32 $0x88, s3;
	s6 =	simm.s32 @!p1 $0x1082;
	[sflag:s4] =	ssyncset.s32 $0xFFFFF086  }
0x25: {  	[simem:s6], [sflag:s4] =	dma.local [hbm:s3], $0xF7A  }
0x26: {  	[smem:$0x3F9F] =	sst s1;
	(tag) =	ssettag s2;
	_ =	strace s9  }
0x27: {  	s1 =	sld [smem:$0x3FAF]  }
0x28: {  	s2 =	sld [smem:$0x3FB0]  }
0x29: {  	s4 =	sld [smem:$0x3FB2]  }
0x2a: {  	p0 =	seq.s32 s5, $0x0;
	s5 =	sld [smem:$0x3FB3]  }
0x2b: {  	s6 =	sld [smem:$0x3FB4]  }
0x2c: {  	s7 =	sld [smem:$0x3FB5]  }
0x2d: {  	s3 =	simm.s32 $0x108;
	s8 =	sld [smem:$0x3FB6]  }
0x2e: {  	s3 =	simm.s32 @!p0 $0x1082;
	s9 =	sld [smem:$0x3FB7]  }
0x2f: {  	lr =	sadd.s32 s0, s3;
	s0 =	sld [smem:$0x3FAE]  }
0x30: {  	s3 =	sld [smem:$0x3FB1]  }
0x31: {  	[smem:$0x3FBA] =	sst s10  }
0x32: {  	s10 =	sld [smem:$0x3FB8];
	_ =	sdelay $0x3  }
0x33: {  	p0 =	seq.s32 s10, $0x1;
	s10 =	sld [smem:$0x3FBA];
	_ =	sdelay $0x3  }
0x34: {  	[smem:$0x3FBA] =	sst s10  }
0x35: {  	s10 =	sld [smem:$0x3FB9];
	_ =	sdelay $0x3  }
0x36: {  	p1 =	seq.s32 s10, $0x1;
	s10 =	sld [smem:$0x3FBA];
	_ =	sdelay $0x3  }
0x37: {  	[smem:$0x3FBA] =	sst s10  }
0x38: {  	s10 =	sld [smem:$0x3FBB]  }
0x39: {  	_ = 	snop;
	(pc) =	sbr.ind lr, $3  }
0x3a: {  	_ = 	snop  }
0x3b: {  	_ = 	snop  }
0x3c: {  	p2 =	seq.s32 s10, $0x1;
	s10 =	sld [smem:$0x3FBA]  }
0x3d: {  	_ =	shalt  }
0x3e: {  	_ =	shalt  }
0x3f: {  	_ =	shalt  }
0x40: {  	_ =	shalt  }
0x41: {  	_ =	shalt  }
0x42: {  	_ =	shalt  }
0x43: {  	_ =	shalt  }
0x44: {  	_ =	shalt  }
0x45: {  	_ =	shalt  }
0x46: {  	_ =	shalt  }
0x47: {  	_ =	shalt  }
0x48: {  	_ =	shalt  }
0x49: {  	_ =	shalt  }
0x4a: {  	_ =	shalt  }
0x4b: {  	_ =	shalt  }
0x4c: {  	_ =	shalt  }
0x4d: {  	_ =	shalt  }
0x4e: {  	_ =	shalt  }
0x4f: {  	_ =	shalt  }
0x50: {  	_ =	shalt  }
0x51: {  	_ =	shalt  }
0x52: {  	_ =	shalt  }
0x53: {  	_ =	shalt  }
0x54: {  	_ =	shalt  }
0x55: {  	_ =	shalt  }
0x56: {  	_ =	shalt  }
0x57: {  	_ =	shalt  }
0x58: {  	_ =	shalt  }
0x59: {  	_ =	shalt  }
0x5a: {  	_ =	shalt  }
0x5b: {  	_ =	shalt  }
0x5c: {  	_ =	shalt  }
0x5d: {  	_ =	shalt  }
0x5e: {  	_ =	shalt  }
0x5f: {  	_ =	shalt  }
0x60: {  	_ =	shalt  }
0x61: {  	_ =	shalt  }
0x62: {  	_ =	shalt  }
0x63: {  	_ =	shalt  }
0x64: {  	_ =	shalt  }
0x65: {  	_ =	shalt  }
0x66: {  	_ =	shalt  }
0x67: {  	_ =	shalt  }
0x68: {  	_ =	shalt  }
0x69: {  	_ =	shalt  }
0x6a: {  	_ =	shalt  }
0x6b: {  	_ =	shalt  }
0x6c: {  	_ =	shalt  }
0x6d: {  	_ =	shalt  }
0x6e: {  	_ =	shalt  }
0x6f: {  	_ =	shalt  }
0x70: {  	_ =	shalt  }
0x71: {  	_ =	shalt  }
0x72: {  	_ =	shalt  }
0x73: {  	_ =	shalt  }
0x74: {  	_ =	shalt  }
0x75: {  	_ =	shalt  }
0x76: {  	_ =	shalt  }
0x77: {  	_ =	shalt  }
0x78: {  	_ =	shalt  }
0x79: {  	_ =	shalt  }
0x7a: {  	_ =	shalt  }
0x7b: {  	_ =	shalt  }
0x7c: {  	_ =	shalt  }
0x7d: {  	_ =	shalt  }
0x7e: {  	_ =	shalt  }
0x7f: {  	_ =	shalt  }
0x80: {  	_ =	shalt  }
0x81: {  	_ =	shalt  }
0x82: {  	_ =	shalt  }
0x83: {  	_ =	shalt  }
0x84: {  	_ =	shalt  }
0x85: {  	_ =	shalt  }
0x86: {  	_ =	shalt  }
0x87: {  	_ =	shalt  }
.Lfunc_end0:
.L_simem_size_0:
called_computation_lowered:
.L_overlay_start_0:
0x88: {  	s2 =	sld [smem:$0x3FD9]  }
0x89: {  	s3 =	sld [smem:$0x3FFE];
	_ =	sdelay $0x1  }
0x8a: {  	s1 =	srdreg.scid  }
0x8b: {  	s0 =	sand.u32 $0x1, s1  }
0x8c: {  	s17 =	sshll.u32 s0, $0xA;
	s2 =	sadd.s32 s3, s2  }
0x8d: {  	s2 =	sadd.s32 s2, s17  }
0x8e: {  	[smem:$0x3FC6] =	sst s2  }
0x8f: {  	_ = 	snop  }
0x90: {  	s2 =	sld [smem:$0x3FC9]  }
0x91: {  	s18 =	sld [smem:$0x3FD0];
	(tm) =	ssettm $0x1  }
0x92: {  	s4 =	sld [smem:$0x3FFB];
	_ =	sdelay $0x3  }
0x93: {  	_ =	strace s4  }
0x94: {  	s4 =	sld [smem:$0x3FFC];
	_ =	sdelay $0x3  }
0x95: {  	_ =	strace s4  }
0x96: {  	s4 =	sld [smem:$0x3FFD];
	_ =	sdelay $0x3  }
0x97: {  	_ =	strace s4  }
0x98: {  	_ =	strace $0x8FFFFFFF  }
0x99: {  	s19 =	sld [smem:$0x3FDB];
	_ =	sdelay $0x1  }
0x9a: {  	s5 =	simm.s32 $_scs_section_size  }
0x9b: {  	s6 =	simm.s32 $_size__tile_overlayer_lowered;
	s7 =	simm.s32 $_tile_overlayer_lowered  }
0x9c: {  	s22 =	simm.s32 $0x1BFF;
	s21 =	sshll.u32 s7, $0x1;
	s4 =	sadd.s32 s5, s19  }
0x9d: {  	s8 =	simm.s32 $0x0;
	s20 =	sshll.u32 s6, $0x1;
	s6 =	sadd.s32 s21, s4  }
0x9e: {  	[timem:s8], [sflag:s22] =	dma.local [hbm:s6], s20  }
0x9f: {  	_ =	swait.ge [sflag:s22], s20  }
0xa0: {  	s5 =	ssub.s32 $0x0, s20;
	[sflag:s22] =	ssyncset.done $0x0  }
0xa1: {  	[sflag:s22] =	ssyncadd.s32 s5;
	_ =	sdelay $0x1  }
0xa2: {  	s23 =	simm.s32 $0x1B8B  }
0xa3: {  	_ =	swait.ge [sflag:s23], $0x1  }
0xa4: {  	[sflag:s23] =	ssyncset.done $0x0  }
0xa5: {  	s25 =	simm.s32 $0x1B8E;
	s24 =	sld [smem:$0x3FFE];
	[sflag:s23] =	ssyncadd.s32 $0xFFFFFFFF  }
0xa6: {  	s26 =	simm.s32 $execute0_lowered;
	[smem:$0x3FD2] =	sst s25  }
0xa7: {  	s6 =	sshll.u32 s26, $0x1;
	_ =	strace $0x80000046;
	[dreg:$0x1] =	wrdreg $0xFFFFFFFF  }
0xa8: {  	s28 =	simm.s32 $_size_execute0_lowered;
	s4 =	sadd.s32 s4, s6;
	[dreg:$0x0] =	wrdreg $0x0  }
0xa9: {  	s6 =	sshll.u32 s28, $0x1;
	[dreg:$0x2] =	wrdreg s4  }
0xaa: {  	[dreg:$0x3] =	wrdreg s6  }
0xab: {  	[dreg:$0x4] =	wrdreg $0xC0  }
0xac: {  	_ =	task [dreg:s8], $0x5FFFF  }
0xad: {  	[dreg:$0x1] =	wrdreg $0xFFFFFFFF  }
0xae: {  	[dreg:$0x0] =	wrdreg $0x60  }
0xaf: {  	[dreg:$0x2] =	wrdreg s2  }
0xb0: {  	[dreg:$0x3] =	wrdreg s24  }
0xb1: {  	[dreg:$0x4] =	wrdreg s18  }
0xb2: {  	[dreg:$0x5] =	wrdreg $0x9  }
0xb3: {  	_ =	task.clear_ibuf [dreg:s8], $0x6FFFF;
	_ =	strace $0x90000046  }
0xb4: {  	s29 =	simm.s32 $0x9;
	_ =	strace $0x80000048  }
0xb5: {  	_ =	swait.ge [sflag:s29], $0x1  }
0xb6: {  	[sflag:s29] =	ssyncadd.s32 $0xFFFFFFFF  }
0xb7: {  	_ =	strace $0x90000048  }
0xb8: {  	_ =	sfence  }
0xb9: {  	s30 =	sld [smem:$0x0];
	_ =	sdelay $0x2  }
0xba: {  	s31 =	sshll.u32 s1, $0xD;
	s1 =	sshrl.u32 s1, $0x2  }
0xbb: {  	s3 =	sand.u32 $0x4000, s31;
	s1 =	sadd.s32 s1, s30  }
0xbc: {  	s0 =	sor.u32 s3, s0;
	s1 =	sshll.u32 s1, $0x11  }
0xbd: {  	s0 =	sor.u32 s1, s0  }
0xbe: {  	s0 =	sadd.s32 $0x8F2B, s0  }
0xbf: {  	[sflag:s0] =	ssyncadd.remote.s32 $0x1  }
0xc0: {  	_ =	sfence.sel $0xFFFF  }
0xc1: {  	[dreg:$0x0] =	wrdreg $0xFFFFFFFF;
	(pc) =	sbr.abs _section_cstart, $3  }
0xc2: {  	[dreg:$0x1] =	wrdreg $0xFFFFFFFF  }
0xc3: {  	_ =	task.clear_ibuf [dreg:s8], $0x2FFFF;
	_ =	strace $0x9FFFFFFF  }
0xc4: {  	(tm) =	ssettm $0x7FFFFFFF  }
0xc5: {  	_ =	shalt  }
tec
execute0_lowered:
.L_overlay_start_1:
0x0: {  	(tag) =	ssettag $0x1  }
0x1: {  	s0 =	rddreg [dreg:$0x0];
	v0 =	vlaneseq.u32  }
0x2: {  	s1 =	rddreg [dreg:$0x1];
	v0 =	vmul.u32 $0x88, v0  }
0x3: {  	s2 =	rddreg [dreg:$0x2];
	v1 =	vimm.s32 $0x0;
	vm0 =	vcmask $0x300  }
0x4: {  	s3 =	srdreg.scid;
	s5 =	stileid.u32;
	s13 =	simm.s32 $0x80;
	v1 =	vsel vm0, $0x3, v1;
	v2 =	vor.u32 $0x1, v0  }
0x5: {  	s14 =	simm.s32 $0x6400;
	s18 =	simm.s32 $0xC400;
	s19 =	simm.s32 $0x1;
	v3 =	vor.u32 $0x2, v0;
	v4 =	vor.u32 $0x3, v0;
	v5 =	vor.u32 $0x4, v0  }
0x6: {  	s20 =	simm.s32 $0xE400;
	s21 =	simm.s32 $0x2;
	s22 =	simm.s32 $0x6;
	v6 =	vor.u32 $0x5, v0;
	v7 =	vor.u32 $0x6, v0;
	v8 =	vor.u32 $0x7, v0  }
0x7: {  	s23 =	simm.s32 $0x10600;
	s24 =	simm.s32 $0x3;
	s25 =	simm.s32 $0x5;
	v9 =	vadd.s32 $0x880, v0;
	v10 =	vadd.s32 $0x881, v0;
	v11 =	vadd.s32 $0x882, v0  }
0x8: {  	s26 =	simm.s32 $0x4;
	s4 =	sand.u32 $0x1, s3;
	s3 =	simm.s32 $0x0;
	v12 =	vadd.s32 $0x883, v0;
	v13 =	vadd.s32 $0x884, v0;
	v14 =	vadd.s32 $0x885, v0  }
0x9: {  	s5 =	sshll.u32 s5, $0xB;
	s6 =	sshll.u32 s4, $0xA;
	[smem:$0x7FF] =	sst s3;
	v15 =	vadd.s32 $0x886, v0;
	v16 =	vadd.s32 $0x887, v0;
	v17 =	vadd.s32 $0x1100, v0  }
.Ltmp0:
0xa: {  	s7 =	ssub.s32 $0x2, s4;
	s4 =	sor.u32 s6, s5;
	v18 =	vadd.s32 $0x1101, v0;
	v19 =	vadd.s32 $0x1102, v0;
	v20 =	vadd.s32 $0x1103, v0;
	(pc) =	sbr.rel .LBB2_1-.Ltmp0, $4  }
0xb: {  	_ =	strace $0x80000047;
	s29 =	sshrl.u32 s7, $0x1;
	v21 =	vadd.s32 $0x1104, v0;
	v22 =	vadd.s32 $0x1105, v0;
	v23 =	vadd.s32 $0x1106, v0;
	s8 =	sshrl.u32 s4, $0x3  }
0xc: {  	s5 =	sadd.s32 $0xF42800, s1;
	v24 =	vadd.s32 $0x1107, v0;
	v25 =	vadd.s32 $0x1980, v0;
	v26 =	vadd.s32 $0x1981, v0;
	s30 =	ssub.s32 s7, s29;
	s0 =	sadd.s32 s0, s8  }
0xd: {  	v27 =	vadd.s32 $0x1982, v0;
	v28 =	vadd.s32 $0x1983, v0;
	v29 =	vadd.s32 $0x1984, v0;
	s1 =	simm.s32 $0x0;
	s31 =	smax.u32 s30, $0x1;
	[dreg:$0x4] =	wrdreg s0  }
0xe: {  	v30 =	vadd.s32 $0x1985, v0;
	v31 =	vadd.s32 $0x1986, v0;
	v32 =	vadd.s32 $0x1987, v0;
	s7 =	sadd.s32 $0x8000, s2;
	s8 =	sadd.s32 $0x10000, s2;
	[dreg:$0x5] =	wrdreg s31  }
.LBB2_67:
0xf: {  	_ =	swait.ge [sflag:s25], $0x2000  }
0x10: {  	[sflag:s25] =	ssyncset.done $0x0  }
0x11: {  	[sflag:s25] =	ssyncadd.s32 $0xFFFFE000  }
0x12: {  	_ =	swait.ge [sflag:s22], $0x2000  }
0x13: {  	s1 =	rddreg [dreg:$0x6]  }
0x14: {  	s0 =	rddreg [dreg:$0x5];
	s1 =	sadd.s32 $0x1, s1  }
0x15: {  	p0 =	sne.s32 s1, s0  }
.Ltmp1:
0x16: {  	_ = 	snop;
	(pc) =	sbr.rel @!p0 .LBB2_68-.Ltmp1, $3  }
0x17: {  	_ =	sdelay $0x1  }
0x18: {  	[sflag:s22] =	ssyncset.done $0x0  }
0x19: {  	[sflag:s22] =	ssyncadd.s32 $0xFFFFE000  }
.LBB2_1:
0x1a: {  	[dreg:$0x6] =	wrdreg s1  }
0x1b: {  	s0 =	rddreg [dreg:$0x4]  }
0x1c: {  	s16 =	simm.s32 $0x400;
	s6 =	simm.s32 $0x8000;
	s17 =	simm.s32 $0x7  }
0x1d: {  	[tilespmem:s3], [sflag:$0x7] =	stream.strided.gather [hbm4b:s0+s16], $0x6400, s6, s16, $0x38;
	[tilespmem:$0x12800] =	vst v63  }
0x1e: {  	_ =	swait.ge [sflag:s17], $0x6400  }
0x1f: {  	[sflag:s17] =	ssyncset.done $0x0  }
0x20: {  	[sflag:s17] =	ssyncadd.s32 $0xFFFF9C00  }
0x21: {  	[tilespmem:s14], [sflag:$0x1] =	stream.indirect.gather [hbm4b:s5+s13], $0x40, s3, s13, $0xb8;
	[tilespmem:$0x12800] =	vst v63  }
0x22: {  	s28 =	simm.s32 $0x8400  }
0x23: {  	[tilespmem:s28], [sflag:$0x2] =	stream.indirect.gather [hbm4b:s5+s13], $0x40, s13, s13, $0xb8;
	[tilespmem:$0x12800] =	vst v63  }
0x24: {  	s30 =	simm.s32 $0x100;
	s31 =	simm.s32 $0xA400;
	s29 =	simm.s32 $0x0  }
0x25: {  	[tilespmem:s31], [sflag:$0x3] =	stream.indirect.gather [hbm4b:s5+s13], $0x40, s30, s13, $0xb8;
	[tilespmem:$0x12800] =	vst v63  }
.LBB2_2:
0x26: {  	s30 =	sshllo.u32 s29, $0x2  }
0x27: {  	s1 =	sshll.u32 s29, $0x9;
	s9 =	simm.s32 $0x0;
	s0 =	sshll.u32 s30, $0x7  }
0x28: {  	p0 =	seq.s32 s29, $0x0;
	s1 =	sand.u32 $0x7C00, s1;
	s0 =	sand.u32 $0x380, s0  }
0x29: {  	s10 =	simm.s32 $0x1;
	s11 =	simm.s32 $0x2;
	s0 =	sor.u32 s0, s1  }
0x2a: {  	[tilespmem:s18], [sflag:$0x4] =	stream.indirect.gather [hbm4b:s5+s13], $0x40, s0, s13, $0xb8;
	[tilespmem:$0x12800] =	vst v63  }
0x2b: {  	s6 =	simm.s32 $0x3;
	s12 =	simm.s32 $0x4;
	_ =	swait.ge [sflag:s19], $0x2000  }
0x2c: {  	s15 =	simm.s32 $0x5;
	s16 =	simm.s32 $0x6;
	v33 =	vmov s9;
	v34 =	vmov s10;
	[sflag:s19] =	ssyncset.done $0x0  }
0x2d: {  	s17 =	simm.s32 $0x7;
	v35 =	vmov s11;
	v36 =	vmov s6;
	s9 =	simm.s32 @!p0 $0x5;
	v37 =	vmov s12;
	[sflag:s19] =	ssyncadd.s32 $0xFFFFE000  }
0x2e: {  	v38 =	vmov s15;
	v39 =	vmov s16;
	v60 =	vmov s17;
	_ =	swait.ge @!p0 [sflag:s9], $0x2000  }
0x2f: {  	v33 =	vshrl.u32 v33, $0x3;
	v59 =	vshrl.u32 v34, $0x3;
	v35 =	vshrl.u32 v35, $0x3;
	[sflag:s9] =	ssyncset.done @!p0 $0x0  }
0x30: {  	s17 =	simm.s32 $0x6500;
	v36 =	vshrl.u32 v36, $0x3;
	v34 =	vshrl.u32 v60, $0x3;
	v37 =	vshrl.u32 v37, $0x3;
	[sflag:s9] =	ssyncadd.s32 @!p0 $0xFFFFE000  }
0x31: {  	v38 =	vshrl.u32 v38, $0x3;
	v39 =	vshrl.u32 v39, $0x3;
	v34 =	vshll.u32 v34, v1;
	v42 =	vld [tilespmem:s17+$0xC0]  }
0x32: {  	v40 =	vshll.u32 v33, v1;
	v41 =	vshll.u32 v59, v1;
	v33 =	vbroadcast v34, $0x0;
	v43 =	vld [tilespmem:s17+$0xFFFFFF40]  }
0x33: {  	v35 =	vshll.u32 v35, v1;
	v36 =	vshll.u32 v36, v1;
	v34 =	vbroadcast v41, $0x0;
	v61 =	vld [tilespmem:s17+$0xFFFFFF80]  }
0x34: {  	v37 =	vshll.u32 v37, v1;
	v35 =	vbroadcast v35, $0x0;
	v44 =	vadd.s32 v8, v33;
	v46 =	vld [tilespmem:s17+$0xFFFFFFC0]  }
0x35: {  	v38 =	vshll.u32 v38, v1;
	v36 =	vbroadcast v36, $0x0;
	v45 =	vadd.s32 v2, v34;
	v48 =	vld [tilespmem:s17+$0x0]  }
0x36: {  	v39 =	vshll.u32 v39, v1;
	v37 =	vbroadcast v37, $0x0;
	v47 =	vadd.s32 v3, v35;
	v50 =	vld [tilespmem:s17+$0x40]  }
0x37: {  	v38 =	vbroadcast v38, $0x0;
	v49 =	vadd.s32 v4, v36;
	v54 =	vld [tilespmem:s17+$0xFFFFFF00];
	v42 =	vmul.f32 $8.000000000e+00, v42  }
0x38: {  	v39 =	vbroadcast v39, $0x0;
	v52 =	vadd.s32 v5, v37;
	v53 =	vld [tilespmem:s17+$0x80];
	v43 =	vmul.f32 $8.000000000e+00, v43  }
0x39: {  	s28 =	simm.s32 $0x8;
	v40 =	vbroadcast v40, $0x0;
	v55 =	vadd.s32 v6, v38;
	v51 =	vmul.f32 $8.000000000e+00, v61;
	[tilespmem:v44+s20+$0x0] =	vst.idx.msk $0xffff, v42  }
0x3a: {  	s1 =	simm.s32 $0x9;
	v41 =	vmov s28;
	v62 =	vmul.f32 $8.000000000e+00, v46;
	[tilespmem:v45+s20+$0x0] =	vst.idx.msk $0xffff, v43;
	v43 =	vadd.s32 v7, v39  }
0x3b: {  	s16 =	simm.s32 $0xE;
	v63 =	vmul.f32 $8.000000000e+00, v48;
	v48 =	vmov s1;
	v42 =	vadd.s32 v0, v40;
	[tilespmem:v47+s20+$0x0] =	vst.idx.msk $0xffff, v51  }
0x3c: {  	s10 =	simm.s32 $0xA;
	v56 =	vmul.f32 $8.000000000e+00, v50;
	v50 =	vmov s16;
	v46 =	vmul.f32 $8.000000000e+00, v54;
	[tilespmem:v49+s20+$0x0] =	vst.idx.msk $0xffff, v62  }
0x3d: {  	s31 =	simm.s32 $0xC;
	s11 =	simm.s32 $0xB;
	s15 =	simm.s32 $0xD;
	v44 =	vshrl.u32 v41, $0x3;
	v47 =	vmov s10;
	[tilespmem:v52+s20+$0x0] =	vst.idx.msk $0xffff, v63;
	v45 =	vmul.f32 $8.000000000e+00, v53  }
0x3e: {  	s6 =	simm.s32 $0x10;
	s0 =	sshll.u32 s29, $0x2;
	s9 =	simm.s32 $0xF;
	v51 =	vmov s11;
	v49 =	vmov s31;
	v52 =	vmov s15;
	[tilespmem:v55+s20+$0x0] =	vst.idx.msk $0xffff, v56  }
.LBB2_3:
0x3f: {  	p1 =	slt.u32 s6, $0x78;
	v44 =	vshll.u32 v44, v1;
	v48 =	vshrl.u32 v48, $0x3;
	v53 =	vmov s9;
	[tilespmem:v43+s20+$0x0] =	vst.idx.msk $0xffff, v45  }
0x40: {  	v43 =	vshrl.u32 v47, $0x3;
	v45 =	vshrl.u32 v51, $0x3;
	v47 =	vshrl.u32 v53, $0x3;
	[tilespmem:v42+s20+$0x0] =	vst.idx.msk $0xffff, v46  }
0x41: {  	s17 =	sadd.s32 $0x200, s17;
	v42 =	vshrl.u32 v49, $0x3;
	v46 =	vshrl.u32 v52, $0x3;
	v47 =	vshll.u32 v47, v1  }
0x42: {  	v48 =	vshll.u32 v48, v1;
	v49 =	vshrl.u32 v50, $0x3;
	v50 =	vld [tilespmem:s17+$0xC0];
	v47 =	vbroadcast v47, $0x0  }
0x43: {  	v43 =	vshll.u32 v43, v1;
	v45 =	vshll.u32 v45, v1;
	v48 =	vbroadcast v48, $0x0;
	v51 =	vld [tilespmem:s17+$0xFFFFFF40]  }
0x44: {  	v43 =	vbroadcast v43, $0x0;
	v42 =	vshll.u32 v42, v1;
	v52 =	vld [tilespmem:s17+$0xFFFFFF80];
	v47 =	vadd.s32 v8, v47  }
0x45: {  	v45 =	vbroadcast v45, $0x0;
	v46 =	vshll.u32 v46, v1;
	v48 =	vadd.s32 v2, v48;
	v53 =	vld [tilespmem:s17+$0xFFFFFFC0]  }
0x46: {  	v42 =	vbroadcast v42, $0x0;
	v54 =	vadd.s32 v3, v43;
	v43 =	vshll.u32 v49, v1;
	v55 =	vld [tilespmem:s17+$0x0]  }
0x47: {  	v46 =	vbroadcast v46, $0x0;
	v45 =	vadd.s32 v4, v45;
	v49 =	vld [tilespmem:s17+$0x40];
	v50 =	vmul.f32 $8.000000000e+00, v50  }
0x48: {  	v56 =	vadd.s32 v5, v42;
	v42 =	vbroadcast v43, $0x0;
	v51 =	vmul.f32 $8.000000000e+00, v51;
	v57 =	vld [tilespmem:s17+$0x80]  }
0x49: {  	v59 =	vbroadcast v44, $0x0;
	v60 =	vadd.s32 v6, v46;
	v58 =	vld [tilespmem:s17+$0xFFFFFF00];
	v52 =	vmul.f32 $8.000000000e+00, v52;
	[tilespmem:v47+s20+$0x0] =	vst.idx.msk $0xffff, v50  }
.Ltmp2:
0x4a: {  	v44 =	vmov s6;
	v43 =	vadd.s32 v7, v42;
	[tilespmem:v48+s20+$0x0] =	vst.idx.msk $0xffff, v51;
	v46 =	vmul.f32 $8.000000000e+00, v53;
	(pc) =	sbr.rel @p1 .LBB2_3-.Ltmp2, $4  }
0x4b: {  	s9 =	sadd.s32 $0x1, s6;
	s12 =	sadd.s32 $0x2, s6;
	v44 =	vshrl.u32 v44, $0x3;
	v42 =	vadd.s32 v0, v59;
	[tilespmem:v54+s20+$0x0] =	vst.idx.msk $0xffff, v52;
	v50 =	vmul.f32 $8.000000000e+00, v55  }
0x4c: {  	v47 =	vmov s12;
	s12 =	sadd.s32 $0x4, s6;
	v48 =	vmov s9;
	s9 =	sadd.s32 $0x3, s6;
	[tilespmem:v45+s20+$0x0] =	vst.idx.msk $0xffff, v46;
	v53 =	vmul.f32 $8.000000000e+00, v49  }
0x4d: {  	v51 =	vmov s9;
	s9 =	sadd.s32 $0x5, s6;
	v49 =	vmov s12;
	s12 =	sadd.s32 $0x6, s6;
	[tilespmem:v56+s20+$0x0] =	vst.idx.msk $0xffff, v50;
	v45 =	vmul.f32 $8.000000000e+00, v57  }
0x4e: {  	v52 =	vmov s9;
	s9 =	sadd.s32 $0x7, s6;
	s6 =	sadd.s32 $0x8, s6;
	v50 =	vmov s12;
	v46 =	vmul.f32 $8.000000000e+00, v58;
	[tilespmem:v60+s20+$0x0] =	vst.idx.msk $0xffff, v53  }
0x4f: {  	v44 =	vshll.u32 v44, v1;
	v48 =	vshrl.u32 v48, $0x3  }
0x50: {  	v53 =	vmov s9;
	v47 =	vshrl.u32 v47, $0x3;
	v51 =	vshrl.u32 v51, $0x3  }
0x51: {  	v49 =	vshrl.u32 v49, $0x3;
	v52 =	vshrl.u32 v52, $0x3;
	s6 =	sadd.s32 $0x200, s17;
	v50 =	vshrl.u32 v50, $0x3  }
0x52: {  	v53 =	vshrl.u32 v53, $0x3;
	v48 =	vshll.u32 v48, v1;
	v47 =	vshll.u32 v47, v1;
	v56 =	vld [tilespmem:s6+$0xFFFFFF80]  }
0x53: {  	v51 =	vshll.u32 v51, v1;
	v49 =	vshll.u32 v49, v1;
	v60 =	vld [tilespmem:s6+$0xFFFFFF00];
	v44 =	vbroadcast v44, $0x0  }
0x54: {  	v55 =	vld [tilespmem:s6+$0xFFFFFF40];
	v52 =	vshll.u32 v52, v1;
	v53 =	vshll.u32 v53, v1;
	v48 =	vbroadcast v48, $0x0  }
0x55: {  	v47 =	vbroadcast v47, $0x0;
	v51 =	vbroadcast v51, $0x0;
	v44 =	vadd.s32 v0, v44  }
0x56: {  	v54 =	vld [tilespmem:s6+$0xC0];
	v50 =	vshll.u32 v50, v1;
	v53 =	vbroadcast v53, $0x0;
	v48 =	vadd.s32 v2, v48  }
0x57: {  	[tilespmem:v43+s20+$0x0] =	vst.idx.msk $0xffff, v45;
	v58 =	vld [tilespmem:s6+$0x0];
	v49 =	vbroadcast v49, $0x0;
	v47 =	vadd.s32 v3, v47;
	v43 =	vadd.s32 v4, v51  }
0x58: {  	v57 =	vld [tilespmem:s6+$0xFFFFFFC0];
	v53 =	vadd.s32 v8, v53;
	v61 =	vmul.f32 $8.000000000e+00, v56;
	v56 =	vmul.f32 $8.000000000e+00, v60  }
0x59: {  	v45 =	vld [tilespmem:s6+$0x40];
	[tilespmem:v42+s20+$0x0] =	vst.idx.msk $0xffff, v46;
	v51 =	vbroadcast v52, $0x0;
	v46 =	vadd.s32 v5, v49;
	v63 =	vmul.f32 $8.000000000e+00, v55  }
0x5a: {  	v59 =	vld [tilespmem:s6+$0x80];
	v50 =	vbroadcast v50, $0x0;
	[tilespmem:v44+s20+$0x0] =	vst.idx.msk $0xffff, v56  }
0x5b: {  	v62 =	vmul.f32 $8.000000000e+00, v54;
	v51 =	vadd.s32 v6, v51;
	[tilespmem:v48+s20+$0x0] =	vst.idx.msk $0xffff, v63  }
0x5c: {  	v52 =	vmul.f32 $8.000000000e+00, v58;
	v63 =	vadd.s32 v7, v50;
	[tilespmem:v47+s20+$0x0] =	vst.idx.msk $0xffff, v61  }
0x5d: {  	[tilespmem:v53+s20+$0x0] =	vst.idx.msk $0xffff, v62;
	v62 =	vmul.f32 $8.000000000e+00, v57  }
0x5e: {  	[tilespmem:v46+s20+$0x0] =	vst.idx.msk $0xffff, v52;
	v53 =	vmul.f32 $8.000000000e+00, v45  }
0x5f: {  	v55 =	vmul.f32 $8.000000000e+00, v59;
	[tilespmem:v43+s20+$0x0] =	vst.idx.msk $0xffff, v62  }
0x60: {  	[tilespmem:v51+s20+$0x0] =	vst.idx.msk $0xffff, v53  }
0x61: {  	s6 =	simm.s32 $0x6510;
	[tilespmem:v63+s20+$0x0] =	vst.idx.msk $0xffff, v55  }
0x62: {  	v42 =	vld [tilespmem:s6+$0xC0]  }
0x63: {  	v43 =	vld [tilespmem:s6+$0xFFFFFF40]  }
0x64: {  	v33 =	vadd.s32 v16, v33;
	v44 =	vld [tilespmem:s6+$0xFFFFFF80]  }
0x65: {  	v34 =	vadd.s32 v10, v34;
	v45 =	vld [tilespmem:s6+$0xFFFFFFC0]  }
0x66: {  	v35 =	vadd.s32 v11, v35;
	v46 =	vld [tilespmem:s6+$0x0]  }
0x67: {  	v36 =	vadd.s32 v12, v36;
	v47 =	vld [tilespmem:s6+$0x40];
	v42 =	vmul.f32 $8.000000000e+00, v42  }
0x68: {  	v57 =	vadd.s32 v13, v37;
	v58 =	vld [tilespmem:s6+$0x80];
	v43 =	vmul.f32 $8.000000000e+00, v43  }
0x69: {  	v60 =	vadd.s32 v14, v38;
	v59 =	vld [tilespmem:s6+$0xFFFFFF00];
	v44 =	vmul.f32 $8.000000000e+00, v44;
	[tilespmem:v33+s20+$0x0] =	vst.idx.msk $0xffff, v42  }
0x6a: {  	v61 =	vmul.f32 $8.000000000e+00, v45;
	[tilespmem:v34+s20+$0x0] =	vst.idx.msk $0xffff, v43;
	v34 =	vadd.s32 v15, v39  }
0x6b: {  	v38 =	vmov s10;
	v62 =	vmul.f32 $8.000000000e+00, v46;
	v33 =	vadd.s32 v9, v40;
	[tilespmem:v35+s20+$0x0] =	vst.idx.msk $0xffff, v44  }
0x6c: {  	v37 =	vshrl.u32 v41, $0x3;
	v41 =	vmov s1;
	v63 =	vmul.f32 $8.000000000e+00, v47;
	[tilespmem:v36+s20+$0x0] =	vst.idx.msk $0xffff, v61  }
0x6d: {  	v42 =	vmov s11;
	v39 =	vmov s31;
	[tilespmem:v57+s20+$0x0] =	vst.idx.msk $0xffff, v62;
	v35 =	vmul.f32 $8.000000000e+00, v58  }
0x6e: {  	s9 =	simm.s32 $0xF;
	s1 =	simm.s32 $0x10;
	v43 =	vmov s15;
	v40 =	vmov s16;
	v36 =	vmul.f32 $8.000000000e+00, v59;
	[tilespmem:v60+s20+$0x0] =	vst.idx.msk $0xffff, v63  }
.LBB2_5:
0x6f: {  	p1 =	slt.u32 s1, $0x78;
	v37 =	vshll.u32 v37, v1;
	v41 =	vshrl.u32 v41, $0x3;
	v44 =	vmov s9;
	[tilespmem:v34+s20+$0x0] =	vst.idx.msk $0xffff, v35  }
0x70: {  	v34 =	vshrl.u32 v38, $0x3;
	v35 =	vshrl.u32 v42, $0x3;
	v38 =	vshrl.u32 v44, $0x3;
	[tilespmem:v33+s20+$0x0] =	vst.idx.msk $0xffff, v36  }
0x71: {  	s6 =	sadd.s32 $0x200, s6;
	v33 =	vshrl.u32 v39, $0x3;
	v36 =	vshrl.u32 v43, $0x3;
	v38 =	vshll.u32 v38, v1  }
0x72: {  	v40 =	vshrl.u32 v40, $0x3;
	v39 =	vshll.u32 v41, v1;
	v41 =	vld [tilespmem:s6+$0xC0];
	v38 =	vbroadcast v38, $0x0  }
0x73: {  	v34 =	vshll.u32 v34, v1;
	v35 =	vshll.u32 v35, v1;
	v39 =	vbroadcast v39, $0x0;
	v42 =	vld [tilespmem:s6+$0xFFFFFF40]  }
0x74: {  	v34 =	vbroadcast v34, $0x0;
	v33 =	vshll.u32 v33, v1;
	v43 =	vld [tilespmem:s6+$0xFFFFFF80];
	v38 =	vadd.s32 v16, v38  }
0x75: {  	v35 =	vbroadcast v35, $0x0;
	v36 =	vshll.u32 v36, v1;
	v39 =	vadd.s32 v10, v39;
	v44 =	vld [tilespmem:s6+$0xFFFFFFC0]  }
0x76: {  	v33 =	vbroadcast v33, $0x0;
	v45 =	vadd.s32 v11, v34;
	v34 =	vshll.u32 v40, v1;
	v46 =	vld [tilespmem:s6+$0x0]  }
0x77: {  	v36 =	vbroadcast v36, $0x0;
	v35 =	vadd.s32 v12, v35;
	v40 =	vld [tilespmem:s6+$0x40];
	v41 =	vmul.f32 $8.000000000e+00, v41  }
0x78: {  	v47 =	vadd.s32 v13, v33;
	v33 =	vbroadcast v34, $0x0;
	v42 =	vmul.f32 $8.000000000e+00, v42;
	v48 =	vld [tilespmem:s6+$0x80]  }
0x79: {  	v50 =	vbroadcast v37, $0x0;
	v51 =	vadd.s32 v14, v36;
	v49 =	vld [tilespmem:s6+$0xFFFFFF00];
	v43 =	vmul.f32 $8.000000000e+00, v43;
	[tilespmem:v38+s20+$0x0] =	vst.idx.msk $0xffff, v41  }
.Ltmp3:
0x7a: {  	v36 =	vmov s1;
	v34 =	vadd.s32 v15, v33;
	[tilespmem:v39+s20+$0x0] =	vst.idx.msk $0xffff, v42;
	v39 =	vmul.f32 $8.000000000e+00, v44;
	(pc) =	sbr.rel @p1 .LBB2_5-.Ltmp3, $4  }
0x7b: {  	s9 =	sadd.s32 $0x1, s1;
	s10 =	sadd.s32 $0x2, s1;
	v37 =	vshrl.u32 v36, $0x3;
	v33 =	vadd.s32 v9, v50;
	[tilespmem:v45+s20+$0x0] =	vst.idx.msk $0xffff, v43;
	v36 =	vmul.f32 $8.000000000e+00, v46  }
0x7c: {  	v41 =	vmov s9;
	v38 =	vmov s10;
	s9 =	sadd.s32 $0x3, s1;
	s10 =	sadd.s32 $0x4, s1;
	[tilespmem:v35+s20+$0x0] =	vst.idx.msk $0xffff, v39;
	v44 =	vmul.f32 $8.000000000e+00, v40  }
0x7d: {  	v42 =	vmov s9;
	s9 =	sadd.s32 $0x5, s1;
	v39 =	vmov s10;
	s10 =	sadd.s32 $0x6, s1;
	[tilespmem:v47+s20+$0x0] =	vst.idx.msk $0xffff, v36;
	v35 =	vmul.f32 $8.000000000e+00, v48  }
0x7e: {  	v43 =	vmov s9;
	s9 =	sadd.s32 $0x7, s1;
	s1 =	sadd.s32 $0x8, s1;
	v40 =	vmov s10;
	v36 =	vmul.f32 $8.000000000e+00, v49;
	[tilespmem:v51+s20+$0x0] =	vst.idx.msk $0xffff, v44  }
0x7f: {  	v37 =	vshll.u32 v37, v1;
	v41 =	vshrl.u32 v41, $0x3;
	v44 =	vmov s9  }
0x80: {  	v38 =	vshrl.u32 v38, $0x3;
	v42 =	vshrl.u32 v42, $0x3;
	v39 =	vshrl.u32 v39, $0x3  }
0x81: {  	s1 =	sadd.s32 $0x200, s6;
	v43 =	vshrl.u32 v43, $0x3;
	v40 =	vshrl.u32 v40, $0x3;
	v44 =	vshrl.u32 v44, $0x3  }
0x82: {  	v41 =	vshll.u32 v41, v1;
	v38 =	vshll.u32 v38, v1;
	v56 =	vld [tilespmem:s1+$0xFFFFFF00];
	v37 =	vbroadcast v37, $0x0  }
0x83: {  	v46 =	vld [tilespmem:s1+$0xFFFFFF40];
	v42 =	vshll.u32 v42, v1;
	v39 =	vshll.u32 v39, v1;
	v41 =	vbroadcast v41, $0x0  }
0x84: {  	v47 =	vld [tilespmem:s1+$0xFFFFFF80];
	v43 =	vshll.u32 v43, v1;
	v38 =	vbroadcast v38, $0x0;
	v59 =	vadd.s32 v9, v37  }
0x85: {  	v48 =	vld [tilespmem:s1+$0xFFFFFFC0];
	v40 =	vshll.u32 v40, v1;
	v42 =	vbroadcast v42, $0x0;
	v41 =	vadd.s32 v10, v41  }
0x86: {  	v49 =	vld [tilespmem:s1+$0x0];
	v39 =	vbroadcast v39, $0x0;
	v63 =	vbroadcast v43, $0x0;
	v38 =	vadd.s32 v11, v38  }
0x87: {  	[tilespmem:v34+s20+$0x0] =	vst.idx.msk $0xffff, v35;
	v50 =	vld [tilespmem:s1+$0x40];
	v55 =	vbroadcast v40, $0x0;
	v62 =	vadd.s32 v12, v42;
	v40 =	vmul.f32 $8.000000000e+00, v56  }
0x88: {  	v52 =	vld [tilespmem:s1+$0x80];
	[tilespmem:v33+s20+$0x0] =	vst.idx.msk $0xffff, v36;
	v44 =	vshll.u32 v44, v1;
	v54 =	vadd.s32 v13, v39;
	v53 =	vmul.f32 $8.000000000e+00, v46  }
0x89: {  	v45 =	vld [tilespmem:s1+$0xC0];
	v44 =	vbroadcast v44, $0x0;
	v35 =	vadd.s32 v14, v63;
	v57 =	vmul.f32 $8.000000000e+00, v47;
	[tilespmem:v59+s20+$0x0] =	vst.idx.msk $0xffff, v40  }
0x8a: {  	v39 =	vadd.s32 v15, v55;
	v58 =	vmul.f32 $8.000000000e+00, v48;
	[tilespmem:v41+s20+$0x0] =	vst.idx.msk $0xffff, v53  }
0x8b: {  	p2 =	por $0x1, $0x1;
	s12 =	simm.s32 $0x2;
	v44 =	vadd.s32 v16, v44;
	v60 =	vmul.f32 $8.000000000e+00, v49;
	[tilespmem:v38+s20+$0x0] =	vst.idx.msk $0xffff, v57  }
.Ltmp4:
0x8c: {  	s16 =	simm.s32 $0x4;
	s28 =	simm.s32 $0x6;
	v34 =	vmov s12;
	v61 =	vmul.f32 $8.000000000e+00, v50;
	[tilespmem:v62+s20+$0x0] =	vst.idx.msk $0xffff, v58;
	(pc) =	sbr.rel @!p2 .LBB2_10-.Ltmp4, $4  }
0x8d: {  	s9 =	simm.s32 $0x0;
	s11 =	simm.s32 $0x1;
	v36 =	vmov s16;
	v37 =	vmov s28;
	v63 =	vmul.f32 $8.000000000e+00, v52;
	[tilespmem:v54+s20+$0x0] =	vst.idx.msk $0xffff, v60  }
0x8e: {  	s10 =	simm.s32 $0x6520;
	s15 =	simm.s32 $0x3;
	s17 =	simm.s32 $0x5;
	v51 =	vmul.f32 $8.000000000e+00, v45;
	v62 =	vmov s9;
	[tilespmem:v35+s20+$0x0] =	vst.idx.msk $0xffff, v61;
	v35 =	vmov s11  }
0x8f: {  	s31 =	simm.s32 $0x8;
	p1 =	por $0x0, $0x0;
	s6 =	simm.s32 $0x6520;
	v46 =	vmovc v34;
	v47 =	vmovc v36;
	v38 =	vmov s15;
	[tilespmem:v39+s20+$0x0] =	vst.idx.msk $0xffff, v63;
	v39 =	vmov s17;
	v33 =	vshrl.u32 v62, $0x3  }
0x90: {  	p3 =	por $0x0, $0x0;
	s1 =	simm.s32 $0x7;
	v49 =	vmovc v37;
	s9 =	simm.s32 $0x7;
	[tilespmem:v44+s20+$0x0] =	vst.idx.msk $0xffff, v51;
	v45 =	vmovc v35;
	v48 =	vmov v38;
	v50 =	vmov v39;
	v42 =	vmov v33  }
0x91: {  	v40 =	vshll.u32 v33, v1;
	v41 =	vshrl.u32 v35, $0x3;
	v42 =	vmov s1  }
0x92: {  	v43 =	vshrl.u32 v34, $0x3;
	v44 =	vshrl.u32 v38, $0x3;
	v45 =	vshrl.u32 v36, $0x3  }
0x93: {  	v46 =	vshrl.u32 v39, $0x3;
	v47 =	vshrl.u32 v37, $0x3;
	v41 =	vshll.u32 v41, v1  }
0x94: {  	v49 =	vld [tilespmem:s10+$0xFFFFFF40];
	v42 =	vshrl.u32 v42, $0x3;
	v43 =	vshll.u32 v43, v1;
	v41 =	vbroadcast v41, $0x0  }
0x95: {  	v50 =	vld [tilespmem:s10+$0xFFFFFF80];
	v44 =	vshll.u32 v44, v1;
	v45 =	vshll.u32 v45, v1;
	v43 =	vbroadcast v43, $0x0  }
0x96: {  	v51 =	vld [tilespmem:s10+$0xFFFFFFC0];
	v46 =	vshll.u32 v46, v1;
	v44 =	vbroadcast v44, $0x0;
	v41 =	vadd.s32 v18, v41  }
0x97: {  	v52 =	vld [tilespmem:s10+$0x0];
	v42 =	vshll.u32 v42, v1;
	v45 =	vbroadcast v45, $0x0;
	v43 =	vadd.s32 v19, v43  }
0x98: {  	v48 =	vld [tilespmem:s10+$0xC0];
	v47 =	vshll.u32 v47, v1;
	v42 =	vbroadcast v42, $0x0;
	v44 =	vadd.s32 v20, v44  }
0x99: {  	v53 =	vld [tilespmem:s10+$0x40];
	v46 =	vbroadcast v46, $0x0;
	v54 =	vadd.s32 v21, v45;
	v49 =	vmul.f32 $8.000000000e+00, v49  }
0x9a: {  	v55 =	vld [tilespmem:s10+$0x80];
	v62 =	vbroadcast v47, $0x0;
	v42 =	vadd.s32 v24, v42;
	v50 =	vmul.f32 $8.000000000e+00, v50  }
0x9b: {  	v56 =	vld [tilespmem:s10+$0xFFFFFF00];
	p4 =	por $0x1, $0x1;
	v63 =	vbroadcast v40, $0x0;
	v57 =	vadd.s32 v22, v46;
	v61 =	vmul.f32 $8.000000000e+00, v51;
	[tilespmem:v41+s20+$0x0] =	vst.idx.msk $0xffff, v49  }
.Ltmp5:
0x9c: {  	v60 =	vmov s31;
	s17 =	simm.s32 $0xC;
	v40 =	vadd.s32 v23, v62;
	v62 =	vmul.f32 $8.000000000e+00, v52;
	[tilespmem:v43+s20+$0x0] =	vst.idx.msk $0xffff, v50;
	(pc) =	sbr.rel @!p4 .LBB2_8-.Ltmp5, $4  }
0x9d: {  	s6 =	simm.s32 $0x9;
	s9 =	simm.s32 $0xA;
	v47 =	vmov s17;
	v48 =	vmul.f32 $8.000000000e+00, v48;
	v41 =	vadd.s32 v17, v63;
	[tilespmem:v44+s20+$0x0] =	vst.idx.msk $0xffff, v61  }
0x9e: {  	s28 =	simm.s32 $0xD;
	s11 =	simm.s32 $0xE;
	v45 =	vmov s6;
	v46 =	vmov s9;
	v63 =	vmul.f32 $8.000000000e+00, v53;
	[tilespmem:v54+s20+$0x0] =	vst.idx.msk $0xffff, v62  }
0x9f: {  	s16 =	simm.s32 $0xB;
	p3 =	por $0x1, $0x1;
	v43 =	vmul.f32 $8.000000000e+00, v55;
	v50 =	vmov s28;
	v49 =	vmov s11;
	[tilespmem:v42+s20+$0x0] =	vst.idx.msk $0xffff, v48  }
0xa0: {  	s9 =	simm.s32 $0xF;
	s6 =	simm.s32 $0x6520;
	s11 =	simm.s32 $0x10;
	v44 =	vmul.f32 $8.000000000e+00, v56;
	v42 =	vshrl.u32 v60, $0x3;
	v48 =	vmov s16;
	[tilespmem:v57+s20+$0x0] =	vst.idx.msk $0xffff, v63  }
.LBB2_9:
0xa1: {  	p4 =	slt.u32 s11, $0x78;
	v42 =	vshll.u32 v42, v1;
	v45 =	vshrl.u32 v45, $0x3;
	v51 =	vmov s9;
	[tilespmem:v40+s20+$0x0] =	vst.idx.msk $0xffff, v43  }
0xa2: {  	v40 =	vshrl.u32 v46, $0x3;
	v43 =	vshrl.u32 v48, $0x3;
	v46 =	vshrl.u32 v51, $0x3;
	[tilespmem:v41+s20+$0x0] =	vst.idx.msk $0xffff, v44  }
0xa3: {  	s6 =	sadd.s32 $0x200, s6;
	v41 =	vshrl.u32 v47, $0x3;
	v44 =	vshrl.u32 v50, $0x3;
	v46 =	vshll.u32 v46, v1  }
0xa4: {  	v45 =	vshll.u32 v45, v1;
	v47 =	vshrl.u32 v49, $0x3;
	v48 =	vld [tilespmem:s6+$0xC0];
	v46 =	vbroadcast v46, $0x0  }
0xa5: {  	v40 =	vshll.u32 v40, v1;
	v43 =	vshll.u32 v43, v1;
	v45 =	vbroadcast v45, $0x0;
	v49 =	vld [tilespmem:s6+$0xFFFFFF40]  }
0xa6: {  	v40 =	vbroadcast v40, $0x0;
	v41 =	vshll.u32 v41, v1;
	v50 =	vld [tilespmem:s6+$0xFFFFFF80];
	v46 =	vadd.s32 v24, v46  }
0xa7: {  	v43 =	vbroadcast v43, $0x0;
	v44 =	vshll.u32 v44, v1;
	v45 =	vadd.s32 v18, v45;
	v51 =	vld [tilespmem:s6+$0xFFFFFFC0]  }
0xa8: {  	v52 =	vadd.s32 v19, v40;
	v40 =	vbroadcast v41, $0x0;
	v41 =	vshll.u32 v47, v1;
	v53 =	vld [tilespmem:s6+$0x0]  }
0xa9: {  	v44 =	vbroadcast v44, $0x0;
	v43 =	vadd.s32 v20, v43;
	v47 =	vld [tilespmem:s6+$0x40];
	v48 =	vmul.f32 $8.000000000e+00, v48  }
0xaa: {  	v54 =	vadd.s32 v21, v40;
	v40 =	vbroadcast v41, $0x0;
	v49 =	vmul.f32 $8.000000000e+00, v49;
	v55 =	vld [tilespmem:s6+$0x80]  }
0xab: {  	v57 =	vadd.s32 v22, v44;
	v41 =	vbroadcast v42, $0x0;
	v56 =	vld [tilespmem:s6+$0xFFFFFF00];
	v50 =	vmul.f32 $8.000000000e+00, v50;
	[tilespmem:v46+s20+$0x0] =	vst.idx.msk $0xffff, v48  }
.Ltmp6:
0xac: {  	v42 =	vmov s11;
	v40 =	vadd.s32 v23, v40;
	[tilespmem:v45+s20+$0x0] =	vst.idx.msk $0xffff, v49;
	v44 =	vmul.f32 $8.000000000e+00, v51;
	(pc) =	sbr.rel @p4 .LBB2_9-.Ltmp6, $4  }
0xad: {  	s9 =	sadd.s32 $0x1, s11;
	s12 =	sadd.s32 $0x2, s11;
	v42 =	vshrl.u32 v42, $0x3;
	v41 =	vadd.s32 v17, v41;
	[tilespmem:v52+s20+$0x0] =	vst.idx.msk $0xffff, v50;
	v49 =	vmul.f32 $8.000000000e+00, v53  }
0xae: {  	v46 =	vmov s12;
	s12 =	sadd.s32 $0x4, s11;
	v45 =	vmov s9;
	s9 =	sadd.s32 $0x3, s11;
	[tilespmem:v43+s20+$0x0] =	vst.idx.msk $0xffff, v44;
	v51 =	vmul.f32 $8.000000000e+00, v47  }
0xaf: {  	v48 =	vmov s9;
	s9 =	sadd.s32 $0x5, s11;
	v47 =	vmov s12;
	s12 =	sadd.s32 $0x6, s11;
	[tilespmem:v54+s20+$0x0] =	vst.idx.msk $0xffff, v49;
	v43 =	vmul.f32 $8.000000000e+00, v55  }
0xb0: {  	v50 =	vmov s9;
	s9 =	sadd.s32 $0x7, s11;
	s11 =	sadd.s32 $0x8, s11;
	v49 =	vmov s12;
	v44 =	vmul.f32 $8.000000000e+00, v56;
	[tilespmem:v57+s20+$0x0] =	vst.idx.msk $0xffff, v51  }
.LBB2_10:
0xb1: {  	v42 =	vshll.u32 v42, v1  }
0xb2: {  	v45 =	vshrl.u32 v45, $0x3;
	v51 =	vmov s9;
	v46 =	vshrl.u32 v46, $0x3  }
0xb3: {  	v48 =	vshrl.u32 v48, $0x3;
	s6 =	sadd.s32 @p3 $0x200, s6;
	v47 =	vshrl.u32 v47, $0x3;
	v50 =	vshrl.u32 v50, $0x3  }
0xb4: {  	v49 =	vshrl.u32 v49, $0x3;
	v51 =	vshrl.u32 v51, $0x3;
	s10 =	smov.u32 @p3 s6;
	v45 =	vshll.u32 v45, v1  }
0xb5: {  	v46 =	vshll.u32 v46, v1;
	v48 =	vshll.u32 v48, v1;
	v53 =	vld [tilespmem:s10+$0xFFFFFF40];
	v45 =	vbroadcast v45, $0x0  }
0xb6: {  	v50 =	vshll.u32 v50, v1;
	v49 =	vshll.u32 v49, v1;
	v54 =	vld [tilespmem:s10+$0xFFFFFF80];
	v46 =	vbroadcast v46, $0x0  }
0xb7: {  	v51 =	vshll.u32 v51, v1;
	v55 =	vld [tilespmem:s10+$0xFFFFFFC0];
	v48 =	vbroadcast v48, $0x0;
	v45 =	vadd.s32 v18, v45  }
0xb8: {  	v59 =	vbroadcast v50, $0x0;
	v62 =	vld [tilespmem:s10+$0x80];
	v49 =	vbroadcast v49, $0x0;
	v46 =	vadd.s32 v19, v46  }
0xb9: {  	[tilespmem:v40+s20+$0x0] =	vst.idx.msk @p3 $0xffff, v43;
	v42 =	vbroadcast v42, $0x0;
	v63 =	vld [tilespmem:s10+$0xFFFFFF00];
	v51 =	vbroadcast v51, $0x0;
	v40 =	vadd.s32 v20, v48  }
0xba: {  	v52 =	vld [tilespmem:s10+$0xC0];
	v48 =	vadd.s32 v22, v59;
	v59 =	vadd.s32 v23, v49;
	v61 =	vmul.f32 $8.000000000e+00, v53  }
0xbb: {  	v47 =	vshll.u32 v47, v1;
	[tilespmem:v41+s20+$0x0] =	vst.idx.msk @p3 $0xffff, v44;
	v43 =	vld [tilespmem:s10+$0x40];
	v42 =	vadd.s32 v17, v42;
	v57 =	vmul.f32 $8.000000000e+00, v54  }
0xbc: {  	v56 =	vld [tilespmem:s10+$0x0];
	v47 =	vbroadcast v47, $0x0;
	v51 =	vadd.s32 v24, v51;
	v58 =	vmul.f32 $8.000000000e+00, v55;
	[tilespmem:v45+s20+$0x0] =	vst.idx.msk $0xffff, v61  }
0xbd: {  	v62 =	vmul.f32 $8.000000000e+00, v62;
	[tilespmem:v46+s20+$0x0] =	vst.idx.msk $0xffff, v57  }
0xbe: {  	v44 =	vadd.s32 v21, v47;
	v63 =	vmul.f32 $8.000000000e+00, v63;
	[tilespmem:v40+s20+$0x0] =	vst.idx.msk $0xffff, v58  }
.Ltmp7:
0xbf: {  	v60 =	vmul.f32 $8.000000000e+00, v52;
	[tilespmem:v59+s20+$0x0] =	vst.idx.msk $0xffff, v62;
	(pc) =	sbr.rel @!p2 .LBB2_11-.Ltmp7, $4  }
0xc0: {  	v61 =	vmul.f32 $8.000000000e+00, v43;
	[tilespmem:v42+s20+$0x0] =	vst.idx.msk $0xffff, v63  }
0xc1: {  	[tilespmem:v51+s20+$0x0] =	vst.idx.msk $0xffff, v60;
	v60 =	vmul.f32 $8.000000000e+00, v56  }
0xc2: {  	[tilespmem:v48+s20+$0x0] =	vst.idx.msk $0xffff, v61  }
0xc3: {  	s10 =	simm.s32 $0x6530;
	[tilespmem:v44+s20+$0x0] =	vst.idx.msk $0xffff, v60  }
0xc4: {  	v33 =	vshll.u32 v33, v1;
	v35 =	vshrl.u32 v35, $0x3;
	v40 =	vmov s1  }
0xc5: {  	v34 =	vshrl.u32 v34, $0x3;
	v38 =	vshrl.u32 v38, $0x3;
	v36 =	vshrl.u32 v36, $0x3  }
0xc6: {  	v39 =	vshrl.u32 v39, $0x3;
	v40 =	vshrl.u32 v40, $0x3;
	v35 =	vshll.u32 v35, v1  }
0xc7: {  	v37 =	vshrl.u32 v37, $0x3;
	v42 =	vld [tilespmem:s10+$0xFFFFFF40];
	v40 =	vshll.u32 v40, v1;
	v35 =	vbroadcast v35, $0x0  }
0xc8: {  	v41 =	vld [tilespmem:s10+$0xC0];
	v34 =	vshll.u32 v34, v1;
	v38 =	vshll.u32 v38, v1;
	v40 =	vbroadcast v40, $0x0  }
0xc9: {  	v43 =	vld [tilespmem:s10+$0xFFFFFF80];
	v36 =	vshll.u32 v36, v1;
	v34 =	vbroadcast v34, $0x0;
	v35 =	vadd.s32 v26, v35  }
0xca: {  	v44 =	vld [tilespmem:s10+$0xFFFFFFC0];
	v39 =	vshll.u32 v39, v1;
	v38 =	vbroadcast v38, $0x0;
	v40 =	vadd.s32 v32, v40  }
0xcb: {  	v45 =	vld [tilespmem:s10+$0x0];
	v37 =	vshll.u32 v37, v1;
	v36 =	vbroadcast v36, $0x0;
	v34 =	vadd.s32 v27, v34  }
0xcc: {  	v46 =	vld [tilespmem:s10+$0x40];
	v39 =	vbroadcast v39, $0x0;
	v38 =	vadd.s32 v28, v38;
	v42 =	vmul.f32 $8.000000000e+00, v42  }
0xcd: {  	v48 =	vld [tilespmem:s10+$0x80];
	v58 =	vbroadcast v37, $0x0;
	v47 =	vadd.s32 v29, v36;
	v41 =	vmul.f32 $8.000000000e+00, v41  }
0xce: {  	v49 =	vld [tilespmem:s10+$0xFFFFFF00];
	p2 =	por $0x1, $0x1;
	v59 =	vbroadcast v33, $0x0;
	v50 =	vadd.s32 v30, v39;
	v43 =	vmul.f32 $8.000000000e+00, v43;
	[tilespmem:v35+s20+$0x0] =	vst.idx.msk $0xffff, v42  }
.Ltmp8:
0xcf: {  	v60 =	vmov s31;
	v61 =	vmul.f32 $8.000000000e+00, v44;
	[tilespmem:v40+s20+$0x0] =	vst.idx.msk $0xffff, v41;
	v40 =	vadd.s32 v31, v58;
	(pc) =	sbr.rel @!p2 .LBB2_13-.Ltmp8, $4  }
0xd0: {  	s28 =	simm.s32 $0xC;
	s9 =	simm.s32 $0xE;
	v33 =	vshrl.u32 v60, $0x3;
	v62 =	vmul.f32 $8.000000000e+00, v45;
	[tilespmem:v34+s20+$0x0] =	vst.idx.msk $0xffff, v43;
	v41 =	vadd.s32 v25, v59  }
0xd1: {  	s16 =	simm.s32 $0x9;
	s31 =	simm.s32 $0xD;
	v37 =	vmov s9;
	v36 =	vmov s28;
	v63 =	vmul.f32 $8.000000000e+00, v46;
	[tilespmem:v38+s20+$0x0] =	vst.idx.msk $0xffff, v61  }
0xd2: {  	s6 =	simm.s32 $0xA;
	s17 =	simm.s32 $0xB;
	s1 =	simm.s32 $0xF;
	v39 =	vmov s31;
	v35 =	vmov s16;
	[tilespmem:v47+s20+$0x0] =	vst.idx.msk $0xffff, v62;
	v42 =	vmul.f32 $8.000000000e+00, v48  }
0xd3: {  	s11 =	simm.s32 $0x10;
	p1 =	por $0x1, $0x1;
	v34 =	vmov s6;
	v38 =	vmov s17;
	v43 =	vmul.f32 $8.000000000e+00, v49;
	[tilespmem:v50+s20+$0x0] =	vst.idx.msk $0xffff, v63;
	s6 =	simm.s32 $0x6530  }
.LBB2_14:
0xd4: {  	p2 =	slt.u32 s11, $0x78;
	v33 =	vshll.u32 v33, v1;
	v35 =	vshrl.u32 v35, $0x3;
	v44 =	vmov s1;
	[tilespmem:v40+s20+$0x0] =	vst.idx.msk $0xffff, v42  }
0xd5: {  	v34 =	vshrl.u32 v34, $0x3;
	v38 =	vshrl.u32 v38, $0x3;
	v40 =	vshrl.u32 v44, $0x3;
	[tilespmem:v41+s20+$0x0] =	vst.idx.msk $0xffff, v43  }
0xd6: {  	v36 =	vshrl.u32 v36, $0x3;
	v39 =	vshrl.u32 v39, $0x3;
	s6 =	sadd.s32 $0x200, s6;
	v40 =	vshll.u32 v40, v1  }
0xd7: {  	v37 =	vshrl.u32 v37, $0x3;
	v35 =	vshll.u32 v35, v1;
	v41 =	vld [tilespmem:s6+$0xC0];
	v40 =	vbroadcast v40, $0x0  }
0xd8: {  	v34 =	vshll.u32 v34, v1;
	v38 =	vshll.u32 v38, v1;
	v35 =	vbroadcast v35, $0x0;
	v42 =	vld [tilespmem:s6+$0xFFFFFF40]  }
0xd9: {  	v36 =	vshll.u32 v36, v1;
	v34 =	vbroadcast v34, $0x0;
	v43 =	vld [tilespmem:s6+$0xFFFFFF80];
	v40 =	vadd.s32 v32, v40  }
0xda: {  	v39 =	vshll.u32 v39, v1;
	v38 =	vbroadcast v38, $0x0;
	v35 =	vadd.s32 v26, v35;
	v44 =	vld [tilespmem:s6+$0xFFFFFFC0]  }
0xdb: {  	v37 =	vshll.u32 v37, v1;
	v36 =	vbroadcast v36, $0x0;
	v34 =	vadd.s32 v27, v34;
	v45 =	vld [tilespmem:s6+$0x0]  }
0xdc: {  	v39 =	vbroadcast v39, $0x0;
	v38 =	vadd.s32 v28, v38;
	v46 =	vld [tilespmem:s6+$0x40];
	v41 =	vmul.f32 $8.000000000e+00, v41  }
0xdd: {  	v47 =	vadd.s32 v29, v36;
	v36 =	vbroadcast v37, $0x0;
	v42 =	vmul.f32 $8.000000000e+00, v42;
	v48 =	vld [tilespmem:s6+$0x80]  }
0xde: {  	v37 =	vbroadcast v33, $0x0;
	v50 =	vadd.s32 v30, v39;
	v49 =	vld [tilespmem:s6+$0xFFFFFF00];
	v43 =	vmul.f32 $8.000000000e+00, v43;
	[tilespmem:v40+s20+$0x0] =	vst.idx.msk $0xffff, v41  }
.Ltmp9:
0xdf: {  	v33 =	vmov s11;
	v40 =	vadd.s32 v31, v36;
	[tilespmem:v35+s20+$0x0] =	vst.idx.msk $0xffff, v42;
	v39 =	vmul.f32 $8.000000000e+00, v44;
	(pc) =	sbr.rel @p2 .LBB2_14-.Ltmp9, $4  }
0xe0: {  	s1 =	sadd.s32 $0x1, s11;
	s9 =	sadd.s32 $0x2, s11;
	v33 =	vshrl.u32 v33, $0x3;
	v41 =	vadd.s32 v25, v37;
	[tilespmem:v34+s20+$0x0] =	vst.idx.msk $0xffff, v43;
	v37 =	vmul.f32 $8.000000000e+00, v45  }
0xe1: {  	v35 =	vmov s1;
	s1 =	sadd.s32 $0x3, s11;
	v34 =	vmov s9;
	s9 =	sadd.s32 $0x4, s11;
	[tilespmem:v38+s20+$0x0] =	vst.idx.msk $0xffff, v39;
	v44 =	vmul.f32 $8.000000000e+00, v46  }
0xe2: {  	v38 =	vmov s1;
	v36 =	vmov s9;
	s1 =	sadd.s32 $0x5, s11;
	s9 =	sadd.s32 $0x6, s11;
	[tilespmem:v47+s20+$0x0] =	vst.idx.msk $0xffff, v37;
	v42 =	vmul.f32 $8.000000000e+00, v48  }
0xe3: {  	v39 =	vmov s1;
	v37 =	vmov s9;
	s1 =	sadd.s32 $0x7, s11;
	s11 =	sadd.s32 $0x8, s11;
	v43 =	vmul.f32 $8.000000000e+00, v49;
	[tilespmem:v50+s20+$0x0] =	vst.idx.msk $0xffff, v44  }
.LBB2_15:
0xe4: {  	v33 =	vshll.u32 v33, v1;
	v35 =	vshrl.u32 v35, $0x3;
	v44 =	vmov s1  }
0xe5: {  	v34 =	vshrl.u32 v34, $0x3;
	v38 =	vshrl.u32 v38, $0x3;
	s1 =	sadd.s32 @p1 $0x200, s6;
	v36 =	vshrl.u32 v36, $0x3  }
0xe6: {  	v39 =	vshrl.u32 v39, $0x3;
	v37 =	vshrl.u32 v37, $0x3;
	s10 =	smov.u32 @p1 s1;
	v35 =	vshll.u32 v35, v1  }
0xe7: {  	v44 =	vshrl.u32 v44, $0x3;
	v34 =	vshll.u32 v34, v1;
	v46 =	vld [tilespmem:s10+$0xFFFFFF40];
	v35 =	vbroadcast v35, $0x0  }
0xe8: {  	v38 =	vshll.u32 v38, v1;
	v36 =	vshll.u32 v36, v1;
	v47 =	vld [tilespmem:s10+$0xFFFFFF80];
	v34 =	vbroadcast v34, $0x0  }
0xe9: {  	v39 =	vshll.u32 v39, v1;
	v48 =	vld [tilespmem:s10+$0xFFFFFFC0];
	v38 =	vbroadcast v38, $0x0;
	v35 =	vadd.s32 v26, v35  }
0xea: {  	v37 =	vshll.u32 v37, v1;
	v49 =	vld [tilespmem:s10+$0x0];
	v36 =	vbroadcast v36, $0x0;
	v34 =	vadd.s32 v27, v34  }
0xeb: {  	v33 =	vbroadcast v33, $0x0;
	v53 =	vld [tilespmem:s10+$0x40];
	v39 =	vbroadcast v39, $0x0;
	v38 =	vadd.s32 v28, v38  }
0xec: {  	[tilespmem:v40+s20+$0x0] =	vst.idx.msk @p1 $0xffff, v42;
	v56 =	vld [tilespmem:s10+$0x80];
	v37 =	vbroadcast v37, $0x0;
	v36 =	vadd.s32 v29, v36;
	v55 =	vmul.f32 $8.000000000e+00, v46  }
0xed: {  	[tilespmem:v41+s20+$0x0] =	vst.idx.msk @p1 $0xffff, v43;
	v44 =	vshll.u32 v44, v1;
	v57 =	vld [tilespmem:s10+$0xFFFFFF00];
	v39 =	vadd.s32 v30, v39;
	v58 =	vmul.f32 $8.000000000e+00, v47  }
0xee: {  	v45 =	vld [tilespmem:s10+$0xC0];
	v44 =	vbroadcast v44, $0x0;
	v37 =	vadd.s32 v31, v37;
	v59 =	vmul.f32 $8.000000000e+00, v48;
	[tilespmem:v35+s20+$0x0] =	vst.idx.msk $0xffff, v55  }
0xef: {  	v33 =	vadd.s32 v25, v33;
	v60 =	vmul.f32 $8.000000000e+00, v49;
	[tilespmem:v34+s20+$0x0] =	vst.idx.msk $0xffff, v58  }
0xf0: {  	v44 =	vadd.s32 v32, v44;
	v61 =	vmul.f32 $8.000000000e+00, v53;
	[tilespmem:v38+s20+$0x0] =	vst.idx.msk $0xffff, v59  }
0xf1: {  	v62 =	vmul.f32 $8.000000000e+00, v56;
	[tilespmem:v36+s20+$0x0] =	vst.idx.msk $0xffff, v60  }
0xf2: {  	s12 =	sshll.u32 s29, $0x14;
	v63 =	vmul.f32 $8.000000000e+00, v57;
	[tilespmem:v39+s20+$0x0] =	vst.idx.msk $0xffff, v61  }
0xf3: {  	s1 =	sor.u32 s4, s12;
	v54 =	vmul.f32 $8.000000000e+00, v45;
	[tilespmem:v37+s20+$0x0] =	vst.idx.msk $0xffff, v62  }
0xf4: {  	s31 =	sshrl.u32 s1, $0x3;
	[tilespmem:v33+s20+$0x0] =	vst.idx.msk $0xffff, v63  }
0xf5: {  	s15 =	simm.s32 $0xE400;
	s6 =	sadd.s32 s2, s31;
	[tilespmem:v44+s20+$0x0] =	vst.idx.msk $0xffff, v54  }
0xf6: {  	[hbm4b:s6+s3] =	stream.linear.scatter [tilespmem:s15], [sflag:$0x5], $0x80, $0x38;
	[tilespmem:$0x12800] =	vst v63  }
0xf7: {  	s16 =	simm.s32 $0xE488;
	s9 =	sadd.s32 $0x10, s6  }
0xf8: {  	[hbm4b:s9+s3] =	stream.linear.scatter [tilespmem:s16], [sflag:$0x5], $0x80, $0x38;
	[tilespmem:$0x12800] =	vst v63  }
0xf9: {  	s17 =	simm.s32 $0xE510;
	s11 =	simm.s32 $0xE620;
	s28 =	sadd.s32 $0x20, s6  }
0xfa: {  	[hbm4b:s28+s3] =	stream.linear.scatter [tilespmem:s17], [sflag:$0x5], $0x80, $0x38;
	[tilespmem:$0x12800] =	vst v63  }
0xfb: {  	s1 =	simm.s32 $0x440;
	s10 =	sadd.s32 $0x30, s6;
	s9 =	simm.s32 $0xE598  }
0xfc: {  	[hbm4b:s10+s3] =	stream.linear.scatter [tilespmem:s9], [sflag:$0x5], $0x80, $0x38;
	[tilespmem:$0x12800] =	vst v63  }
0xfd: {  	s12 =	sadd.s32 $0x40, s6;
	s15 =	simm.s32 $0xE6A8;
	s16 =	sadd.s32 $0x50, s6  }
0xfe: {  	[hbm4b:s12+s3] =	stream.linear.scatter [tilespmem:s11], [sflag:$0x5], $0x80, $0x38;
	[tilespmem:$0x12800] =	vst v63  }
0xff: {  	s17 =	simm.s32 $0xE730;
	s28 =	sadd.s32 $0x60, s6;
	s9 =	simm.s32 $0x2200  }
0x100: {  	[hbm4b:s16+s3] =	stream.linear.scatter [tilespmem:s15], [sflag:$0x5], $0x80, $0x38;
	[tilespmem:$0x12800] =	vst v63  }
0x101: {  	s10 =	simm.s32 $0xE7B8;
	s11 =	sadd.s32 $0x70, s6;
	s6 =	sadd.s32 $0x1000, s6  }
0x102: {  	[hbm4b:s28+s3] =	stream.linear.scatter [tilespmem:s17], [sflag:$0x5], $0x80, $0x38;
	[tilespmem:$0x12800] =	vst v63  }
.LBB2_16:
0x103: {  	[hbm4b:s11+s3] =	stream.linear.scatter [tilespmem:s10], [sflag:$0x5], $0x80, $0x38;
	[tilespmem:$0x12800] =	vst v63  }
0x104: {  	s10 =	smov.u32 s1;
	s1 =	smov.u32 s9  }
0x105: {  	s12 =	sadd.s32 $0x1100, s9;
	s1 =	sshra.s32 s1, $0x2;
	s11 =	sadd.s32 $0xE400, s10  }
0x106: {  	[hbm4b:s6+s3] =	stream.linear.scatter [tilespmem:s11], [sflag:$0x5], $0x80, $0x38;
	[tilespmem:$0x12800] =	vst v63  }
0x107: {  	p1 =	sne.s32 s9, $0x7700;
	s9 =	sadd.s32 $0xE488, s10;
	s11 =	sadd.s32 $0x10, s6  }
0x108: {  	[hbm4b:s11+s3] =	stream.linear.scatter [tilespmem:s9], [sflag:$0x5], $0x80, $0x38;
	[tilespmem:$0x12800] =	vst v63  }
0x109: {  	s9 =	sadd.s32 $0xE510, s10;
	s11 =	sadd.s32 $0x20, s6  }
0x10a: {  	[hbm4b:s11+s3] =	stream.linear.scatter [tilespmem:s9], [sflag:$0x5], $0x80, $0x38;
	[tilespmem:$0x12800] =	vst v63  }
0x10b: {  	s9 =	sadd.s32 $0xE598, s10;
	s11 =	sadd.s32 $0x30, s6  }
0x10c: {  	[hbm4b:s11+s3] =	stream.linear.scatter [tilespmem:s9], [sflag:$0x5], $0x80, $0x38;
	[tilespmem:$0x12800] =	vst v63  }
0x10d: {  	s9 =	sadd.s32 $0xE620, s10;
	s11 =	sadd.s32 $0x40, s6  }
0x10e: {  	[hbm4b:s11+s3] =	stream.linear.scatter [tilespmem:s9], [sflag:$0x5], $0x80, $0x38;
	[tilespmem:$0x12800] =	vst v63  }
.Ltmp10:
0x10f: {  	s9 =	sadd.s32 $0xE6A8, s10;
	s11 =	sadd.s32 $0x50, s6;
	(pc) =	sbr.rel @p1 .LBB2_16-.Ltmp10, $4  }
0x110: {  	[hbm4b:s11+s3] =	stream.linear.scatter [tilespmem:s9], [sflag:$0x5], $0x80, $0x38;
	[tilespmem:$0x12800] =	vst v63  }
0x111: {  	s9 =	sadd.s32 $0xE730, s10;
	s11 =	sadd.s32 $0x60, s6;
	s10 =	sadd.s32 $0xE7B8, s10  }
0x112: {  	[hbm4b:s11+s3] =	stream.linear.scatter [tilespmem:s9], [sflag:$0x5], $0x80, $0x38;
	[tilespmem:$0x12800] =	vst v63  }
0x113: {  	s11 =	sadd.s32 $0x70, s6;
	s6 =	sadd.s32 $0x1000, s6;
	s9 =	smov.u32 s12  }
0x114: {  	[hbm4b:s11+s3] =	stream.linear.scatter [tilespmem:s10], [sflag:$0x5], $0x80, $0x38;
	[tilespmem:$0x12800] =	vst v63  }
0x115: {  	s9 =	sadd.s32 $0xE400, s1  }
0x116: {  	[hbm4b:s6+s3] =	stream.linear.scatter [tilespmem:s9], [sflag:$0x5], $0x80, $0x38;
	[tilespmem:$0x12800] =	vst v63  }
0x117: {  	s17 =	sadd.s32 $0xE488, s1;
	s28 =	sadd.s32 $0x10, s6  }
0x118: {  	[hbm4b:s28+s3] =	stream.linear.scatter [tilespmem:s17], [sflag:$0x5], $0x80, $0x38;
	[tilespmem:$0x12800] =	vst v63  }
0x119: {  	s11 =	sadd.s32 $0xE510, s1;
	s12 =	sadd.s32 $0x20, s6  }
0x11a: {  	[hbm4b:s12+s3] =	stream.linear.scatter [tilespmem:s11], [sflag:$0x5], $0x80, $0x38;
	[tilespmem:$0x12800] =	vst v63  }
0x11b: {  	s15 =	sadd.s32 $0xE598, s1;
	s16 =	sadd.s32 $0x30, s6  }
0x11c: {  	[hbm4b:s16+s3] =	stream.linear.scatter [tilespmem:s15], [sflag:$0x5], $0x80, $0x38;
	[tilespmem:$0x12800] =	vst v63  }
0x11d: {  	s17 =	sadd.s32 $0xE620, s1;
	s28 =	sadd.s32 $0x40, s6  }
0x11e: {  	[hbm4b:s28+s3] =	stream.linear.scatter [tilespmem:s17], [sflag:$0x5], $0x80, $0x38;
	[tilespmem:$0x12800] =	vst v63  }
0x11f: {  	p1 =	sne.s32 s29, $0x31;
	s11 =	sadd.s32 $0xE6A8, s1;
	s12 =	sadd.s32 $0x50, s6  }
0x120: {  	[hbm4b:s12+s3] =	stream.linear.scatter [tilespmem:s11], [sflag:$0x5], $0x80, $0x38;
	[tilespmem:$0x12800] =	vst v63  }
.Ltmp11:
0x121: {  	_ = 	snop;
	(pc) =	sbr.rel @p1 .LBB2_19-.Ltmp11, $4  }
0x122: {  	s15 =	sadd.s32 $0xE730, s1;
	s16 =	sadd.s32 $0x60, s6  }
0x123: {  	[hbm4b:s16+s3] =	stream.linear.scatter [tilespmem:s15], [sflag:$0x5], $0x80, $0x38;
	[tilespmem:$0x12800] =	vst v63  }
0x124: {  	s17 =	sadd.s32 $0xE7B8, s1;
	s28 =	sadd.s32 $0x70, s6  }
0x125: {  	[hbm4b:s28+s3] =	stream.linear.scatter [tilespmem:s17], [sflag:$0x5], $0x80, $0x38;
	[tilespmem:$0x12800] =	vst v63  }
.Ltmp12:
0x126: {  	(pc) =	sbr.rel .LBB2_20-.Ltmp12, $4  }
0x127: {  	_ = 	snop  }
0x128: {  	_ =	swait.ge [sflag:s21], $0x2000  }
0x129: {  	[sflag:s21] =	ssyncset.done $0x0  }
0x12a: {  	[sflag:s21] =	ssyncadd.s32 $0xFFFFE000  }
.LBB2_19:
0x12b: {  	s1 =	sshll.u32 s0, $0x7  }
0x12c: {  	s1 =	sadd.s32 $0x200, s1  }
.Ltmp13:
0x12d: {  	s1 =	sand.u32 $0xFE00, s1;
	(pc) =	sbr.rel @p0 .LBB2_21-.Ltmp13, $4  }
0x12e: {  	[tilespmem:s14], [sflag:$0x1] =	stream.indirect.gather [hbm4b:s5+s13], $0x40, s1, s13, $0xb8;
	[tilespmem:$0x12800] =	vst v63  }
0x12f: {  	_ =	swait.ge [sflag:s21], $0x2000  }
0x130: {  	[sflag:s21] =	ssyncset.done $0x0  }
0x131: {  	[sflag:s21] =	ssyncadd.s32 $0xFFFFE000  }
.LBB2_20:
0x132: {  	_ =	swait.ge [sflag:s22], $0x2000  }
0x133: {  	[sflag:s22] =	ssyncset.done $0x0  }
0x134: {  	[sflag:s22] =	ssyncadd.s32 $0xFFFFE000  }
.LBB2_21:
0x135: {  	s1 =	simm.s32 $0x0;
	s11 =	simm.s32 $0x1  }
0x136: {  	s6 =	simm.s32 $0x2;
	s9 =	simm.s32 $0x3;
	s12 =	simm.s32 $0x4;
	v33 =	vmov s1;
	v34 =	vmov s11  }
0x137: {  	s15 =	simm.s32 $0x5;
	s16 =	simm.s32 $0x6;
	s17 =	simm.s32 $0x7;
	v35 =	vmov s6;
	v36 =	vmov s9;
	v37 =	vmov s12  }
0x138: {  	v38 =	vmov s15;
	v39 =	vmov s16;
	v60 =	vmov s17  }
0x139: {  	v33 =	vshrl.u32 v33, $0x3;
	v59 =	vshrl.u32 v34, $0x3;
	v35 =	vshrl.u32 v35, $0x3  }
0x13a: {  	s6 =	simm.s32 $0x8500;
	v36 =	vshrl.u32 v36, $0x3;
	v34 =	vshrl.u32 v60, $0x3;
	v37 =	vshrl.u32 v37, $0x3  }
0x13b: {  	v38 =	vshrl.u32 v38, $0x3;
	v39 =	vshrl.u32 v39, $0x3;
	v42 =	vld [tilespmem:s6+$0xC0];
	v34 =	vshll.u32 v34, v1  }
0x13c: {  	v43 =	vld [tilespmem:s6+$0xFFFFFF40];
	v40 =	vshll.u32 v33, v1;
	v41 =	vshll.u32 v59, v1;
	v33 =	vbroadcast v34, $0x0  }
0x13d: {  	v61 =	vld [tilespmem:s6+$0xFFFFFF80];
	v35 =	vshll.u32 v35, v1;
	v36 =	vshll.u32 v36, v1;
	v34 =	vbroadcast v41, $0x0  }
0x13e: {  	v46 =	vld [tilespmem:s6+$0xFFFFFFC0];
	v37 =	vshll.u32 v37, v1;
	v35 =	vbroadcast v35, $0x0;
	v44 =	vadd.s32 v8, v33  }
0x13f: {  	v48 =	vld [tilespmem:s6+$0x0];
	v38 =	vshll.u32 v38, v1;
	v36 =	vbroadcast v36, $0x0;
	v45 =	vadd.s32 v2, v34  }
0x140: {  	v50 =	vld [tilespmem:s6+$0x40];
	v39 =	vshll.u32 v39, v1;
	v37 =	vbroadcast v37, $0x0;
	v47 =	vadd.s32 v3, v35  }
0x141: {  	v54 =	vld [tilespmem:s6+$0xFFFFFF00];
	v38 =	vbroadcast v38, $0x0;
	v49 =	vadd.s32 v4, v36;
	v42 =	vmul.f32 $8.000000000e+00, v42  }
0x142: {  	v53 =	vld [tilespmem:s6+$0x80];
	v39 =	vbroadcast v39, $0x0;
	v52 =	vadd.s32 v5, v37;
	v43 =	vmul.f32 $8.000000000e+00, v43  }
0x143: {  	s28 =	simm.s32 $0x8;
	v40 =	vbroadcast v40, $0x0;
	v55 =	vadd.s32 v6, v38;
	v51 =	vmul.f32 $8.000000000e+00, v61;
	[tilespmem:v44+s23+$0x0] =	vst.idx.msk $0xffff, v42  }
0x144: {  	s1 =	simm.s32 $0x9;
	v41 =	vmov s28;
	v62 =	vmul.f32 $8.000000000e+00, v46;
	[tilespmem:v45+s23+$0x0] =	vst.idx.msk $0xffff, v43;
	v43 =	vadd.s32 v7, v39  }
0x145: {  	s17 =	simm.s32 $0xE;
	v63 =	vmul.f32 $8.000000000e+00, v48;
	v48 =	vmov s1;
	v42 =	vadd.s32 v0, v40;
	[tilespmem:v47+s23+$0x0] =	vst.idx.msk $0xffff, v51  }
0x146: {  	s10 =	simm.s32 $0xA;
	v56 =	vmul.f32 $8.000000000e+00, v50;
	v50 =	vmov s17;
	v46 =	vmul.f32 $8.000000000e+00, v54;
	[tilespmem:v49+s23+$0x0] =	vst.idx.msk $0xffff, v62  }
0x147: {  	s11 =	simm.s32 $0xB;
	s15 =	simm.s32 $0xC;
	s16 =	simm.s32 $0xD;
	v44 =	vshrl.u32 v41, $0x3;
	v47 =	vmov s10;
	[tilespmem:v52+s23+$0x0] =	vst.idx.msk $0xffff, v63;
	v45 =	vmul.f32 $8.000000000e+00, v53  }
0x148: {  	s12 =	simm.s32 $0xF;
	s9 =	simm.s32 $0x10;
	v51 =	vmov s11;
	v49 =	vmov s15;
	v52 =	vmov s16;
	[tilespmem:v55+s23+$0x0] =	vst.idx.msk $0xffff, v56  }
.LBB2_22:
0x149: {  	p0 =	slt.u32 s9, $0x78;
	v44 =	vshll.u32 v44, v1;
	v48 =	vshrl.u32 v48, $0x3;
	v53 =	vmov s12;
	[tilespmem:v43+s23+$0x0] =	vst.idx.msk $0xffff, v45  }
0x14a: {  	v43 =	vshrl.u32 v47, $0x3;
	v45 =	vshrl.u32 v51, $0x3;
	v47 =	vshrl.u32 v53, $0x3;
	[tilespmem:v42+s23+$0x0] =	vst.idx.msk $0xffff, v46  }
0x14b: {  	s6 =	sadd.s32 $0x200, s6;
	v42 =	vshrl.u32 v49, $0x3;
	v46 =	vshrl.u32 v52, $0x3;
	v47 =	vshll.u32 v47, v1  }
0x14c: {  	v48 =	vshll.u32 v48, v1;
	v49 =	vshrl.u32 v50, $0x3;
	v50 =	vld [tilespmem:s6+$0xC0];
	v47 =	vbroadcast v47, $0x0  }
0x14d: {  	v43 =	vshll.u32 v43, v1;
	v45 =	vshll.u32 v45, v1;
	v48 =	vbroadcast v48, $0x0;
	v51 =	vld [tilespmem:s6+$0xFFFFFF40]  }
0x14e: {  	v43 =	vbroadcast v43, $0x0;
	v42 =	vshll.u32 v42, v1;
	v52 =	vld [tilespmem:s6+$0xFFFFFF80];
	v47 =	vadd.s32 v8, v47  }
0x14f: {  	v45 =	vbroadcast v45, $0x0;
	v46 =	vshll.u32 v46, v1;
	v48 =	vadd.s32 v2, v48;
	v53 =	vld [tilespmem:s6+$0xFFFFFFC0]  }
0x150: {  	v42 =	vbroadcast v42, $0x0;
	v54 =	vadd.s32 v3, v43;
	v43 =	vshll.u32 v49, v1;
	v55 =	vld [tilespmem:s6+$0x0]  }
0x151: {  	v46 =	vbroadcast v46, $0x0;
	v45 =	vadd.s32 v4, v45;
	v49 =	vld [tilespmem:s6+$0x40];
	v50 =	vmul.f32 $8.000000000e+00, v50  }
0x152: {  	v56 =	vadd.s32 v5, v42;
	v42 =	vbroadcast v43, $0x0;
	v51 =	vmul.f32 $8.000000000e+00, v51;
	v57 =	vld [tilespmem:s6+$0x80]  }
0x153: {  	v59 =	vbroadcast v44, $0x0;
	v60 =	vadd.s32 v6, v46;
	v58 =	vld [tilespmem:s6+$0xFFFFFF00];
	v52 =	vmul.f32 $8.000000000e+00, v52;
	[tilespmem:v47+s23+$0x0] =	vst.idx.msk $0xffff, v50  }
.Ltmp14:
0x154: {  	v44 =	vmov s9;
	v43 =	vadd.s32 v7, v42;
	[tilespmem:v48+s23+$0x0] =	vst.idx.msk $0xffff, v51;
	v46 =	vmul.f32 $8.000000000e+00, v53;
	(pc) =	sbr.rel @p0 .LBB2_22-.Ltmp14, $4  }
0x155: {  	s12 =	sadd.s32 $0x1, s9;
	s28 =	sadd.s32 $0x2, s9;
	v44 =	vshrl.u32 v44, $0x3;
	v42 =	vadd.s32 v0, v59;
	[tilespmem:v54+s23+$0x0] =	vst.idx.msk $0xffff, v52;
	v50 =	vmul.f32 $8.000000000e+00, v55  }
0x156: {  	v47 =	vmov s28;
	s28 =	sadd.s32 $0x4, s9;
	v48 =	vmov s12;
	s12 =	sadd.s32 $0x3, s9;
	[tilespmem:v45+s23+$0x0] =	vst.idx.msk $0xffff, v46;
	v53 =	vmul.f32 $8.000000000e+00, v49  }
0x157: {  	v51 =	vmov s12;
	s12 =	sadd.s32 $0x5, s9;
	v49 =	vmov s28;
	s28 =	sadd.s32 $0x6, s9;
	[tilespmem:v56+s23+$0x0] =	vst.idx.msk $0xffff, v50;
	v45 =	vmul.f32 $8.000000000e+00, v57  }
0x158: {  	v52 =	vmov s12;
	s12 =	sadd.s32 $0x7, s9;
	s9 =	sadd.s32 $0x8, s9;
	v50 =	vmov s28;
	v46 =	vmul.f32 $8.000000000e+00, v58;
	[tilespmem:v60+s23+$0x0] =	vst.idx.msk $0xffff, v53  }
0x159: {  	v44 =	vshll.u32 v44, v1;
	v48 =	vshrl.u32 v48, $0x3  }
0x15a: {  	v53 =	vmov s12;
	v47 =	vshrl.u32 v47, $0x3;
	v51 =	vshrl.u32 v51, $0x3  }
0x15b: {  	v49 =	vshrl.u32 v49, $0x3;
	v52 =	vshrl.u32 v52, $0x3;
	s6 =	sadd.s32 $0x200, s6;
	v50 =	vshrl.u32 v50, $0x3  }
0x15c: {  	v53 =	vshrl.u32 v53, $0x3;
	v48 =	vshll.u32 v48, v1;
	v47 =	vshll.u32 v47, v1;
	v56 =	vld [tilespmem:s6+$0xFFFFFF80]  }
0x15d: {  	v51 =	vshll.u32 v51, v1;
	v49 =	vshll.u32 v49, v1;
	v60 =	vld [tilespmem:s6+$0xFFFFFF00];
	v44 =	vbroadcast v44, $0x0  }
0x15e: {  	v55 =	vld [tilespmem:s6+$0xFFFFFF40];
	v52 =	vshll.u32 v52, v1;
	v53 =	vshll.u32 v53, v1;
	v48 =	vbroadcast v48, $0x0  }
0x15f: {  	v47 =	vbroadcast v47, $0x0;
	v51 =	vbroadcast v51, $0x0;
	v44 =	vadd.s32 v0, v44  }
0x160: {  	v54 =	vld [tilespmem:s6+$0xC0];
	v50 =	vshll.u32 v50, v1;
	v53 =	vbroadcast v53, $0x0;
	v48 =	vadd.s32 v2, v48  }
0x161: {  	[tilespmem:v43+s23+$0x0] =	vst.idx.msk $0xffff, v45;
	v58 =	vld [tilespmem:s6+$0x0];
	v49 =	vbroadcast v49, $0x0;
	v47 =	vadd.s32 v3, v47;
	v43 =	vadd.s32 v4, v51  }
0x162: {  	v57 =	vld [tilespmem:s6+$0xFFFFFFC0];
	v53 =	vadd.s32 v8, v53;
	v61 =	vmul.f32 $8.000000000e+00, v56;
	v56 =	vmul.f32 $8.000000000e+00, v60  }
0x163: {  	v45 =	vld [tilespmem:s6+$0x40];
	[tilespmem:v42+s23+$0x0] =	vst.idx.msk $0xffff, v46;
	v51 =	vbroadcast v52, $0x0;
	v46 =	vadd.s32 v5, v49;
	v63 =	vmul.f32 $8.000000000e+00, v55  }
0x164: {  	v59 =	vld [tilespmem:s6+$0x80];
	v50 =	vbroadcast v50, $0x0;
	[tilespmem:v44+s23+$0x0] =	vst.idx.msk $0xffff, v56  }
0x165: {  	v62 =	vmul.f32 $8.000000000e+00, v54;
	v51 =	vadd.s32 v6, v51;
	[tilespmem:v48+s23+$0x0] =	vst.idx.msk $0xffff, v63  }
0x166: {  	v52 =	vmul.f32 $8.000000000e+00, v58;
	v63 =	vadd.s32 v7, v50;
	[tilespmem:v47+s23+$0x0] =	vst.idx.msk $0xffff, v61  }
0x167: {  	[tilespmem:v53+s23+$0x0] =	vst.idx.msk $0xffff, v62;
	v62 =	vmul.f32 $8.000000000e+00, v57  }
0x168: {  	[tilespmem:v46+s23+$0x0] =	vst.idx.msk $0xffff, v52;
	v53 =	vmul.f32 $8.000000000e+00, v45  }
0x169: {  	v55 =	vmul.f32 $8.000000000e+00, v59;
	[tilespmem:v43+s23+$0x0] =	vst.idx.msk $0xffff, v62  }
0x16a: {  	[tilespmem:v51+s23+$0x0] =	vst.idx.msk $0xffff, v53  }
0x16b: {  	s6 =	simm.s32 $0x8510;
	[tilespmem:v63+s23+$0x0] =	vst.idx.msk $0xffff, v55  }
0x16c: {  	v42 =	vld [tilespmem:s6+$0xC0]  }
0x16d: {  	v43 =	vld [tilespmem:s6+$0xFFFFFF40]  }
0x16e: {  	v33 =	vadd.s32 v16, v33;
	v44 =	vld [tilespmem:s6+$0xFFFFFF80]  }
0x16f: {  	v34 =	vadd.s32 v10, v34;
	v45 =	vld [tilespmem:s6+$0xFFFFFFC0]  }
0x170: {  	v35 =	vadd.s32 v11, v35;
	v46 =	vld [tilespmem:s6+$0x0]  }
0x171: {  	v36 =	vadd.s32 v12, v36;
	v47 =	vld [tilespmem:s6+$0x40];
	v42 =	vmul.f32 $8.000000000e+00, v42  }
0x172: {  	v57 =	vadd.s32 v13, v37;
	v58 =	vld [tilespmem:s6+$0x80];
	v43 =	vmul.f32 $8.000000000e+00, v43  }
0x173: {  	v60 =	vadd.s32 v14, v38;
	v59 =	vld [tilespmem:s6+$0xFFFFFF00];
	v44 =	vmul.f32 $8.000000000e+00, v44;
	[tilespmem:v33+s23+$0x0] =	vst.idx.msk $0xffff, v42  }
0x174: {  	v61 =	vmul.f32 $8.000000000e+00, v45;
	[tilespmem:v34+s23+$0x0] =	vst.idx.msk $0xffff, v43;
	v34 =	vadd.s32 v15, v39  }
0x175: {  	v38 =	vmov s10;
	v62 =	vmul.f32 $8.000000000e+00, v46;
	v33 =	vadd.s32 v9, v40;
	[tilespmem:v35+s23+$0x0] =	vst.idx.msk $0xffff, v44  }
0x176: {  	v37 =	vshrl.u32 v41, $0x3;
	v41 =	vmov s1;
	v63 =	vmul.f32 $8.000000000e+00, v47;
	[tilespmem:v36+s23+$0x0] =	vst.idx.msk $0xffff, v61  }
0x177: {  	v42 =	vmov s11;
	v39 =	vmov s15;
	[tilespmem:v57+s23+$0x0] =	vst.idx.msk $0xffff, v62;
	v35 =	vmul.f32 $8.000000000e+00, v58  }
0x178: {  	s9 =	simm.s32 $0xF;
	s1 =	simm.s32 $0x10;
	v43 =	vmov s16;
	v40 =	vmov s17;
	v36 =	vmul.f32 $8.000000000e+00, v59;
	[tilespmem:v60+s23+$0x0] =	vst.idx.msk $0xffff, v63  }
.LBB2_24:
0x179: {  	p0 =	slt.u32 s1, $0x78;
	v37 =	vshll.u32 v37, v1;
	v41 =	vshrl.u32 v41, $0x3;
	v44 =	vmov s9;
	[tilespmem:v34+s23+$0x0] =	vst.idx.msk $0xffff, v35  }
0x17a: {  	v34 =	vshrl.u32 v38, $0x3;
	v35 =	vshrl.u32 v42, $0x3;
	v38 =	vshrl.u32 v44, $0x3;
	[tilespmem:v33+s23+$0x0] =	vst.idx.msk $0xffff, v36  }
0x17b: {  	s6 =	sadd.s32 $0x200, s6;
	v33 =	vshrl.u32 v39, $0x3;
	v36 =	vshrl.u32 v43, $0x3;
	v38 =	vshll.u32 v38, v1  }
0x17c: {  	v40 =	vshrl.u32 v40, $0x3;
	v39 =	vshll.u32 v41, v1;
	v41 =	vld [tilespmem:s6+$0xC0];
	v38 =	vbroadcast v38, $0x0  }
0x17d: {  	v34 =	vshll.u32 v34, v1;
	v35 =	vshll.u32 v35, v1;
	v39 =	vbroadcast v39, $0x0;
	v42 =	vld [tilespmem:s6+$0xFFFFFF40]  }
0x17e: {  	v34 =	vbroadcast v34, $0x0;
	v33 =	vshll.u32 v33, v1;
	v43 =	vld [tilespmem:s6+$0xFFFFFF80];
	v38 =	vadd.s32 v16, v38  }
0x17f: {  	v35 =	vbroadcast v35, $0x0;
	v36 =	vshll.u32 v36, v1;
	v39 =	vadd.s32 v10, v39;
	v44 =	vld [tilespmem:s6+$0xFFFFFFC0]  }
0x180: {  	v33 =	vbroadcast v33, $0x0;
	v45 =	vadd.s32 v11, v34;
	v34 =	vshll.u32 v40, v1;
	v46 =	vld [tilespmem:s6+$0x0]  }
0x181: {  	v36 =	vbroadcast v36, $0x0;
	v35 =	vadd.s32 v12, v35;
	v40 =	vld [tilespmem:s6+$0x40];
	v41 =	vmul.f32 $8.000000000e+00, v41  }
0x182: {  	v47 =	vadd.s32 v13, v33;
	v33 =	vbroadcast v34, $0x0;
	v42 =	vmul.f32 $8.000000000e+00, v42;
	v48 =	vld [tilespmem:s6+$0x80]  }
0x183: {  	v50 =	vbroadcast v37, $0x0;
	v51 =	vadd.s32 v14, v36;
	v49 =	vld [tilespmem:s6+$0xFFFFFF00];
	v43 =	vmul.f32 $8.000000000e+00, v43;
	[tilespmem:v38+s23+$0x0] =	vst.idx.msk $0xffff, v41  }
.Ltmp15:
0x184: {  	v36 =	vmov s1;
	v34 =	vadd.s32 v15, v33;
	[tilespmem:v39+s23+$0x0] =	vst.idx.msk $0xffff, v42;
	v39 =	vmul.f32 $8.000000000e+00, v44;
	(pc) =	sbr.rel @p0 .LBB2_24-.Ltmp15, $4  }
0x185: {  	s9 =	sadd.s32 $0x1, s1;
	s10 =	sadd.s32 $0x2, s1;
	v37 =	vshrl.u32 v36, $0x3;
	v33 =	vadd.s32 v9, v50;
	[tilespmem:v45+s23+$0x0] =	vst.idx.msk $0xffff, v43;
	v36 =	vmul.f32 $8.000000000e+00, v46  }
0x186: {  	v41 =	vmov s9;
	v38 =	vmov s10;
	s9 =	sadd.s32 $0x3, s1;
	s10 =	sadd.s32 $0x4, s1;
	[tilespmem:v35+s23+$0x0] =	vst.idx.msk $0xffff, v39;
	v44 =	vmul.f32 $8.000000000e+00, v40  }
0x187: {  	v42 =	vmov s9;
	s9 =	sadd.s32 $0x5, s1;
	v39 =	vmov s10;
	s10 =	sadd.s32 $0x6, s1;
	[tilespmem:v47+s23+$0x0] =	vst.idx.msk $0xffff, v36;
	v35 =	vmul.f32 $8.000000000e+00, v48  }
0x188: {  	v43 =	vmov s9;
	s9 =	sadd.s32 $0x7, s1;
	s1 =	sadd.s32 $0x8, s1;
	v40 =	vmov s10;
	v36 =	vmul.f32 $8.000000000e+00, v49;
	[tilespmem:v51+s23+$0x0] =	vst.idx.msk $0xffff, v44  }
0x189: {  	v37 =	vshll.u32 v37, v1;
	v41 =	vshrl.u32 v41, $0x3;
	v44 =	vmov s9  }
0x18a: {  	v38 =	vshrl.u32 v38, $0x3;
	v42 =	vshrl.u32 v42, $0x3;
	v39 =	vshrl.u32 v39, $0x3  }
0x18b: {  	s1 =	sadd.s32 $0x200, s6;
	v43 =	vshrl.u32 v43, $0x3;
	v40 =	vshrl.u32 v40, $0x3;
	v44 =	vshrl.u32 v44, $0x3  }
0x18c: {  	v41 =	vshll.u32 v41, v1;
	v38 =	vshll.u32 v38, v1;
	v56 =	vld [tilespmem:s1+$0xFFFFFF00];
	v37 =	vbroadcast v37, $0x0  }
0x18d: {  	v46 =	vld [tilespmem:s1+$0xFFFFFF40];
	v42 =	vshll.u32 v42, v1;
	v39 =	vshll.u32 v39, v1;
	v41 =	vbroadcast v41, $0x0  }
0x18e: {  	v47 =	vld [tilespmem:s1+$0xFFFFFF80];
	v43 =	vshll.u32 v43, v1;
	v38 =	vbroadcast v38, $0x0;
	v59 =	vadd.s32 v9, v37  }
0x18f: {  	v48 =	vld [tilespmem:s1+$0xFFFFFFC0];
	v40 =	vshll.u32 v40, v1;
	v42 =	vbroadcast v42, $0x0;
	v41 =	vadd.s32 v10, v41  }
0x190: {  	v49 =	vld [tilespmem:s1+$0x0];
	v39 =	vbroadcast v39, $0x0;
	v63 =	vbroadcast v43, $0x0;
	v38 =	vadd.s32 v11, v38  }
0x191: {  	[tilespmem:v34+s23+$0x0] =	vst.idx.msk $0xffff, v35;
	v50 =	vld [tilespmem:s1+$0x40];
	v55 =	vbroadcast v40, $0x0;
	v62 =	vadd.s32 v12, v42;
	v40 =	vmul.f32 $8.000000000e+00, v56  }
0x192: {  	v52 =	vld [tilespmem:s1+$0x80];
	[tilespmem:v33+s23+$0x0] =	vst.idx.msk $0xffff, v36;
	v44 =	vshll.u32 v44, v1;
	v54 =	vadd.s32 v13, v39;
	v53 =	vmul.f32 $8.000000000e+00, v46  }
0x193: {  	v45 =	vld [tilespmem:s1+$0xC0];
	v44 =	vbroadcast v44, $0x0;
	v35 =	vadd.s32 v14, v63;
	v57 =	vmul.f32 $8.000000000e+00, v47;
	[tilespmem:v59+s23+$0x0] =	vst.idx.msk $0xffff, v40  }
0x194: {  	v39 =	vadd.s32 v15, v55;
	v58 =	vmul.f32 $8.000000000e+00, v48;
	[tilespmem:v41+s23+$0x0] =	vst.idx.msk $0xffff, v53  }
0x195: {  	p1 =	por $0x1, $0x1;
	s12 =	simm.s32 $0x2;
	v44 =	vadd.s32 v16, v44;
	v60 =	vmul.f32 $8.000000000e+00, v49;
	[tilespmem:v38+s23+$0x0] =	vst.idx.msk $0xffff, v57  }
.Ltmp16:
0x196: {  	s16 =	simm.s32 $0x4;
	s28 =	simm.s32 $0x6;
	v34 =	vmov s12;
	v61 =	vmul.f32 $8.000000000e+00, v50;
	[tilespmem:v62+s23+$0x0] =	vst.idx.msk $0xffff, v58;
	(pc) =	sbr.rel @!p1 .LBB2_29-.Ltmp16, $4  }
0x197: {  	s9 =	simm.s32 $0x0;
	s10 =	simm.s32 $0x1;
	v36 =	vmov s16;
	v37 =	vmov s28;
	v63 =	vmul.f32 $8.000000000e+00, v52;
	[tilespmem:v54+s23+$0x0] =	vst.idx.msk $0xffff, v60  }
0x198: {  	s11 =	simm.s32 $0x8520;
	s15 =	simm.s32 $0x3;
	s17 =	simm.s32 $0x5;
	v51 =	vmul.f32 $8.000000000e+00, v45;
	v62 =	vmov s9;
	[tilespmem:v35+s23+$0x0] =	vst.idx.msk $0xffff, v61;
	v35 =	vmov s10  }
0x199: {  	p0 =	por $0x0, $0x0;
	s6 =	simm.s32 $0x8520;
	p2 =	por $0x0, $0x0;
	v46 =	vmovc v34;
	v47 =	vmovc v36;
	v38 =	vmov s15;
	[tilespmem:v39+s23+$0x0] =	vst.idx.msk $0xffff, v63;
	v39 =	vmov s17;
	v33 =	vshrl.u32 v62, $0x3  }
0x19a: {  	s1 =	simm.s32 $0x8;
	v49 =	vmovc v37;
	s10 =	simm.s32 $0x7;
	s9 =	simm.s32 $0x7;
	[tilespmem:v44+s23+$0x0] =	vst.idx.msk $0xffff, v51;
	v45 =	vmovc v35;
	v48 =	vmov v38;
	v50 =	vmov v39;
	v42 =	vmov v33  }
0x19b: {  	v40 =	vshll.u32 v33, v1;
	v41 =	vshrl.u32 v35, $0x3;
	v42 =	vmov s10  }
0x19c: {  	v43 =	vshrl.u32 v34, $0x3;
	v44 =	vshrl.u32 v38, $0x3;
	v45 =	vshrl.u32 v36, $0x3  }
0x19d: {  	v46 =	vshrl.u32 v39, $0x3;
	v47 =	vshrl.u32 v37, $0x3;
	v41 =	vshll.u32 v41, v1  }
0x19e: {  	v49 =	vld [tilespmem:s11+$0xFFFFFF40];
	v42 =	vshrl.u32 v42, $0x3;
	v43 =	vshll.u32 v43, v1;
	v41 =	vbroadcast v41, $0x0  }
0x19f: {  	v50 =	vld [tilespmem:s11+$0xFFFFFF80];
	v44 =	vshll.u32 v44, v1;
	v45 =	vshll.u32 v45, v1;
	v43 =	vbroadcast v43, $0x0  }
0x1a0: {  	v51 =	vld [tilespmem:s11+$0xFFFFFFC0];
	v46 =	vshll.u32 v46, v1;
	v44 =	vbroadcast v44, $0x0;
	v41 =	vadd.s32 v18, v41  }
0x1a1: {  	v52 =	vld [tilespmem:s11+$0x0];
	v42 =	vshll.u32 v42, v1;
	v45 =	vbroadcast v45, $0x0;
	v43 =	vadd.s32 v19, v43  }
0x1a2: {  	v48 =	vld [tilespmem:s11+$0xC0];
	v47 =	vshll.u32 v47, v1;
	v42 =	vbroadcast v42, $0x0;
	v44 =	vadd.s32 v20, v44  }
0x1a3: {  	v53 =	vld [tilespmem:s11+$0x40];
	v46 =	vbroadcast v46, $0x0;
	v54 =	vadd.s32 v21, v45;
	v49 =	vmul.f32 $8.000000000e+00, v49  }
0x1a4: {  	v55 =	vld [tilespmem:s11+$0x80];
	v62 =	vbroadcast v47, $0x0;
	v42 =	vadd.s32 v24, v42;
	v50 =	vmul.f32 $8.000000000e+00, v50  }
0x1a5: {  	v56 =	vld [tilespmem:s11+$0xFFFFFF00];
	p3 =	por $0x1, $0x1;
	v63 =	vbroadcast v40, $0x0;
	v57 =	vadd.s32 v22, v46;
	v61 =	vmul.f32 $8.000000000e+00, v51;
	[tilespmem:v41+s23+$0x0] =	vst.idx.msk $0xffff, v49  }
.Ltmp17:
0x1a6: {  	v60 =	vmov s1;
	s17 =	simm.s32 $0xC;
	v40 =	vadd.s32 v23, v62;
	v62 =	vmul.f32 $8.000000000e+00, v52;
	[tilespmem:v43+s23+$0x0] =	vst.idx.msk $0xffff, v50;
	(pc) =	sbr.rel @!p3 .LBB2_27-.Ltmp17, $4  }
0x1a7: {  	s6 =	simm.s32 $0x9;
	s9 =	simm.s32 $0xA;
	v47 =	vmov s17;
	v48 =	vmul.f32 $8.000000000e+00, v48;
	v41 =	vadd.s32 v17, v63;
	[tilespmem:v44+s23+$0x0] =	vst.idx.msk $0xffff, v61  }
0x1a8: {  	s28 =	simm.s32 $0xD;
	s12 =	simm.s32 $0xE;
	v45 =	vmov s6;
	v46 =	vmov s9;
	v63 =	vmul.f32 $8.000000000e+00, v53;
	[tilespmem:v54+s23+$0x0] =	vst.idx.msk $0xffff, v62  }
0x1a9: {  	s16 =	simm.s32 $0xB;
	s15 =	simm.s32 $0x10;
	v43 =	vmul.f32 $8.000000000e+00, v55;
	v50 =	vmov s28;
	v49 =	vmov s12;
	[tilespmem:v42+s23+$0x0] =	vst.idx.msk $0xffff, v48  }
0x1aa: {  	p2 =	por $0x1, $0x1;
	s9 =	simm.s32 $0xF;
	s6 =	simm.s32 $0x8520;
	v44 =	vmul.f32 $8.000000000e+00, v56;
	v42 =	vshrl.u32 v60, $0x3;
	v48 =	vmov s16;
	[tilespmem:v57+s23+$0x0] =	vst.idx.msk $0xffff, v63  }
.LBB2_28:
0x1ab: {  	p3 =	slt.u32 s15, $0x78;
	v42 =	vshll.u32 v42, v1;
	v45 =	vshrl.u32 v45, $0x3;
	v51 =	vmov s9;
	[tilespmem:v40+s23+$0x0] =	vst.idx.msk $0xffff, v43  }
0x1ac: {  	v40 =	vshrl.u32 v46, $0x3;
	v43 =	vshrl.u32 v48, $0x3;
	v46 =	vshrl.u32 v51, $0x3;
	[tilespmem:v41+s23+$0x0] =	vst.idx.msk $0xffff, v44  }
0x1ad: {  	s6 =	sadd.s32 $0x200, s6;
	v41 =	vshrl.u32 v47, $0x3;
	v44 =	vshrl.u32 v50, $0x3;
	v46 =	vshll.u32 v46, v1  }
0x1ae: {  	v45 =	vshll.u32 v45, v1;
	v47 =	vshrl.u32 v49, $0x3;
	v48 =	vld [tilespmem:s6+$0xC0];
	v46 =	vbroadcast v46, $0x0  }
0x1af: {  	v40 =	vshll.u32 v40, v1;
	v43 =	vshll.u32 v43, v1;
	v45 =	vbroadcast v45, $0x0;
	v49 =	vld [tilespmem:s6+$0xFFFFFF40]  }
0x1b0: {  	v40 =	vbroadcast v40, $0x0;
	v41 =	vshll.u32 v41, v1;
	v50 =	vld [tilespmem:s6+$0xFFFFFF80];
	v46 =	vadd.s32 v24, v46  }
0x1b1: {  	v43 =	vbroadcast v43, $0x0;
	v44 =	vshll.u32 v44, v1;
	v45 =	vadd.s32 v18, v45;
	v51 =	vld [tilespmem:s6+$0xFFFFFFC0]  }
0x1b2: {  	v52 =	vadd.s32 v19, v40;
	v40 =	vbroadcast v41, $0x0;
	v41 =	vshll.u32 v47, v1;
	v53 =	vld [tilespmem:s6+$0x0]  }
0x1b3: {  	v44 =	vbroadcast v44, $0x0;
	v43 =	vadd.s32 v20, v43;
	v47 =	vld [tilespmem:s6+$0x40];
	v48 =	vmul.f32 $8.000000000e+00, v48  }
0x1b4: {  	v54 =	vadd.s32 v21, v40;
	v40 =	vbroadcast v41, $0x0;
	v49 =	vmul.f32 $8.000000000e+00, v49;
	v55 =	vld [tilespmem:s6+$0x80]  }
0x1b5: {  	v57 =	vadd.s32 v22, v44;
	v41 =	vbroadcast v42, $0x0;
	v56 =	vld [tilespmem:s6+$0xFFFFFF00];
	v50 =	vmul.f32 $8.000000000e+00, v50;
	[tilespmem:v46+s23+$0x0] =	vst.idx.msk $0xffff, v48  }
.Ltmp18:
0x1b6: {  	v42 =	vmov s15;
	v40 =	vadd.s32 v23, v40;
	[tilespmem:v45+s23+$0x0] =	vst.idx.msk $0xffff, v49;
	v44 =	vmul.f32 $8.000000000e+00, v51;
	(pc) =	sbr.rel @p3 .LBB2_28-.Ltmp18, $4  }
0x1b7: {  	s9 =	sadd.s32 $0x1, s15;
	s12 =	sadd.s32 $0x2, s15;
	v42 =	vshrl.u32 v42, $0x3;
	v41 =	vadd.s32 v17, v41;
	[tilespmem:v52+s23+$0x0] =	vst.idx.msk $0xffff, v50;
	v49 =	vmul.f32 $8.000000000e+00, v53  }
0x1b8: {  	v46 =	vmov s12;
	s12 =	sadd.s32 $0x4, s15;
	v45 =	vmov s9;
	s9 =	sadd.s32 $0x3, s15;
	[tilespmem:v43+s23+$0x0] =	vst.idx.msk $0xffff, v44;
	v51 =	vmul.f32 $8.000000000e+00, v47  }
0x1b9: {  	v48 =	vmov s9;
	s9 =	sadd.s32 $0x5, s15;
	v47 =	vmov s12;
	s12 =	sadd.s32 $0x6, s15;
	[tilespmem:v54+s23+$0x0] =	vst.idx.msk $0xffff, v49;
	v43 =	vmul.f32 $8.000000000e+00, v55  }
0x1ba: {  	v50 =	vmov s9;
	s9 =	sadd.s32 $0x7, s15;
	s15 =	sadd.s32 $0x8, s15;
	v49 =	vmov s12;
	v44 =	vmul.f32 $8.000000000e+00, v56;
	[tilespmem:v57+s23+$0x0] =	vst.idx.msk $0xffff, v51  }
.LBB2_29:
0x1bb: {  	v42 =	vshll.u32 v42, v1  }
0x1bc: {  	v45 =	vshrl.u32 v45, $0x3;
	v51 =	vmov s9;
	v46 =	vshrl.u32 v46, $0x3  }
0x1bd: {  	v48 =	vshrl.u32 v48, $0x3;
	s6 =	sadd.s32 @p2 $0x200, s6;
	v47 =	vshrl.u32 v47, $0x3;
	v50 =	vshrl.u32 v50, $0x3  }
0x1be: {  	v49 =	vshrl.u32 v49, $0x3;
	v51 =	vshrl.u32 v51, $0x3;
	s11 =	smov.u32 @p2 s6;
	v45 =	vshll.u32 v45, v1  }
0x1bf: {  	v46 =	vshll.u32 v46, v1;
	v48 =	vshll.u32 v48, v1;
	v53 =	vld [tilespmem:s11+$0xFFFFFF40];
	v45 =	vbroadcast v45, $0x0  }
0x1c0: {  	v50 =	vshll.u32 v50, v1;
	v49 =	vshll.u32 v49, v1;
	v54 =	vld [tilespmem:s11+$0xFFFFFF80];
	v46 =	vbroadcast v46, $0x0  }
0x1c1: {  	v51 =	vshll.u32 v51, v1;
	v55 =	vld [tilespmem:s11+$0xFFFFFFC0];
	v48 =	vbroadcast v48, $0x0;
	v45 =	vadd.s32 v18, v45  }
0x1c2: {  	v59 =	vbroadcast v50, $0x0;
	v62 =	vld [tilespmem:s11+$0x80];
	v49 =	vbroadcast v49, $0x0;
	v46 =	vadd.s32 v19, v46  }
0x1c3: {  	[tilespmem:v40+s23+$0x0] =	vst.idx.msk @p2 $0xffff, v43;
	v42 =	vbroadcast v42, $0x0;
	v63 =	vld [tilespmem:s11+$0xFFFFFF00];
	v51 =	vbroadcast v51, $0x0;
	v40 =	vadd.s32 v20, v48  }
0x1c4: {  	v52 =	vld [tilespmem:s11+$0xC0];
	v48 =	vadd.s32 v22, v59;
	v59 =	vadd.s32 v23, v49;
	v61 =	vmul.f32 $8.000000000e+00, v53  }
0x1c5: {  	v47 =	vshll.u32 v47, v1;
	[tilespmem:v41+s23+$0x0] =	vst.idx.msk @p2 $0xffff, v44;
	v43 =	vld [tilespmem:s11+$0x40];
	v42 =	vadd.s32 v17, v42;
	v57 =	vmul.f32 $8.000000000e+00, v54  }
0x1c6: {  	v56 =	vld [tilespmem:s11+$0x0];
	v47 =	vbroadcast v47, $0x0;
	v51 =	vadd.s32 v24, v51;
	v58 =	vmul.f32 $8.000000000e+00, v55;
	[tilespmem:v45+s23+$0x0] =	vst.idx.msk $0xffff, v61  }
0x1c7: {  	v62 =	vmul.f32 $8.000000000e+00, v62;
	[tilespmem:v46+s23+$0x0] =	vst.idx.msk $0xffff, v57  }
0x1c8: {  	v44 =	vadd.s32 v21, v47;
	v63 =	vmul.f32 $8.000000000e+00, v63;
	[tilespmem:v40+s23+$0x0] =	vst.idx.msk $0xffff, v58  }
.Ltmp19:
0x1c9: {  	v60 =	vmul.f32 $8.000000000e+00, v52;
	[tilespmem:v59+s23+$0x0] =	vst.idx.msk $0xffff, v62;
	(pc) =	sbr.rel @!p1 .LBB2_30-.Ltmp19, $4  }
0x1ca: {  	v61 =	vmul.f32 $8.000000000e+00, v43;
	[tilespmem:v42+s23+$0x0] =	vst.idx.msk $0xffff, v63  }
0x1cb: {  	[tilespmem:v51+s23+$0x0] =	vst.idx.msk $0xffff, v60;
	v60 =	vmul.f32 $8.000000000e+00, v56  }
0x1cc: {  	[tilespmem:v48+s23+$0x0] =	vst.idx.msk $0xffff, v61  }
0x1cd: {  	s11 =	simm.s32 $0x8530;
	[tilespmem:v44+s23+$0x0] =	vst.idx.msk $0xffff, v60  }
0x1ce: {  	v33 =	vshll.u32 v33, v1;
	v35 =	vshrl.u32 v35, $0x3;
	v40 =	vmov s10  }
0x1cf: {  	v34 =	vshrl.u32 v34, $0x3;
	v38 =	vshrl.u32 v38, $0x3;
	v36 =	vshrl.u32 v36, $0x3  }
0x1d0: {  	v39 =	vshrl.u32 v39, $0x3;
	v40 =	vshrl.u32 v40, $0x3;
	v35 =	vshll.u32 v35, v1  }
0x1d1: {  	v37 =	vshrl.u32 v37, $0x3;
	v42 =	vld [tilespmem:s11+$0xFFFFFF40];
	v40 =	vshll.u32 v40, v1;
	v35 =	vbroadcast v35, $0x0  }
0x1d2: {  	v41 =	vld [tilespmem:s11+$0xC0];
	v34 =	vshll.u32 v34, v1;
	v38 =	vshll.u32 v38, v1;
	v40 =	vbroadcast v40, $0x0  }
0x1d3: {  	v43 =	vld [tilespmem:s11+$0xFFFFFF80];
	v36 =	vshll.u32 v36, v1;
	v34 =	vbroadcast v34, $0x0;
	v35 =	vadd.s32 v26, v35  }
0x1d4: {  	v44 =	vld [tilespmem:s11+$0xFFFFFFC0];
	v39 =	vshll.u32 v39, v1;
	v38 =	vbroadcast v38, $0x0;
	v40 =	vadd.s32 v32, v40  }
0x1d5: {  	v45 =	vld [tilespmem:s11+$0x0];
	v37 =	vshll.u32 v37, v1;
	v36 =	vbroadcast v36, $0x0;
	v34 =	vadd.s32 v27, v34  }
0x1d6: {  	v46 =	vld [tilespmem:s11+$0x40];
	v39 =	vbroadcast v39, $0x0;
	v38 =	vadd.s32 v28, v38;
	v42 =	vmul.f32 $8.000000000e+00, v42  }
0x1d7: {  	v48 =	vld [tilespmem:s11+$0x80];
	v58 =	vbroadcast v37, $0x0;
	v47 =	vadd.s32 v29, v36;
	v41 =	vmul.f32 $8.000000000e+00, v41  }
0x1d8: {  	v49 =	vld [tilespmem:s11+$0xFFFFFF00];
	p1 =	por $0x1, $0x1;
	v59 =	vbroadcast v33, $0x0;
	v50 =	vadd.s32 v30, v39;
	v43 =	vmul.f32 $8.000000000e+00, v43;
	[tilespmem:v35+s23+$0x0] =	vst.idx.msk $0xffff, v42  }
.Ltmp20:
0x1d9: {  	v60 =	vmov s1;
	v61 =	vmul.f32 $8.000000000e+00, v44;
	[tilespmem:v40+s23+$0x0] =	vst.idx.msk $0xffff, v41;
	v40 =	vadd.s32 v31, v58;
	(pc) =	sbr.rel @!p1 .LBB2_32-.Ltmp20, $4  }
0x1da: {  	s16 =	simm.s32 $0xC;
	s28 =	simm.s32 $0xE;
	v33 =	vshrl.u32 v60, $0x3;
	v62 =	vmul.f32 $8.000000000e+00, v45;
	[tilespmem:v34+s23+$0x0] =	vst.idx.msk $0xffff, v43;
	v41 =	vadd.s32 v25, v59  }
0x1db: {  	s12 =	simm.s32 $0x9;
	s17 =	simm.s32 $0xD;
	v37 =	vmov s28;
	v36 =	vmov s16;
	v63 =	vmul.f32 $8.000000000e+00, v46;
	[tilespmem:v38+s23+$0x0] =	vst.idx.msk $0xffff, v61  }
0x1dc: {  	s6 =	simm.s32 $0xA;
	s15 =	simm.s32 $0xB;
	s10 =	simm.s32 $0xF;
	v39 =	vmov s17;
	v35 =	vmov s12;
	[tilespmem:v47+s23+$0x0] =	vst.idx.msk $0xffff, v62;
	v42 =	vmul.f32 $8.000000000e+00, v48  }
0x1dd: {  	p0 =	por $0x1, $0x1;
	s1 =	simm.s32 $0x8530;
	v34 =	vmov s6;
	v38 =	vmov s15;
	s6 =	simm.s32 $0x10;
	v43 =	vmul.f32 $8.000000000e+00, v49;
	[tilespmem:v50+s23+$0x0] =	vst.idx.msk $0xffff, v63  }
.LBB2_33:
0x1de: {  	p1 =	slt.u32 s6, $0x78;
	v33 =	vshll.u32 v33, v1;
	v35 =	vshrl.u32 v35, $0x3;
	v44 =	vmov s10;
	[tilespmem:v40+s23+$0x0] =	vst.idx.msk $0xffff, v42  }
0x1df: {  	v34 =	vshrl.u32 v34, $0x3;
	v38 =	vshrl.u32 v38, $0x3;
	v40 =	vshrl.u32 v44, $0x3;
	[tilespmem:v41+s23+$0x0] =	vst.idx.msk $0xffff, v43  }
0x1e0: {  	v36 =	vshrl.u32 v36, $0x3;
	v39 =	vshrl.u32 v39, $0x3;
	s1 =	sadd.s32 $0x200, s1;
	v40 =	vshll.u32 v40, v1  }
0x1e1: {  	v37 =	vshrl.u32 v37, $0x3;
	v35 =	vshll.u32 v35, v1;
	v41 =	vld [tilespmem:s1+$0xC0];
	v40 =	vbroadcast v40, $0x0  }
0x1e2: {  	v34 =	vshll.u32 v34, v1;
	v38 =	vshll.u32 v38, v1;
	v35 =	vbroadcast v35, $0x0;
	v42 =	vld [tilespmem:s1+$0xFFFFFF40]  }
0x1e3: {  	v36 =	vshll.u32 v36, v1;
	v34 =	vbroadcast v34, $0x0;
	v43 =	vld [tilespmem:s1+$0xFFFFFF80];
	v40 =	vadd.s32 v32, v40  }
0x1e4: {  	v39 =	vshll.u32 v39, v1;
	v38 =	vbroadcast v38, $0x0;
	v35 =	vadd.s32 v26, v35;
	v44 =	vld [tilespmem:s1+$0xFFFFFFC0]  }
0x1e5: {  	v37 =	vshll.u32 v37, v1;
	v36 =	vbroadcast v36, $0x0;
	v34 =	vadd.s32 v27, v34;
	v45 =	vld [tilespmem:s1+$0x0]  }
0x1e6: {  	v39 =	vbroadcast v39, $0x0;
	v38 =	vadd.s32 v28, v38;
	v46 =	vld [tilespmem:s1+$0x40];
	v41 =	vmul.f32 $8.000000000e+00, v41  }
0x1e7: {  	v47 =	vadd.s32 v29, v36;
	v36 =	vbroadcast v37, $0x0;
	v42 =	vmul.f32 $8.000000000e+00, v42;
	v48 =	vld [tilespmem:s1+$0x80]  }
0x1e8: {  	v37 =	vbroadcast v33, $0x0;
	v50 =	vadd.s32 v30, v39;
	v49 =	vld [tilespmem:s1+$0xFFFFFF00];
	v43 =	vmul.f32 $8.000000000e+00, v43;
	[tilespmem:v40+s23+$0x0] =	vst.idx.msk $0xffff, v41  }
.Ltmp21:
0x1e9: {  	v33 =	vmov s6;
	v40 =	vadd.s32 v31, v36;
	[tilespmem:v35+s23+$0x0] =	vst.idx.msk $0xffff, v42;
	v39 =	vmul.f32 $8.000000000e+00, v44;
	(pc) =	sbr.rel @p1 .LBB2_33-.Ltmp21, $4  }
0x1ea: {  	s9 =	sadd.s32 $0x1, s6;
	s10 =	sadd.s32 $0x2, s6;
	v33 =	vshrl.u32 v33, $0x3;
	v41 =	vadd.s32 v25, v37;
	[tilespmem:v34+s23+$0x0] =	vst.idx.msk $0xffff, v43;
	v37 =	vmul.f32 $8.000000000e+00, v45  }
0x1eb: {  	v35 =	vmov s9;
	s9 =	sadd.s32 $0x3, s6;
	v34 =	vmov s10;
	s10 =	sadd.s32 $0x4, s6;
	[tilespmem:v38+s23+$0x0] =	vst.idx.msk $0xffff, v39;
	v44 =	vmul.f32 $8.000000000e+00, v46  }
0x1ec: {  	v38 =	vmov s9;
	v36 =	vmov s10;
	s9 =	sadd.s32 $0x5, s6;
	s10 =	sadd.s32 $0x6, s6;
	[tilespmem:v47+s23+$0x0] =	vst.idx.msk $0xffff, v37;
	v42 =	vmul.f32 $8.000000000e+00, v48  }
0x1ed: {  	v39 =	vmov s9;
	v37 =	vmov s10;
	s10 =	sadd.s32 $0x7, s6;
	s6 =	sadd.s32 $0x8, s6;
	v43 =	vmul.f32 $8.000000000e+00, v49;
	[tilespmem:v50+s23+$0x0] =	vst.idx.msk $0xffff, v44  }
.LBB2_34:
0x1ee: {  	v33 =	vshll.u32 v33, v1;
	v35 =	vshrl.u32 v35, $0x3;
	v44 =	vmov s10  }
0x1ef: {  	v34 =	vshrl.u32 v34, $0x3;
	v38 =	vshrl.u32 v38, $0x3;
	s1 =	sadd.s32 @p0 $0x200, s1;
	v36 =	vshrl.u32 v36, $0x3  }
0x1f0: {  	v39 =	vshrl.u32 v39, $0x3;
	v37 =	vshrl.u32 v37, $0x3;
	s11 =	smov.u32 @p0 s1;
	v35 =	vshll.u32 v35, v1  }
0x1f1: {  	v44 =	vshrl.u32 v44, $0x3;
	v34 =	vshll.u32 v34, v1;
	v46 =	vld [tilespmem:s11+$0xFFFFFF40];
	v35 =	vbroadcast v35, $0x0  }
0x1f2: {  	v38 =	vshll.u32 v38, v1;
	v36 =	vshll.u32 v36, v1;
	v47 =	vld [tilespmem:s11+$0xFFFFFF80];
	v34 =	vbroadcast v34, $0x0  }
0x1f3: {  	v39 =	vshll.u32 v39, v1;
	v48 =	vld [tilespmem:s11+$0xFFFFFFC0];
	v38 =	vbroadcast v38, $0x0;
	v35 =	vadd.s32 v26, v35  }
0x1f4: {  	v37 =	vshll.u32 v37, v1;
	v49 =	vld [tilespmem:s11+$0x0];
	v36 =	vbroadcast v36, $0x0;
	v34 =	vadd.s32 v27, v34  }
0x1f5: {  	v33 =	vbroadcast v33, $0x0;
	v53 =	vld [tilespmem:s11+$0x40];
	v39 =	vbroadcast v39, $0x0;
	v38 =	vadd.s32 v28, v38  }
0x1f6: {  	[tilespmem:v40+s23+$0x0] =	vst.idx.msk @p0 $0xffff, v42;
	v56 =	vld [tilespmem:s11+$0x80];
	v37 =	vbroadcast v37, $0x0;
	v36 =	vadd.s32 v29, v36;
	v55 =	vmul.f32 $8.000000000e+00, v46  }
0x1f7: {  	[tilespmem:v41+s23+$0x0] =	vst.idx.msk @p0 $0xffff, v43;
	v44 =	vshll.u32 v44, v1;
	v57 =	vld [tilespmem:s11+$0xFFFFFF00];
	v39 =	vadd.s32 v30, v39;
	v58 =	vmul.f32 $8.000000000e+00, v47  }
0x1f8: {  	v45 =	vld [tilespmem:s11+$0xC0];
	v44 =	vbroadcast v44, $0x0;
	v37 =	vadd.s32 v31, v37;
	v59 =	vmul.f32 $8.000000000e+00, v48;
	[tilespmem:v35+s23+$0x0] =	vst.idx.msk $0xffff, v55  }
0x1f9: {  	v33 =	vadd.s32 v25, v33;
	v60 =	vmul.f32 $8.000000000e+00, v49;
	[tilespmem:v34+s23+$0x0] =	vst.idx.msk $0xffff, v58  }
0x1fa: {  	v44 =	vadd.s32 v32, v44;
	v61 =	vmul.f32 $8.000000000e+00, v53;
	[tilespmem:v38+s23+$0x0] =	vst.idx.msk $0xffff, v59  }
0x1fb: {  	v62 =	vmul.f32 $8.000000000e+00, v56;
	[tilespmem:v36+s23+$0x0] =	vst.idx.msk $0xffff, v60  }
0x1fc: {  	v63 =	vmul.f32 $8.000000000e+00, v57;
	[tilespmem:v39+s23+$0x0] =	vst.idx.msk $0xffff, v61  }
0x1fd: {  	v54 =	vmul.f32 $8.000000000e+00, v45;
	[tilespmem:v37+s23+$0x0] =	vst.idx.msk $0xffff, v62  }
0x1fe: {  	[tilespmem:v33+s23+$0x0] =	vst.idx.msk $0xffff, v63  }
0x1ff: {  	s6 =	sadd.s32 s31, s7;
	s15 =	simm.s32 $0x10600;
	[tilespmem:v44+s23+$0x0] =	vst.idx.msk $0xffff, v54  }
0x200: {  	[hbm4b:s6+s3] =	stream.linear.scatter [tilespmem:s15], [sflag:$0x6], $0x80, $0x38;
	[tilespmem:$0x12800] =	vst v63  }
0x201: {  	s16 =	simm.s32 $0x10688;
	s9 =	sadd.s32 $0x10, s6  }
0x202: {  	[hbm4b:s9+s3] =	stream.linear.scatter [tilespmem:s16], [sflag:$0x6], $0x80, $0x38;
	[tilespmem:$0x12800] =	vst v63  }
0x203: {  	s17 =	simm.s32 $0x10710;
	s28 =	sadd.s32 $0x20, s6;
	s10 =	sadd.s32 $0x30, s6  }
0x204: {  	[hbm4b:s28+s3] =	stream.linear.scatter [tilespmem:s17], [sflag:$0x6], $0x80, $0x38;
	[tilespmem:$0x12800] =	vst v63  }
0x205: {  	s12 =	sadd.s32 $0x40, s6;
	s1 =	simm.s32 $0x440;
	s9 =	simm.s32 $0x10798  }
0x206: {  	[hbm4b:s10+s3] =	stream.linear.scatter [tilespmem:s9], [sflag:$0x6], $0x80, $0x38;
	[tilespmem:$0x12800] =	vst v63  }
0x207: {  	s11 =	simm.s32 $0x10820;
	s15 =	simm.s32 $0x108A8;
	s16 =	sadd.s32 $0x50, s6  }
0x208: {  	[hbm4b:s12+s3] =	stream.linear.scatter [tilespmem:s11], [sflag:$0x6], $0x80, $0x38;
	[tilespmem:$0x12800] =	vst v63  }
0x209: {  	s17 =	simm.s32 $0x10930;
	s28 =	sadd.s32 $0x60, s6;
	s9 =	simm.s32 $0x2200  }
0x20a: {  	[hbm4b:s16+s3] =	stream.linear.scatter [tilespmem:s15], [sflag:$0x6], $0x80, $0x38;
	[tilespmem:$0x12800] =	vst v63  }
0x20b: {  	s10 =	simm.s32 $0x109B8;
	s11 =	sadd.s32 $0x70, s6;
	s6 =	sadd.s32 $0x1000, s6  }
0x20c: {  	[hbm4b:s28+s3] =	stream.linear.scatter [tilespmem:s17], [sflag:$0x6], $0x80, $0x38;
	[tilespmem:$0x12800] =	vst v63  }
.LBB2_35:
0x20d: {  	[hbm4b:s11+s3] =	stream.linear.scatter [tilespmem:s10], [sflag:$0x6], $0x80, $0x38;
	[tilespmem:$0x12800] =	vst v63  }
0x20e: {  	s10 =	smov.u32 s1;
	s1 =	smov.u32 s9  }
0x20f: {  	s12 =	sadd.s32 $0x1100, s9;
	s1 =	sshra.s32 s1, $0x2;
	s11 =	sadd.s32 $0x10600, s10  }
0x210: {  	[hbm4b:s6+s3] =	stream.linear.scatter [tilespmem:s11], [sflag:$0x6], $0x80, $0x38;
	[tilespmem:$0x12800] =	vst v63  }
0x211: {  	p0 =	sne.s32 s9, $0x7700;
	s9 =	sadd.s32 $0x10688, s10;
	s11 =	sadd.s32 $0x10, s6  }
0x212: {  	[hbm4b:s11+s3] =	stream.linear.scatter [tilespmem:s9], [sflag:$0x6], $0x80, $0x38;
	[tilespmem:$0x12800] =	vst v63  }
0x213: {  	s9 =	sadd.s32 $0x10710, s10;
	s11 =	sadd.s32 $0x20, s6  }
0x214: {  	[hbm4b:s11+s3] =	stream.linear.scatter [tilespmem:s9], [sflag:$0x6], $0x80, $0x38;
	[tilespmem:$0x12800] =	vst v63  }
0x215: {  	s9 =	sadd.s32 $0x10798, s10;
	s11 =	sadd.s32 $0x30, s6  }
0x216: {  	[hbm4b:s11+s3] =	stream.linear.scatter [tilespmem:s9], [sflag:$0x6], $0x80, $0x38;
	[tilespmem:$0x12800] =	vst v63  }
0x217: {  	s9 =	sadd.s32 $0x10820, s10;
	s11 =	sadd.s32 $0x40, s6  }
0x218: {  	[hbm4b:s11+s3] =	stream.linear.scatter [tilespmem:s9], [sflag:$0x6], $0x80, $0x38;
	[tilespmem:$0x12800] =	vst v63  }
.Ltmp22:
0x219: {  	s9 =	sadd.s32 $0x108A8, s10;
	s11 =	sadd.s32 $0x50, s6;
	(pc) =	sbr.rel @p0 .LBB2_35-.Ltmp22, $4  }
0x21a: {  	[hbm4b:s11+s3] =	stream.linear.scatter [tilespmem:s9], [sflag:$0x6], $0x80, $0x38;
	[tilespmem:$0x12800] =	vst v63  }
0x21b: {  	s9 =	sadd.s32 $0x10930, s10;
	s11 =	sadd.s32 $0x60, s6;
	s10 =	sadd.s32 $0x109B8, s10  }
0x21c: {  	[hbm4b:s11+s3] =	stream.linear.scatter [tilespmem:s9], [sflag:$0x6], $0x80, $0x38;
	[tilespmem:$0x12800] =	vst v63  }
0x21d: {  	s11 =	sadd.s32 $0x70, s6;
	s6 =	sadd.s32 $0x1000, s6;
	s9 =	smov.u32 s12  }
0x21e: {  	[hbm4b:s11+s3] =	stream.linear.scatter [tilespmem:s10], [sflag:$0x6], $0x80, $0x38;
	[tilespmem:$0x12800] =	vst v63  }
0x21f: {  	s9 =	sadd.s32 $0x10600, s1  }
0x220: {  	[hbm4b:s6+s3] =	stream.linear.scatter [tilespmem:s9], [sflag:$0x6], $0x80, $0x38;
	[tilespmem:$0x12800] =	vst v63  }
0x221: {  	s17 =	sadd.s32 $0x10688, s1;
	s28 =	sadd.s32 $0x10, s6  }
0x222: {  	[hbm4b:s28+s3] =	stream.linear.scatter [tilespmem:s17], [sflag:$0x6], $0x80, $0x38;
	[tilespmem:$0x12800] =	vst v63  }
0x223: {  	s11 =	sadd.s32 $0x10710, s1;
	s12 =	sadd.s32 $0x20, s6  }
0x224: {  	[hbm4b:s12+s3] =	stream.linear.scatter [tilespmem:s11], [sflag:$0x6], $0x80, $0x38;
	[tilespmem:$0x12800] =	vst v63  }
0x225: {  	s15 =	sadd.s32 $0x10798, s1;
	s16 =	sadd.s32 $0x30, s6  }
0x226: {  	[hbm4b:s16+s3] =	stream.linear.scatter [tilespmem:s15], [sflag:$0x6], $0x80, $0x38;
	[tilespmem:$0x12800] =	vst v63  }
0x227: {  	p0 =	seq.s32 s29, $0x31;
	s17 =	sadd.s32 $0x10820, s1;
	s28 =	sadd.s32 $0x40, s6  }
0x228: {  	[hbm4b:s28+s3] =	stream.linear.scatter [tilespmem:s17], [sflag:$0x6], $0x80, $0x38;
	[tilespmem:$0x12800] =	vst v63  }
0x229: {  	s10 =	simm.s32 $0x2;
	s11 =	sadd.s32 $0x108A8, s1;
	s12 =	sadd.s32 $0x50, s6  }
0x22a: {  	[hbm4b:s12+s3] =	stream.linear.scatter [tilespmem:s11], [sflag:$0x6], $0x80, $0x38;
	[tilespmem:$0x12800] =	vst v63  }
0x22b: {  	s0 =	sshll.u32 @!p0 s0, $0x7;
	s15 =	sadd.s32 $0x10930, s1;
	s16 =	sadd.s32 $0x60, s6  }
0x22c: {  	[hbm4b:s16+s3] =	stream.linear.scatter [tilespmem:s15], [sflag:$0x6], $0x80, $0x38;
	[tilespmem:$0x12800] =	vst v63  }
0x22d: {  	s17 =	sadd.s32 $0x109B8, s1;
	s28 =	sadd.s32 $0x70, s6;
	s1 =	sadd.s32 @!p0 $0x280, s0  }
0x22e: {  	[hbm4b:s28+s3] =	stream.linear.scatter [tilespmem:s17], [sflag:$0x6], $0x80, $0x38;
	[tilespmem:$0x12800] =	vst v63  }
0x22f: {  	v35 =	vmov s10;
	s9 =	simm.s32 @!p0 $0x8400;
	s6 =	simm.s32 @!p0 $0x80;
	s1 =	sand.u32 @!p0 $0xFE80, s1  }
0x230: {  	v35 =	vshrl.u32 v35, $0x3;
	[tilespmem:s9], [sflag:$0x2] =	stream.indirect.gather @!p0 [hbm4b:s5+s6], $0x40, s1, s6, $0xb8;
	[tilespmem:$0x12800] =	vst v63  }
0x231: {  	v35 =	vshll.u32 v35, v1;
	_ =	swait.ge [sflag:s24], $0x2000  }
0x232: {  	v35 =	vbroadcast v35, $0x0;
	s11 =	simm.s32 $0x3;
	[sflag:s24] =	ssyncset.done $0x0  }
0x233: {  	s12 =	simm.s32 $0x4;
	v36 =	vmov s11;
	[sflag:s24] =	ssyncadd.s32 $0xFFFFE000  }
0x234: {  	v47 =	vadd.s32 v3, v35;
	v37 =	vmov s12;
	v36 =	vshrl.u32 v36, $0x3;
	s17 =	simm.s32 $0x7;
	s9 =	simm.s32 $0x1;
	_ =	swait.ge [sflag:s25], $0x2000  }
0x235: {  	v37 =	vshrl.u32 v37, $0x3;
	v60 =	vmov s17;
	s6 =	simm.s32 $0x0;
	v34 =	vmov s9;
	[sflag:s25] =	ssyncset.done $0x0  }
0x236: {  	s15 =	simm.s32 $0x5;
	v33 =	vmov s6;
	s6 =	simm.s32 $0xA500;
	v59 =	vshrl.u32 v34, $0x3;
	v34 =	vshrl.u32 v60, $0x3;
	[sflag:s25] =	ssyncadd.s32 $0xFFFFE000  }
0x237: {  	v38 =	vmov s15;
	v33 =	vshrl.u32 v33, $0x3;
	v34 =	vshll.u32 v34, v1;
	v42 =	vld [tilespmem:s6+$0xC0]  }
0x238: {  	s16 =	simm.s32 $0x6;
	v40 =	vshll.u32 v33, v1;
	v41 =	vshll.u32 v59, v1;
	v33 =	vbroadcast v34, $0x0;
	v43 =	vld [tilespmem:s6+$0xFFFFFF40]  }
0x239: {  	v39 =	vmov s16;
	v36 =	vshll.u32 v36, v1;
	v34 =	vbroadcast v41, $0x0;
	v61 =	vld [tilespmem:s6+$0xFFFFFF80]  }
0x23a: {  	v37 =	vshll.u32 v37, v1;
	v38 =	vshrl.u32 v38, $0x3;
	v44 =	vadd.s32 v8, v33;
	v46 =	vld [tilespmem:s6+$0xFFFFFFC0]  }
0x23b: {  	v39 =	vshrl.u32 v39, $0x3;
	v36 =	vbroadcast v36, $0x0;
	v45 =	vadd.s32 v2, v34;
	v48 =	vld [tilespmem:s6+$0x0]  }
0x23c: {  	v37 =	vbroadcast v37, $0x0;
	v38 =	vshll.u32 v38, v1;
	v39 =	vshll.u32 v39, v1;
	v50 =	vld [tilespmem:s6+$0x40]  }
0x23d: {  	v49 =	vadd.s32 v4, v36;
	v38 =	vbroadcast v38, $0x0;
	v54 =	vld [tilespmem:s6+$0xFFFFFF00];
	v42 =	vmul.f32 $8.000000000e+00, v42  }
0x23e: {  	v52 =	vadd.s32 v5, v37;
	v39 =	vbroadcast v39, $0x0;
	v53 =	vld [tilespmem:s6+$0x80];
	v43 =	vmul.f32 $8.000000000e+00, v43  }
0x23f: {  	s28 =	simm.s32 $0x8;
	v55 =	vadd.s32 v6, v38;
	v40 =	vbroadcast v40, $0x0;
	v51 =	vmul.f32 $8.000000000e+00, v61;
	[tilespmem:v44+s20+$0x0] =	vst.idx.msk $0xffff, v42  }
0x240: {  	s1 =	simm.s32 $0x9;
	v41 =	vmov s28;
	v62 =	vmul.f32 $8.000000000e+00, v46;
	[tilespmem:v45+s20+$0x0] =	vst.idx.msk $0xffff, v43;
	v43 =	vadd.s32 v7, v39  }
0x241: {  	s17 =	simm.s32 $0xE;
	v63 =	vmul.f32 $8.000000000e+00, v48;
	v48 =	vmov s1;
	v42 =	vadd.s32 v0, v40;
	[tilespmem:v47+s20+$0x0] =	vst.idx.msk $0xffff, v51  }
0x242: {  	s10 =	simm.s32 $0xA;
	v56 =	vmul.f32 $8.000000000e+00, v50;
	v50 =	vmov s17;
	v46 =	vmul.f32 $8.000000000e+00, v54;
	[tilespmem:v49+s20+$0x0] =	vst.idx.msk $0xffff, v62  }
0x243: {  	s11 =	simm.s32 $0xB;
	s15 =	simm.s32 $0xC;
	s16 =	simm.s32 $0xD;
	v44 =	vshrl.u32 v41, $0x3;
	v47 =	vmov s10;
	[tilespmem:v52+s20+$0x0] =	vst.idx.msk $0xffff, v63;
	v45 =	vmul.f32 $8.000000000e+00, v53  }
0x244: {  	s12 =	simm.s32 $0xF;
	s9 =	simm.s32 $0x10;
	v51 =	vmov s11;
	v49 =	vmov s15;
	v52 =	vmov s16;
	[tilespmem:v55+s20+$0x0] =	vst.idx.msk $0xffff, v56  }
.LBB2_37:
0x245: {  	p1 =	slt.u32 s9, $0x78;
	v44 =	vshll.u32 v44, v1;
	v48 =	vshrl.u32 v48, $0x3;
	v53 =	vmov s12;
	[tilespmem:v43+s20+$0x0] =	vst.idx.msk $0xffff, v45  }
0x246: {  	v43 =	vshrl.u32 v47, $0x3;
	v45 =	vshrl.u32 v51, $0x3;
	v47 =	vshrl.u32 v53, $0x3;
	[tilespmem:v42+s20+$0x0] =	vst.idx.msk $0xffff, v46  }
0x247: {  	s6 =	sadd.s32 $0x200, s6;
	v42 =	vshrl.u32 v49, $0x3;
	v46 =	vshrl.u32 v52, $0x3;
	v47 =	vshll.u32 v47, v1  }
0x248: {  	v48 =	vshll.u32 v48, v1;
	v49 =	vshrl.u32 v50, $0x3;
	v50 =	vld [tilespmem:s6+$0xC0];
	v47 =	vbroadcast v47, $0x0  }
0x249: {  	v43 =	vshll.u32 v43, v1;
	v45 =	vshll.u32 v45, v1;
	v48 =	vbroadcast v48, $0x0;
	v51 =	vld [tilespmem:s6+$0xFFFFFF40]  }
0x24a: {  	v43 =	vbroadcast v43, $0x0;
	v42 =	vshll.u32 v42, v1;
	v52 =	vld [tilespmem:s6+$0xFFFFFF80];
	v47 =	vadd.s32 v8, v47  }
0x24b: {  	v45 =	vbroadcast v45, $0x0;
	v46 =	vshll.u32 v46, v1;
	v48 =	vadd.s32 v2, v48;
	v53 =	vld [tilespmem:s6+$0xFFFFFFC0]  }
0x24c: {  	v42 =	vbroadcast v42, $0x0;
	v54 =	vadd.s32 v3, v43;
	v43 =	vshll.u32 v49, v1;
	v55 =	vld [tilespmem:s6+$0x0]  }
0x24d: {  	v46 =	vbroadcast v46, $0x0;
	v45 =	vadd.s32 v4, v45;
	v49 =	vld [tilespmem:s6+$0x40];
	v50 =	vmul.f32 $8.000000000e+00, v50  }
0x24e: {  	v56 =	vadd.s32 v5, v42;
	v42 =	vbroadcast v43, $0x0;
	v51 =	vmul.f32 $8.000000000e+00, v51;
	v57 =	vld [tilespmem:s6+$0x80]  }
0x24f: {  	v59 =	vbroadcast v44, $0x0;
	v60 =	vadd.s32 v6, v46;
	v58 =	vld [tilespmem:s6+$0xFFFFFF00];
	v52 =	vmul.f32 $8.000000000e+00, v52;
	[tilespmem:v47+s20+$0x0] =	vst.idx.msk $0xffff, v50  }
.Ltmp23:
0x250: {  	v44 =	vmov s9;
	v43 =	vadd.s32 v7, v42;
	[tilespmem:v48+s20+$0x0] =	vst.idx.msk $0xffff, v51;
	v46 =	vmul.f32 $8.000000000e+00, v53;
	(pc) =	sbr.rel @p1 .LBB2_37-.Ltmp23, $4  }
0x251: {  	s12 =	sadd.s32 $0x1, s9;
	s28 =	sadd.s32 $0x2, s9;
	v44 =	vshrl.u32 v44, $0x3;
	v42 =	vadd.s32 v0, v59;
	[tilespmem:v54+s20+$0x0] =	vst.idx.msk $0xffff, v52;
	v50 =	vmul.f32 $8.000000000e+00, v55  }
0x252: {  	v47 =	vmov s28;
	s28 =	sadd.s32 $0x4, s9;
	v48 =	vmov s12;
	s12 =	sadd.s32 $0x3, s9;
	[tilespmem:v45+s20+$0x0] =	vst.idx.msk $0xffff, v46;
	v53 =	vmul.f32 $8.000000000e+00, v49  }
0x253: {  	v51 =	vmov s12;
	s12 =	sadd.s32 $0x5, s9;
	v49 =	vmov s28;
	s28 =	sadd.s32 $0x6, s9;
	[tilespmem:v56+s20+$0x0] =	vst.idx.msk $0xffff, v50;
	v45 =	vmul.f32 $8.000000000e+00, v57  }
0x254: {  	v52 =	vmov s12;
	s12 =	sadd.s32 $0x7, s9;
	s9 =	sadd.s32 $0x8, s9;
	v50 =	vmov s28;
	v46 =	vmul.f32 $8.000000000e+00, v58;
	[tilespmem:v60+s20+$0x0] =	vst.idx.msk $0xffff, v53  }
0x255: {  	v44 =	vshll.u32 v44, v1;
	v48 =	vshrl.u32 v48, $0x3  }
0x256: {  	v53 =	vmov s12;
	v47 =	vshrl.u32 v47, $0x3;
	v51 =	vshrl.u32 v51, $0x3  }
0x257: {  	v49 =	vshrl.u32 v49, $0x3;
	v52 =	vshrl.u32 v52, $0x3;
	s6 =	sadd.s32 $0x200, s6;
	v50 =	vshrl.u32 v50, $0x3  }
0x258: {  	v53 =	vshrl.u32 v53, $0x3;
	v48 =	vshll.u32 v48, v1;
	v47 =	vshll.u32 v47, v1;
	v56 =	vld [tilespmem:s6+$0xFFFFFF80]  }
0x259: {  	v51 =	vshll.u32 v51, v1;
	v49 =	vshll.u32 v49, v1;
	v60 =	vld [tilespmem:s6+$0xFFFFFF00];
	v44 =	vbroadcast v44, $0x0  }
0x25a: {  	v55 =	vld [tilespmem:s6+$0xFFFFFF40];
	v52 =	vshll.u32 v52, v1;
	v53 =	vshll.u32 v53, v1;
	v48 =	vbroadcast v48, $0x0  }
0x25b: {  	v47 =	vbroadcast v47, $0x0;
	v51 =	vbroadcast v51, $0x0;
	v44 =	vadd.s32 v0, v44  }
0x25c: {  	v54 =	vld [tilespmem:s6+$0xC0];
	v50 =	vshll.u32 v50, v1;
	v53 =	vbroadcast v53, $0x0;
	v48 =	vadd.s32 v2, v48  }
0x25d: {  	[tilespmem:v43+s20+$0x0] =	vst.idx.msk $0xffff, v45;
	v58 =	vld [tilespmem:s6+$0x0];
	v49 =	vbroadcast v49, $0x0;
	v47 =	vadd.s32 v3, v47;
	v43 =	vadd.s32 v4, v51  }
0x25e: {  	v57 =	vld [tilespmem:s6+$0xFFFFFFC0];
	v53 =	vadd.s32 v8, v53;
	v61 =	vmul.f32 $8.000000000e+00, v56;
	v56 =	vmul.f32 $8.000000000e+00, v60  }
0x25f: {  	v45 =	vld [tilespmem:s6+$0x40];
	[tilespmem:v42+s20+$0x0] =	vst.idx.msk $0xffff, v46;
	v51 =	vbroadcast v52, $0x0;
	v46 =	vadd.s32 v5, v49;
	v63 =	vmul.f32 $8.000000000e+00, v55  }
0x260: {  	v59 =	vld [tilespmem:s6+$0x80];
	v50 =	vbroadcast v50, $0x0;
	[tilespmem:v44+s20+$0x0] =	vst.idx.msk $0xffff, v56  }
0x261: {  	v62 =	vmul.f32 $8.000000000e+00, v54;
	v51 =	vadd.s32 v6, v51;
	[tilespmem:v48+s20+$0x0] =	vst.idx.msk $0xffff, v63  }
0x262: {  	v52 =	vmul.f32 $8.000000000e+00, v58;
	v63 =	vadd.s32 v7, v50;
	[tilespmem:v47+s20+$0x0] =	vst.idx.msk $0xffff, v61  }
0x263: {  	[tilespmem:v53+s20+$0x0] =	vst.idx.msk $0xffff, v62;
	v62 =	vmul.f32 $8.000000000e+00, v57  }
0x264: {  	[tilespmem:v46+s20+$0x0] =	vst.idx.msk $0xffff, v52;
	v53 =	vmul.f32 $8.000000000e+00, v45  }
0x265: {  	v55 =	vmul.f32 $8.000000000e+00, v59;
	[tilespmem:v43+s20+$0x0] =	vst.idx.msk $0xffff, v62  }
0x266: {  	[tilespmem:v51+s20+$0x0] =	vst.idx.msk $0xffff, v53  }
0x267: {  	s6 =	simm.s32 $0xA510;
	[tilespmem:v63+s20+$0x0] =	vst.idx.msk $0xffff, v55  }
0x268: {  	v42 =	vld [tilespmem:s6+$0xC0]  }
0x269: {  	v43 =	vld [tilespmem:s6+$0xFFFFFF40]  }
0x26a: {  	v33 =	vadd.s32 v16, v33;
	v44 =	vld [tilespmem:s6+$0xFFFFFF80]  }
0x26b: {  	v34 =	vadd.s32 v10, v34;
	v45 =	vld [tilespmem:s6+$0xFFFFFFC0]  }
0x26c: {  	v35 =	vadd.s32 v11, v35;
	v46 =	vld [tilespmem:s6+$0x0]  }
0x26d: {  	v36 =	vadd.s32 v12, v36;
	v47 =	vld [tilespmem:s6+$0x40];
	v42 =	vmul.f32 $8.000000000e+00, v42  }
0x26e: {  	v57 =	vadd.s32 v13, v37;
	v58 =	vld [tilespmem:s6+$0x80];
	v43 =	vmul.f32 $8.000000000e+00, v43  }
0x26f: {  	v60 =	vadd.s32 v14, v38;
	v59 =	vld [tilespmem:s6+$0xFFFFFF00];
	v44 =	vmul.f32 $8.000000000e+00, v44;
	[tilespmem:v33+s20+$0x0] =	vst.idx.msk $0xffff, v42  }
0x270: {  	v61 =	vmul.f32 $8.000000000e+00, v45;
	[tilespmem:v34+s20+$0x0] =	vst.idx.msk $0xffff, v43;
	v34 =	vadd.s32 v15, v39  }
0x271: {  	v38 =	vmov s10;
	v62 =	vmul.f32 $8.000000000e+00, v46;
	v33 =	vadd.s32 v9, v40;
	[tilespmem:v35+s20+$0x0] =	vst.idx.msk $0xffff, v44  }
0x272: {  	v37 =	vshrl.u32 v41, $0x3;
	v41 =	vmov s1;
	v63 =	vmul.f32 $8.000000000e+00, v47;
	[tilespmem:v36+s20+$0x0] =	vst.idx.msk $0xffff, v61  }
0x273: {  	v42 =	vmov s11;
	v39 =	vmov s15;
	[tilespmem:v57+s20+$0x0] =	vst.idx.msk $0xffff, v62;
	v35 =	vmul.f32 $8.000000000e+00, v58  }
0x274: {  	s9 =	simm.s32 $0xF;
	s1 =	simm.s32 $0x10;
	v43 =	vmov s16;
	v40 =	vmov s17;
	v36 =	vmul.f32 $8.000000000e+00, v59;
	[tilespmem:v60+s20+$0x0] =	vst.idx.msk $0xffff, v63  }
.LBB2_39:
0x275: {  	p1 =	slt.u32 s1, $0x78;
	v37 =	vshll.u32 v37, v1;
	v41 =	vshrl.u32 v41, $0x3;
	v44 =	vmov s9;
	[tilespmem:v34+s20+$0x0] =	vst.idx.msk $0xffff, v35  }
0x276: {  	v34 =	vshrl.u32 v38, $0x3;
	v35 =	vshrl.u32 v42, $0x3;
	v38 =	vshrl.u32 v44, $0x3;
	[tilespmem:v33+s20+$0x0] =	vst.idx.msk $0xffff, v36  }
0x277: {  	s6 =	sadd.s32 $0x200, s6;
	v33 =	vshrl.u32 v39, $0x3;
	v36 =	vshrl.u32 v43, $0x3;
	v38 =	vshll.u32 v38, v1  }
0x278: {  	v40 =	vshrl.u32 v40, $0x3;
	v39 =	vshll.u32 v41, v1;
	v41 =	vld [tilespmem:s6+$0xC0];
	v38 =	vbroadcast v38, $0x0  }
0x279: {  	v34 =	vshll.u32 v34, v1;
	v35 =	vshll.u32 v35, v1;
	v39 =	vbroadcast v39, $0x0;
	v42 =	vld [tilespmem:s6+$0xFFFFFF40]  }
0x27a: {  	v34 =	vbroadcast v34, $0x0;
	v33 =	vshll.u32 v33, v1;
	v43 =	vld [tilespmem:s6+$0xFFFFFF80];
	v38 =	vadd.s32 v16, v38  }
0x27b: {  	v35 =	vbroadcast v35, $0x0;
	v36 =	vshll.u32 v36, v1;
	v39 =	vadd.s32 v10, v39;
	v44 =	vld [tilespmem:s6+$0xFFFFFFC0]  }
0x27c: {  	v33 =	vbroadcast v33, $0x0;
	v45 =	vadd.s32 v11, v34;
	v34 =	vshll.u32 v40, v1;
	v46 =	vld [tilespmem:s6+$0x0]  }
0x27d: {  	v36 =	vbroadcast v36, $0x0;
	v35 =	vadd.s32 v12, v35;
	v40 =	vld [tilespmem:s6+$0x40];
	v41 =	vmul.f32 $8.000000000e+00, v41  }
0x27e: {  	v47 =	vadd.s32 v13, v33;
	v33 =	vbroadcast v34, $0x0;
	v42 =	vmul.f32 $8.000000000e+00, v42;
	v48 =	vld [tilespmem:s6+$0x80]  }
0x27f: {  	v50 =	vbroadcast v37, $0x0;
	v51 =	vadd.s32 v14, v36;
	v49 =	vld [tilespmem:s6+$0xFFFFFF00];
	v43 =	vmul.f32 $8.000000000e+00, v43;
	[tilespmem:v38+s20+$0x0] =	vst.idx.msk $0xffff, v41  }
.Ltmp24:
0x280: {  	v36 =	vmov s1;
	v34 =	vadd.s32 v15, v33;
	[tilespmem:v39+s20+$0x0] =	vst.idx.msk $0xffff, v42;
	v39 =	vmul.f32 $8.000000000e+00, v44;
	(pc) =	sbr.rel @p1 .LBB2_39-.Ltmp24, $4  }
0x281: {  	s9 =	sadd.s32 $0x1, s1;
	s10 =	sadd.s32 $0x2, s1;
	v37 =	vshrl.u32 v36, $0x3;
	v33 =	vadd.s32 v9, v50;
	[tilespmem:v45+s20+$0x0] =	vst.idx.msk $0xffff, v43;
	v36 =	vmul.f32 $8.000000000e+00, v46  }
0x282: {  	v41 =	vmov s9;
	v38 =	vmov s10;
	s9 =	sadd.s32 $0x3, s1;
	s10 =	sadd.s32 $0x4, s1;
	[tilespmem:v35+s20+$0x0] =	vst.idx.msk $0xffff, v39;
	v44 =	vmul.f32 $8.000000000e+00, v40  }
0x283: {  	v42 =	vmov s9;
	s9 =	sadd.s32 $0x5, s1;
	v39 =	vmov s10;
	s10 =	sadd.s32 $0x6, s1;
	[tilespmem:v47+s20+$0x0] =	vst.idx.msk $0xffff, v36;
	v35 =	vmul.f32 $8.000000000e+00, v48  }
0x284: {  	v43 =	vmov s9;
	s9 =	sadd.s32 $0x7, s1;
	s1 =	sadd.s32 $0x8, s1;
	v40 =	vmov s10;
	v36 =	vmul.f32 $8.000000000e+00, v49;
	[tilespmem:v51+s20+$0x0] =	vst.idx.msk $0xffff, v44  }
0x285: {  	v37 =	vshll.u32 v37, v1;
	v41 =	vshrl.u32 v41, $0x3;
	v44 =	vmov s9  }
0x286: {  	v38 =	vshrl.u32 v38, $0x3;
	v42 =	vshrl.u32 v42, $0x3;
	v39 =	vshrl.u32 v39, $0x3  }
0x287: {  	s1 =	sadd.s32 $0x200, s6;
	v43 =	vshrl.u32 v43, $0x3;
	v40 =	vshrl.u32 v40, $0x3;
	v44 =	vshrl.u32 v44, $0x3  }
0x288: {  	v41 =	vshll.u32 v41, v1;
	v38 =	vshll.u32 v38, v1;
	v56 =	vld [tilespmem:s1+$0xFFFFFF00];
	v37 =	vbroadcast v37, $0x0  }
0x289: {  	v46 =	vld [tilespmem:s1+$0xFFFFFF40];
	v42 =	vshll.u32 v42, v1;
	v39 =	vshll.u32 v39, v1;
	v41 =	vbroadcast v41, $0x0  }
0x28a: {  	v47 =	vld [tilespmem:s1+$0xFFFFFF80];
	v43 =	vshll.u32 v43, v1;
	v38 =	vbroadcast v38, $0x0;
	v59 =	vadd.s32 v9, v37  }
0x28b: {  	v48 =	vld [tilespmem:s1+$0xFFFFFFC0];
	v40 =	vshll.u32 v40, v1;
	v42 =	vbroadcast v42, $0x0;
	v41 =	vadd.s32 v10, v41  }
0x28c: {  	v49 =	vld [tilespmem:s1+$0x0];
	v39 =	vbroadcast v39, $0x0;
	v63 =	vbroadcast v43, $0x0;
	v38 =	vadd.s32 v11, v38  }
0x28d: {  	[tilespmem:v34+s20+$0x0] =	vst.idx.msk $0xffff, v35;
	v50 =	vld [tilespmem:s1+$0x40];
	v55 =	vbroadcast v40, $0x0;
	v62 =	vadd.s32 v12, v42;
	v40 =	vmul.f32 $8.000000000e+00, v56  }
0x28e: {  	v52 =	vld [tilespmem:s1+$0x80];
	[tilespmem:v33+s20+$0x0] =	vst.idx.msk $0xffff, v36;
	v44 =	vshll.u32 v44, v1;
	v54 =	vadd.s32 v13, v39;
	v53 =	vmul.f32 $8.000000000e+00, v46  }
0x28f: {  	v45 =	vld [tilespmem:s1+$0xC0];
	v44 =	vbroadcast v44, $0x0;
	v35 =	vadd.s32 v14, v63;
	v57 =	vmul.f32 $8.000000000e+00, v47;
	[tilespmem:v59+s20+$0x0] =	vst.idx.msk $0xffff, v40  }
0x290: {  	v39 =	vadd.s32 v15, v55;
	v58 =	vmul.f32 $8.000000000e+00, v48;
	[tilespmem:v41+s20+$0x0] =	vst.idx.msk $0xffff, v53  }
0x291: {  	p2 =	por $0x1, $0x1;
	s12 =	simm.s32 $0x2;
	v44 =	vadd.s32 v16, v44;
	v60 =	vmul.f32 $8.000000000e+00, v49;
	[tilespmem:v38+s20+$0x0] =	vst.idx.msk $0xffff, v57  }
.Ltmp25:
0x292: {  	s16 =	simm.s32 $0x4;
	s28 =	simm.s32 $0x6;
	v34 =	vmov s12;
	v61 =	vmul.f32 $8.000000000e+00, v50;
	[tilespmem:v62+s20+$0x0] =	vst.idx.msk $0xffff, v58;
	(pc) =	sbr.rel @!p2 .LBB2_44-.Ltmp25, $4  }
0x293: {  	s9 =	simm.s32 $0x0;
	s10 =	simm.s32 $0x1;
	v36 =	vmov s16;
	v37 =	vmov s28;
	v63 =	vmul.f32 $8.000000000e+00, v52;
	[tilespmem:v54+s20+$0x0] =	vst.idx.msk $0xffff, v60  }
0x294: {  	s11 =	simm.s32 $0xA520;
	s15 =	simm.s32 $0x3;
	s17 =	simm.s32 $0x5;
	v51 =	vmul.f32 $8.000000000e+00, v45;
	v62 =	vmov s9;
	[tilespmem:v35+s20+$0x0] =	vst.idx.msk $0xffff, v61;
	v35 =	vmov s10  }
0x295: {  	p1 =	por $0x0, $0x0;
	s6 =	simm.s32 $0xA520;
	p3 =	por $0x0, $0x0;
	v46 =	vmovc v34;
	v47 =	vmovc v36;
	v38 =	vmov s15;
	[tilespmem:v39+s20+$0x0] =	vst.idx.msk $0xffff, v63;
	v39 =	vmov s17;
	v33 =	vshrl.u32 v62, $0x3  }
0x296: {  	s1 =	simm.s32 $0x8;
	v49 =	vmovc v37;
	s10 =	simm.s32 $0x7;
	s9 =	simm.s32 $0x7;
	[tilespmem:v44+s20+$0x0] =	vst.idx.msk $0xffff, v51;
	v45 =	vmovc v35;
	v48 =	vmov v38;
	v50 =	vmov v39;
	v42 =	vmov v33  }
0x297: {  	v40 =	vshll.u32 v33, v1;
	v41 =	vshrl.u32 v35, $0x3;
	v42 =	vmov s10  }
0x298: {  	v43 =	vshrl.u32 v34, $0x3;
	v44 =	vshrl.u32 v38, $0x3;
	v45 =	vshrl.u32 v36, $0x3  }
0x299: {  	v46 =	vshrl.u32 v39, $0x3;
	v47 =	vshrl.u32 v37, $0x3;
	v41 =	vshll.u32 v41, v1  }
0x29a: {  	v49 =	vld [tilespmem:s11+$0xFFFFFF40];
	v42 =	vshrl.u32 v42, $0x3;
	v43 =	vshll.u32 v43, v1;
	v41 =	vbroadcast v41, $0x0  }
0x29b: {  	v50 =	vld [tilespmem:s11+$0xFFFFFF80];
	v44 =	vshll.u32 v44, v1;
	v45 =	vshll.u32 v45, v1;
	v43 =	vbroadcast v43, $0x0  }
0x29c: {  	v51 =	vld [tilespmem:s11+$0xFFFFFFC0];
	v46 =	vshll.u32 v46, v1;
	v44 =	vbroadcast v44, $0x0;
	v41 =	vadd.s32 v18, v41  }
0x29d: {  	v52 =	vld [tilespmem:s11+$0x0];
	v42 =	vshll.u32 v42, v1;
	v45 =	vbroadcast v45, $0x0;
	v43 =	vadd.s32 v19, v43  }
0x29e: {  	v48 =	vld [tilespmem:s11+$0xC0];
	v47 =	vshll.u32 v47, v1;
	v42 =	vbroadcast v42, $0x0;
	v44 =	vadd.s32 v20, v44  }
0x29f: {  	v53 =	vld [tilespmem:s11+$0x40];
	v46 =	vbroadcast v46, $0x0;
	v54 =	vadd.s32 v21, v45;
	v49 =	vmul.f32 $8.000000000e+00, v49  }
0x2a0: {  	v55 =	vld [tilespmem:s11+$0x80];
	v62 =	vbroadcast v47, $0x0;
	v42 =	vadd.s32 v24, v42;
	v50 =	vmul.f32 $8.000000000e+00, v50  }
0x2a1: {  	v56 =	vld [tilespmem:s11+$0xFFFFFF00];
	p4 =	por $0x1, $0x1;
	v63 =	vbroadcast v40, $0x0;
	v57 =	vadd.s32 v22, v46;
	v61 =	vmul.f32 $8.000000000e+00, v51;
	[tilespmem:v41+s20+$0x0] =	vst.idx.msk $0xffff, v49  }
.Ltmp26:
0x2a2: {  	v60 =	vmov s1;
	s17 =	simm.s32 $0xC;
	v40 =	vadd.s32 v23, v62;
	v62 =	vmul.f32 $8.000000000e+00, v52;
	[tilespmem:v43+s20+$0x0] =	vst.idx.msk $0xffff, v50;
	(pc) =	sbr.rel @!p4 .LBB2_42-.Ltmp26, $4  }
0x2a3: {  	s6 =	simm.s32 $0x9;
	s9 =	simm.s32 $0xA;
	v47 =	vmov s17;
	v48 =	vmul.f32 $8.000000000e+00, v48;
	v41 =	vadd.s32 v17, v63;
	[tilespmem:v44+s20+$0x0] =	vst.idx.msk $0xffff, v61  }
0x2a4: {  	s28 =	simm.s32 $0xD;
	s12 =	simm.s32 $0xE;
	v45 =	vmov s6;
	v46 =	vmov s9;
	v63 =	vmul.f32 $8.000000000e+00, v53;
	[tilespmem:v54+s20+$0x0] =	vst.idx.msk $0xffff, v62  }
0x2a5: {  	s16 =	simm.s32 $0xB;
	s15 =	simm.s32 $0x10;
	v43 =	vmul.f32 $8.000000000e+00, v55;
	v50 =	vmov s28;
	v49 =	vmov s12;
	[tilespmem:v42+s20+$0x0] =	vst.idx.msk $0xffff, v48  }
0x2a6: {  	p3 =	por $0x1, $0x1;
	s9 =	simm.s32 $0xF;
	s6 =	simm.s32 $0xA520;
	v44 =	vmul.f32 $8.000000000e+00, v56;
	v42 =	vshrl.u32 v60, $0x3;
	v48 =	vmov s16;
	[tilespmem:v57+s20+$0x0] =	vst.idx.msk $0xffff, v63  }
.LBB2_43:
0x2a7: {  	p4 =	slt.u32 s15, $0x78;
	v42 =	vshll.u32 v42, v1;
	v45 =	vshrl.u32 v45, $0x3;
	v51 =	vmov s9;
	[tilespmem:v40+s20+$0x0] =	vst.idx.msk $0xffff, v43  }
0x2a8: {  	v40 =	vshrl.u32 v46, $0x3;
	v43 =	vshrl.u32 v48, $0x3;
	v46 =	vshrl.u32 v51, $0x3;
	[tilespmem:v41+s20+$0x0] =	vst.idx.msk $0xffff, v44  }
0x2a9: {  	s6 =	sadd.s32 $0x200, s6;
	v41 =	vshrl.u32 v47, $0x3;
	v44 =	vshrl.u32 v50, $0x3;
	v46 =	vshll.u32 v46, v1  }
0x2aa: {  	v45 =	vshll.u32 v45, v1;
	v47 =	vshrl.u32 v49, $0x3;
	v48 =	vld [tilespmem:s6+$0xC0];
	v46 =	vbroadcast v46, $0x0  }
0x2ab: {  	v40 =	vshll.u32 v40, v1;
	v43 =	vshll.u32 v43, v1;
	v45 =	vbroadcast v45, $0x0;
	v49 =	vld [tilespmem:s6+$0xFFFFFF40]  }
0x2ac: {  	v40 =	vbroadcast v40, $0x0;
	v41 =	vshll.u32 v41, v1;
	v50 =	vld [tilespmem:s6+$0xFFFFFF80];
	v46 =	vadd.s32 v24, v46  }
0x2ad: {  	v43 =	vbroadcast v43, $0x0;
	v44 =	vshll.u32 v44, v1;
	v45 =	vadd.s32 v18, v45;
	v51 =	vld [tilespmem:s6+$0xFFFFFFC0]  }
0x2ae: {  	v52 =	vadd.s32 v19, v40;
	v40 =	vbroadcast v41, $0x0;
	v41 =	vshll.u32 v47, v1;
	v53 =	vld [tilespmem:s6+$0x0]  }
0x2af: {  	v44 =	vbroadcast v44, $0x0;
	v43 =	vadd.s32 v20, v43;
	v47 =	vld [tilespmem:s6+$0x40];
	v48 =	vmul.f32 $8.000000000e+00, v48  }
0x2b0: {  	v54 =	vadd.s32 v21, v40;
	v40 =	vbroadcast v41, $0x0;
	v49 =	vmul.f32 $8.000000000e+00, v49;
	v55 =	vld [tilespmem:s6+$0x80]  }
0x2b1: {  	v57 =	vadd.s32 v22, v44;
	v41 =	vbroadcast v42, $0x0;
	v56 =	vld [tilespmem:s6+$0xFFFFFF00];
	v50 =	vmul.f32 $8.000000000e+00, v50;
	[tilespmem:v46+s20+$0x0] =	vst.idx.msk $0xffff, v48  }
.Ltmp27:
0x2b2: {  	v42 =	vmov s15;
	v40 =	vadd.s32 v23, v40;
	[tilespmem:v45+s20+$0x0] =	vst.idx.msk $0xffff, v49;
	v44 =	vmul.f32 $8.000000000e+00, v51;
	(pc) =	sbr.rel @p4 .LBB2_43-.Ltmp27, $4  }
0x2b3: {  	s9 =	sadd.s32 $0x1, s15;
	s12 =	sadd.s32 $0x2, s15;
	v42 =	vshrl.u32 v42, $0x3;
	v41 =	vadd.s32 v17, v41;
	[tilespmem:v52+s20+$0x0] =	vst.idx.msk $0xffff, v50;
	v49 =	vmul.f32 $8.000000000e+00, v53  }
0x2b4: {  	v46 =	vmov s12;
	s12 =	sadd.s32 $0x4, s15;
	v45 =	vmov s9;
	s9 =	sadd.s32 $0x3, s15;
	[tilespmem:v43+s20+$0x0] =	vst.idx.msk $0xffff, v44;
	v51 =	vmul.f32 $8.000000000e+00, v47  }
0x2b5: {  	v48 =	vmov s9;
	s9 =	sadd.s32 $0x5, s15;
	v47 =	vmov s12;
	s12 =	sadd.s32 $0x6, s15;
	[tilespmem:v54+s20+$0x0] =	vst.idx.msk $0xffff, v49;
	v43 =	vmul.f32 $8.000000000e+00, v55  }
0x2b6: {  	v50 =	vmov s9;
	s9 =	sadd.s32 $0x7, s15;
	s15 =	sadd.s32 $0x8, s15;
	v49 =	vmov s12;
	v44 =	vmul.f32 $8.000000000e+00, v56;
	[tilespmem:v57+s20+$0x0] =	vst.idx.msk $0xffff, v51  }
.LBB2_44:
0x2b7: {  	v42 =	vshll.u32 v42, v1  }
0x2b8: {  	v45 =	vshrl.u32 v45, $0x3;
	v51 =	vmov s9;
	v46 =	vshrl.u32 v46, $0x3  }
0x2b9: {  	v48 =	vshrl.u32 v48, $0x3;
	s6 =	sadd.s32 @p3 $0x200, s6;
	v47 =	vshrl.u32 v47, $0x3;
	v50 =	vshrl.u32 v50, $0x3  }
0x2ba: {  	v49 =	vshrl.u32 v49, $0x3;
	v51 =	vshrl.u32 v51, $0x3;
	s11 =	smov.u32 @p3 s6;
	v45 =	vshll.u32 v45, v1  }
0x2bb: {  	v46 =	vshll.u32 v46, v1;
	v48 =	vshll.u32 v48, v1;
	v53 =	vld [tilespmem:s11+$0xFFFFFF40];
	v45 =	vbroadcast v45, $0x0  }
0x2bc: {  	v50 =	vshll.u32 v50, v1;
	v49 =	vshll.u32 v49, v1;
	v54 =	vld [tilespmem:s11+$0xFFFFFF80];
	v46 =	vbroadcast v46, $0x0  }
0x2bd: {  	v51 =	vshll.u32 v51, v1;
	v55 =	vld [tilespmem:s11+$0xFFFFFFC0];
	v48 =	vbroadcast v48, $0x0;
	v45 =	vadd.s32 v18, v45  }
0x2be: {  	v59 =	vbroadcast v50, $0x0;
	v62 =	vld [tilespmem:s11+$0x80];
	v49 =	vbroadcast v49, $0x0;
	v46 =	vadd.s32 v19, v46  }
0x2bf: {  	[tilespmem:v40+s20+$0x0] =	vst.idx.msk @p3 $0xffff, v43;
	v42 =	vbroadcast v42, $0x0;
	v63 =	vld [tilespmem:s11+$0xFFFFFF00];
	v51 =	vbroadcast v51, $0x0;
	v40 =	vadd.s32 v20, v48  }
0x2c0: {  	v52 =	vld [tilespmem:s11+$0xC0];
	v48 =	vadd.s32 v22, v59;
	v59 =	vadd.s32 v23, v49;
	v61 =	vmul.f32 $8.000000000e+00, v53  }
0x2c1: {  	v47 =	vshll.u32 v47, v1;
	[tilespmem:v41+s20+$0x0] =	vst.idx.msk @p3 $0xffff, v44;
	v43 =	vld [tilespmem:s11+$0x40];
	v42 =	vadd.s32 v17, v42;
	v57 =	vmul.f32 $8.000000000e+00, v54  }
0x2c2: {  	v56 =	vld [tilespmem:s11+$0x0];
	v47 =	vbroadcast v47, $0x0;
	v51 =	vadd.s32 v24, v51;
	v58 =	vmul.f32 $8.000000000e+00, v55;
	[tilespmem:v45+s20+$0x0] =	vst.idx.msk $0xffff, v61  }
0x2c3: {  	v62 =	vmul.f32 $8.000000000e+00, v62;
	[tilespmem:v46+s20+$0x0] =	vst.idx.msk $0xffff, v57  }
0x2c4: {  	v44 =	vadd.s32 v21, v47;
	v63 =	vmul.f32 $8.000000000e+00, v63;
	[tilespmem:v40+s20+$0x0] =	vst.idx.msk $0xffff, v58  }
.Ltmp28:
0x2c5: {  	v60 =	vmul.f32 $8.000000000e+00, v52;
	[tilespmem:v59+s20+$0x0] =	vst.idx.msk $0xffff, v62;
	(pc) =	sbr.rel @!p2 .LBB2_45-.Ltmp28, $4  }
0x2c6: {  	v61 =	vmul.f32 $8.000000000e+00, v43;
	[tilespmem:v42+s20+$0x0] =	vst.idx.msk $0xffff, v63  }
0x2c7: {  	[tilespmem:v51+s20+$0x0] =	vst.idx.msk $0xffff, v60;
	v60 =	vmul.f32 $8.000000000e+00, v56  }
0x2c8: {  	[tilespmem:v48+s20+$0x0] =	vst.idx.msk $0xffff, v61  }
0x2c9: {  	s11 =	simm.s32 $0xA530;
	[tilespmem:v44+s20+$0x0] =	vst.idx.msk $0xffff, v60  }
0x2ca: {  	v33 =	vshll.u32 v33, v1;
	v35 =	vshrl.u32 v35, $0x3;
	v40 =	vmov s10  }
0x2cb: {  	v34 =	vshrl.u32 v34, $0x3;
	v38 =	vshrl.u32 v38, $0x3;
	v36 =	vshrl.u32 v36, $0x3  }
0x2cc: {  	v39 =	vshrl.u32 v39, $0x3;
	v40 =	vshrl.u32 v40, $0x3;
	v35 =	vshll.u32 v35, v1  }
0x2cd: {  	v37 =	vshrl.u32 v37, $0x3;
	v42 =	vld [tilespmem:s11+$0xFFFFFF40];
	v40 =	vshll.u32 v40, v1;
	v35 =	vbroadcast v35, $0x0  }
0x2ce: {  	v41 =	vld [tilespmem:s11+$0xC0];
	v34 =	vshll.u32 v34, v1;
	v38 =	vshll.u32 v38, v1;
	v40 =	vbroadcast v40, $0x0  }
0x2cf: {  	v43 =	vld [tilespmem:s11+$0xFFFFFF80];
	v36 =	vshll.u32 v36, v1;
	v34 =	vbroadcast v34, $0x0;
	v35 =	vadd.s32 v26, v35  }
0x2d0: {  	v44 =	vld [tilespmem:s11+$0xFFFFFFC0];
	v39 =	vshll.u32 v39, v1;
	v38 =	vbroadcast v38, $0x0;
	v40 =	vadd.s32 v32, v40  }
0x2d1: {  	v45 =	vld [tilespmem:s11+$0x0];
	v37 =	vshll.u32 v37, v1;
	v36 =	vbroadcast v36, $0x0;
	v34 =	vadd.s32 v27, v34  }
0x2d2: {  	v46 =	vld [tilespmem:s11+$0x40];
	v39 =	vbroadcast v39, $0x0;
	v38 =	vadd.s32 v28, v38;
	v42 =	vmul.f32 $8.000000000e+00, v42  }
0x2d3: {  	v48 =	vld [tilespmem:s11+$0x80];
	v58 =	vbroadcast v37, $0x0;
	v47 =	vadd.s32 v29, v36;
	v41 =	vmul.f32 $8.000000000e+00, v41  }
0x2d4: {  	v49 =	vld [tilespmem:s11+$0xFFFFFF00];
	p2 =	por $0x1, $0x1;
	v59 =	vbroadcast v33, $0x0;
	v50 =	vadd.s32 v30, v39;
	v43 =	vmul.f32 $8.000000000e+00, v43;
	[tilespmem:v35+s20+$0x0] =	vst.idx.msk $0xffff, v42  }
.Ltmp29:
0x2d5: {  	v60 =	vmov s1;
	v61 =	vmul.f32 $8.000000000e+00, v44;
	[tilespmem:v40+s20+$0x0] =	vst.idx.msk $0xffff, v41;
	v40 =	vadd.s32 v31, v58;
	(pc) =	sbr.rel @!p2 .LBB2_47-.Ltmp29, $4  }
0x2d6: {  	s16 =	simm.s32 $0xC;
	s28 =	simm.s32 $0xE;
	v33 =	vshrl.u32 v60, $0x3;
	v62 =	vmul.f32 $8.000000000e+00, v45;
	[tilespmem:v34+s20+$0x0] =	vst.idx.msk $0xffff, v43;
	v41 =	vadd.s32 v25, v59  }
0x2d7: {  	s12 =	simm.s32 $0x9;
	s17 =	simm.s32 $0xD;
	v37 =	vmov s28;
	v36 =	vmov s16;
	v63 =	vmul.f32 $8.000000000e+00, v46;
	[tilespmem:v38+s20+$0x0] =	vst.idx.msk $0xffff, v61  }
0x2d8: {  	s6 =	simm.s32 $0xA;
	s15 =	simm.s32 $0xB;
	s10 =	simm.s32 $0xF;
	v39 =	vmov s17;
	v35 =	vmov s12;
	[tilespmem:v47+s20+$0x0] =	vst.idx.msk $0xffff, v62;
	v42 =	vmul.f32 $8.000000000e+00, v48  }
0x2d9: {  	p1 =	por $0x1, $0x1;
	s1 =	simm.s32 $0xA530;
	v34 =	vmov s6;
	v38 =	vmov s15;
	s6 =	simm.s32 $0x10;
	v43 =	vmul.f32 $8.000000000e+00, v49;
	[tilespmem:v50+s20+$0x0] =	vst.idx.msk $0xffff, v63  }
.LBB2_48:
0x2da: {  	p2 =	slt.u32 s6, $0x78;
	v33 =	vshll.u32 v33, v1;
	v35 =	vshrl.u32 v35, $0x3;
	v44 =	vmov s10;
	[tilespmem:v40+s20+$0x0] =	vst.idx.msk $0xffff, v42  }
0x2db: {  	v34 =	vshrl.u32 v34, $0x3;
	v38 =	vshrl.u32 v38, $0x3;
	v40 =	vshrl.u32 v44, $0x3;
	[tilespmem:v41+s20+$0x0] =	vst.idx.msk $0xffff, v43  }
0x2dc: {  	v36 =	vshrl.u32 v36, $0x3;
	v39 =	vshrl.u32 v39, $0x3;
	s1 =	sadd.s32 $0x200, s1;
	v40 =	vshll.u32 v40, v1  }
0x2dd: {  	v37 =	vshrl.u32 v37, $0x3;
	v35 =	vshll.u32 v35, v1;
	v41 =	vld [tilespmem:s1+$0xC0];
	v40 =	vbroadcast v40, $0x0  }
0x2de: {  	v34 =	vshll.u32 v34, v1;
	v38 =	vshll.u32 v38, v1;
	v35 =	vbroadcast v35, $0x0;
	v42 =	vld [tilespmem:s1+$0xFFFFFF40]  }
0x2df: {  	v36 =	vshll.u32 v36, v1;
	v34 =	vbroadcast v34, $0x0;
	v43 =	vld [tilespmem:s1+$0xFFFFFF80];
	v40 =	vadd.s32 v32, v40  }
0x2e0: {  	v39 =	vshll.u32 v39, v1;
	v38 =	vbroadcast v38, $0x0;
	v35 =	vadd.s32 v26, v35;
	v44 =	vld [tilespmem:s1+$0xFFFFFFC0]  }
0x2e1: {  	v37 =	vshll.u32 v37, v1;
	v36 =	vbroadcast v36, $0x0;
	v34 =	vadd.s32 v27, v34;
	v45 =	vld [tilespmem:s1+$0x0]  }
0x2e2: {  	v39 =	vbroadcast v39, $0x0;
	v38 =	vadd.s32 v28, v38;
	v46 =	vld [tilespmem:s1+$0x40];
	v41 =	vmul.f32 $8.000000000e+00, v41  }
0x2e3: {  	v47 =	vadd.s32 v29, v36;
	v36 =	vbroadcast v37, $0x0;
	v42 =	vmul.f32 $8.000000000e+00, v42;
	v48 =	vld [tilespmem:s1+$0x80]  }
0x2e4: {  	v37 =	vbroadcast v33, $0x0;
	v50 =	vadd.s32 v30, v39;
	v49 =	vld [tilespmem:s1+$0xFFFFFF00];
	v43 =	vmul.f32 $8.000000000e+00, v43;
	[tilespmem:v40+s20+$0x0] =	vst.idx.msk $0xffff, v41  }
.Ltmp30:
0x2e5: {  	v33 =	vmov s6;
	v40 =	vadd.s32 v31, v36;
	[tilespmem:v35+s20+$0x0] =	vst.idx.msk $0xffff, v42;
	v39 =	vmul.f32 $8.000000000e+00, v44;
	(pc) =	sbr.rel @p2 .LBB2_48-.Ltmp30, $4  }
0x2e6: {  	s9 =	sadd.s32 $0x1, s6;
	s10 =	sadd.s32 $0x2, s6;
	v33 =	vshrl.u32 v33, $0x3;
	v41 =	vadd.s32 v25, v37;
	[tilespmem:v34+s20+$0x0] =	vst.idx.msk $0xffff, v43;
	v37 =	vmul.f32 $8.000000000e+00, v45  }
0x2e7: {  	v35 =	vmov s9;
	s9 =	sadd.s32 $0x3, s6;
	v34 =	vmov s10;
	s10 =	sadd.s32 $0x4, s6;
	[tilespmem:v38+s20+$0x0] =	vst.idx.msk $0xffff, v39;
	v44 =	vmul.f32 $8.000000000e+00, v46  }
0x2e8: {  	v38 =	vmov s9;
	v36 =	vmov s10;
	s9 =	sadd.s32 $0x5, s6;
	s10 =	sadd.s32 $0x6, s6;
	[tilespmem:v47+s20+$0x0] =	vst.idx.msk $0xffff, v37;
	v42 =	vmul.f32 $8.000000000e+00, v48  }
0x2e9: {  	v39 =	vmov s9;
	v37 =	vmov s10;
	s10 =	sadd.s32 $0x7, s6;
	s6 =	sadd.s32 $0x8, s6;
	v43 =	vmul.f32 $8.000000000e+00, v49;
	[tilespmem:v50+s20+$0x0] =	vst.idx.msk $0xffff, v44  }
.LBB2_49:
0x2ea: {  	v33 =	vshll.u32 v33, v1;
	v35 =	vshrl.u32 v35, $0x3;
	v44 =	vmov s10  }
0x2eb: {  	v34 =	vshrl.u32 v34, $0x3;
	v38 =	vshrl.u32 v38, $0x3;
	s1 =	sadd.s32 @p1 $0x200, s1;
	v36 =	vshrl.u32 v36, $0x3  }
0x2ec: {  	v39 =	vshrl.u32 v39, $0x3;
	v37 =	vshrl.u32 v37, $0x3;
	s11 =	smov.u32 @p1 s1;
	v35 =	vshll.u32 v35, v1  }
0x2ed: {  	v44 =	vshrl.u32 v44, $0x3;
	v34 =	vshll.u32 v34, v1;
	v46 =	vld [tilespmem:s11+$0xFFFFFF40];
	v35 =	vbroadcast v35, $0x0  }
0x2ee: {  	v38 =	vshll.u32 v38, v1;
	v36 =	vshll.u32 v36, v1;
	v47 =	vld [tilespmem:s11+$0xFFFFFF80];
	v34 =	vbroadcast v34, $0x0  }
0x2ef: {  	v39 =	vshll.u32 v39, v1;
	v48 =	vld [tilespmem:s11+$0xFFFFFFC0];
	v38 =	vbroadcast v38, $0x0;
	v35 =	vadd.s32 v26, v35  }
0x2f0: {  	v37 =	vshll.u32 v37, v1;
	v49 =	vld [tilespmem:s11+$0x0];
	v36 =	vbroadcast v36, $0x0;
	v34 =	vadd.s32 v27, v34  }
0x2f1: {  	v33 =	vbroadcast v33, $0x0;
	v53 =	vld [tilespmem:s11+$0x40];
	v39 =	vbroadcast v39, $0x0;
	v38 =	vadd.s32 v28, v38  }
0x2f2: {  	[tilespmem:v40+s20+$0x0] =	vst.idx.msk @p1 $0xffff, v42;
	v56 =	vld [tilespmem:s11+$0x80];
	v37 =	vbroadcast v37, $0x0;
	v36 =	vadd.s32 v29, v36;
	v55 =	vmul.f32 $8.000000000e+00, v46  }
0x2f3: {  	[tilespmem:v41+s20+$0x0] =	vst.idx.msk @p1 $0xffff, v43;
	v44 =	vshll.u32 v44, v1;
	v57 =	vld [tilespmem:s11+$0xFFFFFF00];
	v39 =	vadd.s32 v30, v39;
	v58 =	vmul.f32 $8.000000000e+00, v47  }
0x2f4: {  	v45 =	vld [tilespmem:s11+$0xC0];
	v44 =	vbroadcast v44, $0x0;
	v37 =	vadd.s32 v31, v37;
	v59 =	vmul.f32 $8.000000000e+00, v48;
	[tilespmem:v35+s20+$0x0] =	vst.idx.msk $0xffff, v55  }
0x2f5: {  	v33 =	vadd.s32 v25, v33;
	v60 =	vmul.f32 $8.000000000e+00, v49;
	[tilespmem:v34+s20+$0x0] =	vst.idx.msk $0xffff, v58  }
0x2f6: {  	v44 =	vadd.s32 v32, v44;
	v61 =	vmul.f32 $8.000000000e+00, v53;
	[tilespmem:v38+s20+$0x0] =	vst.idx.msk $0xffff, v59  }
0x2f7: {  	v62 =	vmul.f32 $8.000000000e+00, v56;
	[tilespmem:v36+s20+$0x0] =	vst.idx.msk $0xffff, v60  }
0x2f8: {  	v63 =	vmul.f32 $8.000000000e+00, v57;
	[tilespmem:v39+s20+$0x0] =	vst.idx.msk $0xffff, v61  }
0x2f9: {  	v54 =	vmul.f32 $8.000000000e+00, v45;
	[tilespmem:v37+s20+$0x0] =	vst.idx.msk $0xffff, v62  }
0x2fa: {  	[tilespmem:v33+s20+$0x0] =	vst.idx.msk $0xffff, v63  }
0x2fb: {  	s6 =	sadd.s32 s31, s8;
	s16 =	simm.s32 $0xE400;
	[tilespmem:v44+s20+$0x0] =	vst.idx.msk $0xffff, v54  }
0x2fc: {  	[hbm4b:s6+s3] =	stream.linear.scatter [tilespmem:s16], [sflag:$0x5], $0x80, $0x38;
	[tilespmem:$0x12800] =	vst v63  }
0x2fd: {  	s17 =	simm.s32 $0xE488;
	s9 =	sadd.s32 $0x10, s6  }
0x2fe: {  	[hbm4b:s9+s3] =	stream.linear.scatter [tilespmem:s17], [sflag:$0x5], $0x80, $0x38;
	[tilespmem:$0x12800] =	vst v63  }
0x2ff: {  	s28 =	simm.s32 $0xE510;
	s10 =	simm.s32 $0xE598;
	s31 =	sadd.s32 $0x20, s6  }
0x300: {  	[hbm4b:s31+s3] =	stream.linear.scatter [tilespmem:s28], [sflag:$0x5], $0x80, $0x38;
	[tilespmem:$0x12800] =	vst v63  }
0x301: {  	s12 =	simm.s32 $0xE620;
	s15 =	sadd.s32 $0x40, s6;
	s11 =	sadd.s32 $0x30, s6  }
0x302: {  	[hbm4b:s11+s3] =	stream.linear.scatter [tilespmem:s10], [sflag:$0x5], $0x80, $0x38;
	[tilespmem:$0x12800] =	vst v63  }
0x303: {  	s1 =	simm.s32 $0x440;
	s16 =	simm.s32 $0xE6A8;
	s17 =	sadd.s32 $0x50, s6  }
0x304: {  	[hbm4b:s15+s3] =	stream.linear.scatter [tilespmem:s12], [sflag:$0x5], $0x80, $0x38;
	[tilespmem:$0x12800] =	vst v63  }
0x305: {  	s9 =	simm.s32 $0x2200;
	s28 =	simm.s32 $0xE730;
	s31 =	sadd.s32 $0x60, s6  }
0x306: {  	[hbm4b:s17+s3] =	stream.linear.scatter [tilespmem:s16], [sflag:$0x5], $0x80, $0x38;
	[tilespmem:$0x12800] =	vst v63  }
0x307: {  	s10 =	simm.s32 $0xE7B8;
	s11 =	sadd.s32 $0x70, s6;
	s6 =	sadd.s32 $0x1000, s6  }
0x308: {  	[hbm4b:s31+s3] =	stream.linear.scatter [tilespmem:s28], [sflag:$0x5], $0x80, $0x38;
	[tilespmem:$0x12800] =	vst v63  }
.LBB2_50:
0x309: {  	[hbm4b:s11+s3] =	stream.linear.scatter [tilespmem:s10], [sflag:$0x5], $0x80, $0x38;
	[tilespmem:$0x12800] =	vst v63  }
0x30a: {  	s10 =	smov.u32 s1;
	s1 =	smov.u32 s9  }
0x30b: {  	s12 =	sadd.s32 $0x1100, s9;
	s1 =	sshra.s32 s1, $0x2;
	s11 =	sadd.s32 $0xE400, s10  }
0x30c: {  	[hbm4b:s6+s3] =	stream.linear.scatter [tilespmem:s11], [sflag:$0x5], $0x80, $0x38;
	[tilespmem:$0x12800] =	vst v63  }
0x30d: {  	p1 =	sne.s32 s9, $0x7700;
	s9 =	sadd.s32 $0xE488, s10;
	s11 =	sadd.s32 $0x10, s6  }
0x30e: {  	[hbm4b:s11+s3] =	stream.linear.scatter [tilespmem:s9], [sflag:$0x5], $0x80, $0x38;
	[tilespmem:$0x12800] =	vst v63  }
0x30f: {  	s9 =	sadd.s32 $0xE510, s10;
	s11 =	sadd.s32 $0x20, s6  }
0x310: {  	[hbm4b:s11+s3] =	stream.linear.scatter [tilespmem:s9], [sflag:$0x5], $0x80, $0x38;
	[tilespmem:$0x12800] =	vst v63  }
0x311: {  	s9 =	sadd.s32 $0xE598, s10;
	s11 =	sadd.s32 $0x30, s6  }
0x312: {  	[hbm4b:s11+s3] =	stream.linear.scatter [tilespmem:s9], [sflag:$0x5], $0x80, $0x38;
	[tilespmem:$0x12800] =	vst v63  }
0x313: {  	s9 =	sadd.s32 $0xE620, s10;
	s11 =	sadd.s32 $0x40, s6  }
0x314: {  	[hbm4b:s11+s3] =	stream.linear.scatter [tilespmem:s9], [sflag:$0x5], $0x80, $0x38;
	[tilespmem:$0x12800] =	vst v63  }
.Ltmp31:
0x315: {  	s9 =	sadd.s32 $0xE6A8, s10;
	s11 =	sadd.s32 $0x50, s6;
	(pc) =	sbr.rel @p1 .LBB2_50-.Ltmp31, $4  }
0x316: {  	[hbm4b:s11+s3] =	stream.linear.scatter [tilespmem:s9], [sflag:$0x5], $0x80, $0x38;
	[tilespmem:$0x12800] =	vst v63  }
0x317: {  	s9 =	sadd.s32 $0xE730, s10;
	s11 =	sadd.s32 $0x60, s6;
	s10 =	sadd.s32 $0xE7B8, s10  }
0x318: {  	[hbm4b:s11+s3] =	stream.linear.scatter [tilespmem:s9], [sflag:$0x5], $0x80, $0x38;
	[tilespmem:$0x12800] =	vst v63  }
0x319: {  	s11 =	sadd.s32 $0x70, s6;
	s6 =	sadd.s32 $0x1000, s6;
	s9 =	smov.u32 s12  }
0x31a: {  	[hbm4b:s11+s3] =	stream.linear.scatter [tilespmem:s10], [sflag:$0x5], $0x80, $0x38;
	[tilespmem:$0x12800] =	vst v63  }
0x31b: {  	s9 =	sadd.s32 $0xE400, s1  }
0x31c: {  	[hbm4b:s6+s3] =	stream.linear.scatter [tilespmem:s9], [sflag:$0x5], $0x80, $0x38;
	[tilespmem:$0x12800] =	vst v63  }
0x31d: {  	s12 =	sadd.s32 $0xE488, s1;
	s15 =	sadd.s32 $0x10, s6  }
0x31e: {  	[hbm4b:s15+s3] =	stream.linear.scatter [tilespmem:s12], [sflag:$0x5], $0x80, $0x38;
	[tilespmem:$0x12800] =	vst v63  }
0x31f: {  	s16 =	sadd.s32 $0xE510, s1;
	s17 =	sadd.s32 $0x20, s6  }
0x320: {  	[hbm4b:s17+s3] =	stream.linear.scatter [tilespmem:s16], [sflag:$0x5], $0x80, $0x38;
	[tilespmem:$0x12800] =	vst v63  }
0x321: {  	s28 =	sadd.s32 $0xE598, s1;
	s31 =	sadd.s32 $0x30, s6  }
0x322: {  	[hbm4b:s31+s3] =	stream.linear.scatter [tilespmem:s28], [sflag:$0x5], $0x80, $0x38;
	[tilespmem:$0x12800] =	vst v63  }
0x323: {  	s10 =	sadd.s32 $0xE620, s1;
	s11 =	sadd.s32 $0x40, s6  }
0x324: {  	[hbm4b:s11+s3] =	stream.linear.scatter [tilespmem:s10], [sflag:$0x5], $0x80, $0x38;
	[tilespmem:$0x12800] =	vst v63  }
0x325: {  	s12 =	sadd.s32 $0xE6A8, s1;
	s15 =	sadd.s32 $0x50, s6  }
0x326: {  	[hbm4b:s15+s3] =	stream.linear.scatter [tilespmem:s12], [sflag:$0x5], $0x80, $0x38;
	[tilespmem:$0x12800] =	vst v63  }
0x327: {  	s0 =	sadd.s32 @!p0 $0x300, s0;
	s16 =	sadd.s32 $0xE730, s1;
	s17 =	sadd.s32 $0x60, s6  }
0x328: {  	[hbm4b:s17+s3] =	stream.linear.scatter [tilespmem:s16], [sflag:$0x5], $0x80, $0x38;
	[tilespmem:$0x12800] =	vst v63  }
0x329: {  	s0 =	sand.u32 @!p0 $0xFF00, s0;
	s28 =	sadd.s32 $0xE7B8, s1;
	s31 =	sadd.s32 $0x70, s6  }
0x32a: {  	[hbm4b:s31+s3] =	stream.linear.scatter [tilespmem:s28], [sflag:$0x5], $0x80, $0x38;
	[tilespmem:$0x12800] =	vst v63  }
0x32b: {  	s9 =	simm.s32 $0x0;
	s1 =	simm.s32 @!p0 $0x80;
	s6 =	simm.s32 @!p0 $0xA400  }
0x32c: {  	[tilespmem:s6], [sflag:$0x3] =	stream.indirect.gather @!p0 [hbm4b:s5+s1], $0x40, s0, s1, $0xb8;
	[tilespmem:$0x12800] =	vst v63  }
0x32d: {  	v33 =	vmov s9;
	_ =	swait.ge [sflag:s26], $0x2000  }
0x32e: {  	v33 =	vshrl.u32 v33, $0x3;
	s10 =	simm.s32 $0x1;
	s11 =	simm.s32 $0x2;
	[sflag:s26] =	ssyncset.done $0x0  }
0x32f: {  	v40 =	vshll.u32 v33, v1;
	v34 =	vmov s10;
	v35 =	vmov s11;
	s12 =	simm.s32 $0x3;
	[sflag:s26] =	ssyncadd.s32 $0xFFFFE000  }
0x330: {  	s15 =	simm.s32 $0x4;
	v59 =	vshrl.u32 v34, $0x3;
	v35 =	vshrl.u32 v35, $0x3;
	v36 =	vmov s12;
	s28 =	simm.s32 $0x7;
	_ =	swait.ge [sflag:s22], $0x2000  }
0x331: {  	v37 =	vmov s15;
	v41 =	vshll.u32 v59, v1;
	v60 =	vmov s28;
	[sflag:s22] =	ssyncset.done $0x0  }
0x332: {  	v35 =	vshll.u32 v35, v1;
	v36 =	vshrl.u32 v36, $0x3;
	v34 =	vshrl.u32 v60, $0x3;
	s6 =	simm.s32 $0xC500;
	[sflag:s22] =	ssyncadd.s32 $0xFFFFE000  }
0x333: {  	s16 =	simm.s32 $0x5;
	s17 =	simm.s32 $0x6;
	v37 =	vshrl.u32 v37, $0x3;
	v35 =	vbroadcast v35, $0x0;
	v34 =	vshll.u32 v34, v1;
	v42 =	vld [tilespmem:s6+$0xC0]  }
0x334: {  	v38 =	vmov s16;
	v39 =	vmov s17;
	v33 =	vbroadcast v34, $0x0;
	v43 =	vld [tilespmem:s6+$0xFFFFFF40]  }
0x335: {  	v36 =	vshll.u32 v36, v1;
	v37 =	vshll.u32 v37, v1;
	v34 =	vbroadcast v41, $0x0;
	v61 =	vld [tilespmem:s6+$0xFFFFFF80]  }
0x336: {  	v38 =	vshrl.u32 v38, $0x3;
	v39 =	vshrl.u32 v39, $0x3;
	v44 =	vadd.s32 v8, v33;
	v46 =	vld [tilespmem:s6+$0xFFFFFFC0]  }
0x337: {  	v36 =	vbroadcast v36, $0x0;
	v47 =	vadd.s32 v3, v35;
	v45 =	vadd.s32 v2, v34;
	v48 =	vld [tilespmem:s6+$0x0]  }
0x338: {  	v37 =	vbroadcast v37, $0x0;
	v38 =	vshll.u32 v38, v1;
	v39 =	vshll.u32 v39, v1;
	v50 =	vld [tilespmem:s6+$0x40]  }
0x339: {  	v49 =	vadd.s32 v4, v36;
	v38 =	vbroadcast v38, $0x0;
	v54 =	vld [tilespmem:s6+$0xFFFFFF00];
	v42 =	vmul.f32 $8.000000000e+00, v42  }
0x33a: {  	v52 =	vadd.s32 v5, v37;
	v39 =	vbroadcast v39, $0x0;
	v53 =	vld [tilespmem:s6+$0x80];
	v43 =	vmul.f32 $8.000000000e+00, v43  }
0x33b: {  	v40 =	vbroadcast v40, $0x0;
	s31 =	simm.s32 $0x8;
	v55 =	vadd.s32 v6, v38;
	v51 =	vmul.f32 $8.000000000e+00, v61;
	[tilespmem:v44+s23+$0x0] =	vst.idx.msk $0xffff, v42  }
0x33c: {  	s0 =	simm.s32 $0x9;
	v41 =	vmov s31;
	v62 =	vmul.f32 $8.000000000e+00, v46;
	[tilespmem:v45+s23+$0x0] =	vst.idx.msk $0xffff, v43;
	v43 =	vadd.s32 v7, v39  }
0x33d: {  	s16 =	simm.s32 $0xE;
	v63 =	vmul.f32 $8.000000000e+00, v48;
	v48 =	vmov s0;
	v42 =	vadd.s32 v0, v40;
	[tilespmem:v47+s23+$0x0] =	vst.idx.msk $0xffff, v51  }
0x33e: {  	s1 =	simm.s32 $0xA;
	v56 =	vmul.f32 $8.000000000e+00, v50;
	v50 =	vmov s16;
	v46 =	vmul.f32 $8.000000000e+00, v54;
	[tilespmem:v49+s23+$0x0] =	vst.idx.msk $0xffff, v62  }
0x33f: {  	s10 =	simm.s32 $0xB;
	s11 =	simm.s32 $0xC;
	s15 =	simm.s32 $0xD;
	v44 =	vshrl.u32 v41, $0x3;
	v47 =	vmov s1;
	[tilespmem:v52+s23+$0x0] =	vst.idx.msk $0xffff, v63;
	v45 =	vmul.f32 $8.000000000e+00, v53  }
0x340: {  	s9 =	simm.s32 $0x10;
	s12 =	simm.s32 $0xF;
	v51 =	vmov s10;
	v49 =	vmov s11;
	v52 =	vmov s15;
	[tilespmem:v55+s23+$0x0] =	vst.idx.msk $0xffff, v56  }
.LBB2_52:
0x341: {  	p0 =	slt.u32 s9, $0x78;
	v44 =	vshll.u32 v44, v1;
	v48 =	vshrl.u32 v48, $0x3;
	v53 =	vmov s12;
	[tilespmem:v43+s23+$0x0] =	vst.idx.msk $0xffff, v45  }
0x342: {  	v43 =	vshrl.u32 v47, $0x3;
	v45 =	vshrl.u32 v51, $0x3;
	v47 =	vshrl.u32 v53, $0x3;
	[tilespmem:v42+s23+$0x0] =	vst.idx.msk $0xffff, v46  }
0x343: {  	s6 =	sadd.s32 $0x200, s6;
	v42 =	vshrl.u32 v49, $0x3;
	v46 =	vshrl.u32 v52, $0x3;
	v47 =	vshll.u32 v47, v1  }
0x344: {  	v48 =	vshll.u32 v48, v1;
	v49 =	vshrl.u32 v50, $0x3;
	v50 =	vld [tilespmem:s6+$0xC0];
	v47 =	vbroadcast v47, $0x0  }
0x345: {  	v43 =	vshll.u32 v43, v1;
	v45 =	vshll.u32 v45, v1;
	v48 =	vbroadcast v48, $0x0;
	v51 =	vld [tilespmem:s6+$0xFFFFFF40]  }
0x346: {  	v43 =	vbroadcast v43, $0x0;
	v42 =	vshll.u32 v42, v1;
	v52 =	vld [tilespmem:s6+$0xFFFFFF80];
	v47 =	vadd.s32 v8, v47  }
0x347: {  	v45 =	vbroadcast v45, $0x0;
	v46 =	vshll.u32 v46, v1;
	v48 =	vadd.s32 v2, v48;
	v53 =	vld [tilespmem:s6+$0xFFFFFFC0]  }
0x348: {  	v42 =	vbroadcast v42, $0x0;
	v54 =	vadd.s32 v3, v43;
	v43 =	vshll.u32 v49, v1;
	v55 =	vld [tilespmem:s6+$0x0]  }
0x349: {  	v46 =	vbroadcast v46, $0x0;
	v45 =	vadd.s32 v4, v45;
	v49 =	vld [tilespmem:s6+$0x40];
	v50 =	vmul.f32 $8.000000000e+00, v50  }
0x34a: {  	v56 =	vadd.s32 v5, v42;
	v42 =	vbroadcast v43, $0x0;
	v51 =	vmul.f32 $8.000000000e+00, v51;
	v57 =	vld [tilespmem:s6+$0x80]  }
0x34b: {  	v59 =	vbroadcast v44, $0x0;
	v60 =	vadd.s32 v6, v46;
	v58 =	vld [tilespmem:s6+$0xFFFFFF00];
	v52 =	vmul.f32 $8.000000000e+00, v52;
	[tilespmem:v47+s23+$0x0] =	vst.idx.msk $0xffff, v50  }
.Ltmp32:
0x34c: {  	v44 =	vmov s9;
	v43 =	vadd.s32 v7, v42;
	[tilespmem:v48+s23+$0x0] =	vst.idx.msk $0xffff, v51;
	v46 =	vmul.f32 $8.000000000e+00, v53;
	(pc) =	sbr.rel @p0 .LBB2_52-.Ltmp32, $4  }
0x34d: {  	s12 =	sadd.s32 $0x1, s9;
	s17 =	sadd.s32 $0x2, s9;
	v44 =	vshrl.u32 v44, $0x3;
	v42 =	vadd.s32 v0, v59;
	[tilespmem:v54+s23+$0x0] =	vst.idx.msk $0xffff, v52;
	v50 =	vmul.f32 $8.000000000e+00, v55  }
0x34e: {  	v47 =	vmov s17;
	s17 =	sadd.s32 $0x4, s9;
	v48 =	vmov s12;
	s12 =	sadd.s32 $0x3, s9;
	[tilespmem:v45+s23+$0x0] =	vst.idx.msk $0xffff, v46;
	v53 =	vmul.f32 $8.000000000e+00, v49  }
0x34f: {  	v51 =	vmov s12;
	s12 =	sadd.s32 $0x5, s9;
	v49 =	vmov s17;
	s17 =	sadd.s32 $0x6, s9;
	[tilespmem:v56+s23+$0x0] =	vst.idx.msk $0xffff, v50;
	v45 =	vmul.f32 $8.000000000e+00, v57  }
0x350: {  	v52 =	vmov s12;
	s12 =	sadd.s32 $0x7, s9;
	s9 =	sadd.s32 $0x8, s9;
	v50 =	vmov s17;
	v46 =	vmul.f32 $8.000000000e+00, v58;
	[tilespmem:v60+s23+$0x0] =	vst.idx.msk $0xffff, v53  }
0x351: {  	v44 =	vshll.u32 v44, v1;
	v48 =	vshrl.u32 v48, $0x3  }
0x352: {  	v53 =	vmov s12;
	v47 =	vshrl.u32 v47, $0x3;
	v51 =	vshrl.u32 v51, $0x3  }
0x353: {  	v49 =	vshrl.u32 v49, $0x3;
	v52 =	vshrl.u32 v52, $0x3;
	s6 =	sadd.s32 $0x200, s6;
	v50 =	vshrl.u32 v50, $0x3  }
0x354: {  	v53 =	vshrl.u32 v53, $0x3;
	v48 =	vshll.u32 v48, v1;
	v47 =	vshll.u32 v47, v1;
	v56 =	vld [tilespmem:s6+$0xFFFFFF80]  }
0x355: {  	v51 =	vshll.u32 v51, v1;
	v49 =	vshll.u32 v49, v1;
	v60 =	vld [tilespmem:s6+$0xFFFFFF00];
	v44 =	vbroadcast v44, $0x0  }
0x356: {  	v55 =	vld [tilespmem:s6+$0xFFFFFF40];
	v52 =	vshll.u32 v52, v1;
	v53 =	vshll.u32 v53, v1;
	v48 =	vbroadcast v48, $0x0  }
0x357: {  	v47 =	vbroadcast v47, $0x0;
	v51 =	vbroadcast v51, $0x0;
	v44 =	vadd.s32 v0, v44  }
0x358: {  	v54 =	vld [tilespmem:s6+$0xC0];
	v50 =	vshll.u32 v50, v1;
	v53 =	vbroadcast v53, $0x0;
	v48 =	vadd.s32 v2, v48  }
0x359: {  	[tilespmem:v43+s23+$0x0] =	vst.idx.msk $0xffff, v45;
	v58 =	vld [tilespmem:s6+$0x0];
	v49 =	vbroadcast v49, $0x0;
	v47 =	vadd.s32 v3, v47;
	v43 =	vadd.s32 v4, v51  }
0x35a: {  	v57 =	vld [tilespmem:s6+$0xFFFFFFC0];
	v53 =	vadd.s32 v8, v53;
	v61 =	vmul.f32 $8.000000000e+00, v56;
	v56 =	vmul.f32 $8.000000000e+00, v60  }
0x35b: {  	v45 =	vld [tilespmem:s6+$0x40];
	[tilespmem:v42+s23+$0x0] =	vst.idx.msk $0xffff, v46;
	v51 =	vbroadcast v52, $0x0;
	v46 =	vadd.s32 v5, v49;
	v63 =	vmul.f32 $8.000000000e+00, v55  }
0x35c: {  	v59 =	vld [tilespmem:s6+$0x80];
	v50 =	vbroadcast v50, $0x0;
	[tilespmem:v44+s23+$0x0] =	vst.idx.msk $0xffff, v56  }
0x35d: {  	v62 =	vmul.f32 $8.000000000e+00, v54;
	v51 =	vadd.s32 v6, v51;
	[tilespmem:v48+s23+$0x0] =	vst.idx.msk $0xffff, v63  }
0x35e: {  	v52 =	vmul.f32 $8.000000000e+00, v58;
	v63 =	vadd.s32 v7, v50;
	[tilespmem:v47+s23+$0x0] =	vst.idx.msk $0xffff, v61  }
0x35f: {  	[tilespmem:v53+s23+$0x0] =	vst.idx.msk $0xffff, v62;
	v62 =	vmul.f32 $8.000000000e+00, v57  }
0x360: {  	[tilespmem:v46+s23+$0x0] =	vst.idx.msk $0xffff, v52;
	v53 =	vmul.f32 $8.000000000e+00, v45  }
0x361: {  	v55 =	vmul.f32 $8.000000000e+00, v59;
	[tilespmem:v43+s23+$0x0] =	vst.idx.msk $0xffff, v62  }
0x362: {  	[tilespmem:v51+s23+$0x0] =	vst.idx.msk $0xffff, v53  }
0x363: {  	s6 =	simm.s32 $0xC510;
	[tilespmem:v63+s23+$0x0] =	vst.idx.msk $0xffff, v55  }
0x364: {  	v42 =	vld [tilespmem:s6+$0xC0]  }
0x365: {  	v43 =	vld [tilespmem:s6+$0xFFFFFF40]  }
0x366: {  	v33 =	vadd.s32 v16, v33;
	v44 =	vld [tilespmem:s6+$0xFFFFFF80]  }
0x367: {  	v34 =	vadd.s32 v10, v34;
	v45 =	vld [tilespmem:s6+$0xFFFFFFC0]  }
0x368: {  	v35 =	vadd.s32 v11, v35;
	v46 =	vld [tilespmem:s6+$0x0]  }
0x369: {  	v36 =	vadd.s32 v12, v36;
	v47 =	vld [tilespmem:s6+$0x40];
	v42 =	vmul.f32 $8.000000000e+00, v42  }
0x36a: {  	v57 =	vadd.s32 v13, v37;
	v58 =	vld [tilespmem:s6+$0x80];
	v43 =	vmul.f32 $8.000000000e+00, v43  }
0x36b: {  	v60 =	vadd.s32 v14, v38;
	v59 =	vld [tilespmem:s6+$0xFFFFFF00];
	v44 =	vmul.f32 $8.000000000e+00, v44;
	[tilespmem:v33+s23+$0x0] =	vst.idx.msk $0xffff, v42  }
0x36c: {  	v61 =	vmul.f32 $8.000000000e+00, v45;
	[tilespmem:v34+s23+$0x0] =	vst.idx.msk $0xffff, v43;
	v34 =	vadd.s32 v15, v39  }
0x36d: {  	v38 =	vmov s1;
	v62 =	vmul.f32 $8.000000000e+00, v46;
	v33 =	vadd.s32 v9, v40;
	[tilespmem:v35+s23+$0x0] =	vst.idx.msk $0xffff, v44  }
0x36e: {  	v37 =	vshrl.u32 v41, $0x3;
	v41 =	vmov s0;
	v63 =	vmul.f32 $8.000000000e+00, v47;
	[tilespmem:v36+s23+$0x0] =	vst.idx.msk $0xffff, v61  }
0x36f: {  	v42 =	vmov s10;
	v39 =	vmov s11;
	[tilespmem:v57+s23+$0x0] =	vst.idx.msk $0xffff, v62;
	v35 =	vmul.f32 $8.000000000e+00, v58  }
0x370: {  	s1 =	simm.s32 $0xF;
	s0 =	simm.s32 $0x10;
	v43 =	vmov s15;
	v40 =	vmov s16;
	v36 =	vmul.f32 $8.000000000e+00, v59;
	[tilespmem:v60+s23+$0x0] =	vst.idx.msk $0xffff, v63  }
.LBB2_54:
0x371: {  	p0 =	slt.u32 s0, $0x78;
	v37 =	vshll.u32 v37, v1;
	v41 =	vshrl.u32 v41, $0x3;
	v44 =	vmov s1;
	[tilespmem:v34+s23+$0x0] =	vst.idx.msk $0xffff, v35  }
0x372: {  	v34 =	vshrl.u32 v38, $0x3;
	v35 =	vshrl.u32 v42, $0x3;
	v38 =	vshrl.u32 v44, $0x3;
	[tilespmem:v33+s23+$0x0] =	vst.idx.msk $0xffff, v36  }
0x373: {  	s6 =	sadd.s32 $0x200, s6;
	v33 =	vshrl.u32 v39, $0x3;
	v36 =	vshrl.u32 v43, $0x3;
	v38 =	vshll.u32 v38, v1  }
0x374: {  	v40 =	vshrl.u32 v40, $0x3;
	v39 =	vshll.u32 v41, v1;
	v41 =	vld [tilespmem:s6+$0xC0];
	v38 =	vbroadcast v38, $0x0  }
0x375: {  	v34 =	vshll.u32 v34, v1;
	v35 =	vshll.u32 v35, v1;
	v39 =	vbroadcast v39, $0x0;
	v42 =	vld [tilespmem:s6+$0xFFFFFF40]  }
0x376: {  	v34 =	vbroadcast v34, $0x0;
	v33 =	vshll.u32 v33, v1;
	v43 =	vld [tilespmem:s6+$0xFFFFFF80];
	v38 =	vadd.s32 v16, v38  }
0x377: {  	v35 =	vbroadcast v35, $0x0;
	v36 =	vshll.u32 v36, v1;
	v39 =	vadd.s32 v10, v39;
	v44 =	vld [tilespmem:s6+$0xFFFFFFC0]  }
0x378: {  	v33 =	vbroadcast v33, $0x0;
	v45 =	vadd.s32 v11, v34;
	v34 =	vshll.u32 v40, v1;
	v46 =	vld [tilespmem:s6+$0x0]  }
0x379: {  	v36 =	vbroadcast v36, $0x0;
	v35 =	vadd.s32 v12, v35;
	v40 =	vld [tilespmem:s6+$0x40];
	v41 =	vmul.f32 $8.000000000e+00, v41  }
0x37a: {  	v47 =	vadd.s32 v13, v33;
	v33 =	vbroadcast v34, $0x0;
	v42 =	vmul.f32 $8.000000000e+00, v42;
	v48 =	vld [tilespmem:s6+$0x80]  }
0x37b: {  	v50 =	vbroadcast v37, $0x0;
	v51 =	vadd.s32 v14, v36;
	v49 =	vld [tilespmem:s6+$0xFFFFFF00];
	v43 =	vmul.f32 $8.000000000e+00, v43;
	[tilespmem:v38+s23+$0x0] =	vst.idx.msk $0xffff, v41  }
.Ltmp33:
0x37c: {  	v36 =	vmov s0;
	v34 =	vadd.s32 v15, v33;
	[tilespmem:v39+s23+$0x0] =	vst.idx.msk $0xffff, v42;
	v39 =	vmul.f32 $8.000000000e+00, v44;
	(pc) =	sbr.rel @p0 .LBB2_54-.Ltmp33, $4  }
0x37d: {  	s1 =	sadd.s32 $0x1, s0;
	s9 =	sadd.s32 $0x2, s0;
	v37 =	vshrl.u32 v36, $0x3;
	v33 =	vadd.s32 v9, v50;
	[tilespmem:v45+s23+$0x0] =	vst.idx.msk $0xffff, v43;
	v36 =	vmul.f32 $8.000000000e+00, v46  }
0x37e: {  	v41 =	vmov s1;
	v38 =	vmov s9;
	s1 =	sadd.s32 $0x3, s0;
	s9 =	sadd.s32 $0x4, s0;
	[tilespmem:v35+s23+$0x0] =	vst.idx.msk $0xffff, v39;
	v44 =	vmul.f32 $8.000000000e+00, v40  }
0x37f: {  	v42 =	vmov s1;
	s1 =	sadd.s32 $0x5, s0;
	v39 =	vmov s9;
	s9 =	sadd.s32 $0x6, s0;
	[tilespmem:v47+s23+$0x0] =	vst.idx.msk $0xffff, v36;
	v35 =	vmul.f32 $8.000000000e+00, v48  }
0x380: {  	v43 =	vmov s1;
	s1 =	sadd.s32 $0x7, s0;
	s0 =	sadd.s32 $0x8, s0;
	v40 =	vmov s9;
	v36 =	vmul.f32 $8.000000000e+00, v49;
	[tilespmem:v51+s23+$0x0] =	vst.idx.msk $0xffff, v44  }
0x381: {  	v37 =	vshll.u32 v37, v1;
	v41 =	vshrl.u32 v41, $0x3;
	v44 =	vmov s1  }
0x382: {  	v38 =	vshrl.u32 v38, $0x3;
	v42 =	vshrl.u32 v42, $0x3;
	v39 =	vshrl.u32 v39, $0x3  }
0x383: {  	s0 =	sadd.s32 $0x200, s6;
	v43 =	vshrl.u32 v43, $0x3;
	v40 =	vshrl.u32 v40, $0x3;
	v44 =	vshrl.u32 v44, $0x3  }
0x384: {  	v41 =	vshll.u32 v41, v1;
	v38 =	vshll.u32 v38, v1;
	v56 =	vld [tilespmem:s0+$0xFFFFFF00];
	v37 =	vbroadcast v37, $0x0  }
0x385: {  	v46 =	vld [tilespmem:s0+$0xFFFFFF40];
	v42 =	vshll.u32 v42, v1;
	v39 =	vshll.u32 v39, v1;
	v41 =	vbroadcast v41, $0x0  }
0x386: {  	v47 =	vld [tilespmem:s0+$0xFFFFFF80];
	v43 =	vshll.u32 v43, v1;
	v38 =	vbroadcast v38, $0x0;
	v59 =	vadd.s32 v9, v37  }
0x387: {  	v48 =	vld [tilespmem:s0+$0xFFFFFFC0];
	v40 =	vshll.u32 v40, v1;
	v42 =	vbroadcast v42, $0x0;
	v41 =	vadd.s32 v10, v41  }
0x388: {  	v49 =	vld [tilespmem:s0+$0x0];
	v39 =	vbroadcast v39, $0x0;
	v63 =	vbroadcast v43, $0x0;
	v38 =	vadd.s32 v11, v38  }
0x389: {  	[tilespmem:v34+s23+$0x0] =	vst.idx.msk $0xffff, v35;
	v50 =	vld [tilespmem:s0+$0x40];
	v55 =	vbroadcast v40, $0x0;
	v62 =	vadd.s32 v12, v42;
	v40 =	vmul.f32 $8.000000000e+00, v56  }
0x38a: {  	v52 =	vld [tilespmem:s0+$0x80];
	[tilespmem:v33+s23+$0x0] =	vst.idx.msk $0xffff, v36;
	v44 =	vshll.u32 v44, v1;
	v54 =	vadd.s32 v13, v39;
	v53 =	vmul.f32 $8.000000000e+00, v46  }
0x38b: {  	v45 =	vld [tilespmem:s0+$0xC0];
	v44 =	vbroadcast v44, $0x0;
	v35 =	vadd.s32 v14, v63;
	v57 =	vmul.f32 $8.000000000e+00, v47;
	[tilespmem:v59+s23+$0x0] =	vst.idx.msk $0xffff, v40  }
0x38c: {  	v39 =	vadd.s32 v15, v55;
	v58 =	vmul.f32 $8.000000000e+00, v48;
	[tilespmem:v41+s23+$0x0] =	vst.idx.msk $0xffff, v53  }
0x38d: {  	p1 =	por $0x1, $0x1;
	s15 =	simm.s32 $0x2;
	v44 =	vadd.s32 v16, v44;
	v60 =	vmul.f32 $8.000000000e+00, v49;
	[tilespmem:v38+s23+$0x0] =	vst.idx.msk $0xffff, v57  }
.Ltmp34:
0x38e: {  	s17 =	simm.s32 $0x4;
	s31 =	simm.s32 $0x6;
	v34 =	vmov s15;
	v61 =	vmul.f32 $8.000000000e+00, v50;
	[tilespmem:v62+s23+$0x0] =	vst.idx.msk $0xffff, v58;
	(pc) =	sbr.rel @!p1 .LBB2_59-.Ltmp34, $4  }
0x38f: {  	s11 =	simm.s32 $0x0;
	s12 =	simm.s32 $0x1;
	v36 =	vmov s17;
	v37 =	vmov s31;
	v63 =	vmul.f32 $8.000000000e+00, v52;
	[tilespmem:v54+s23+$0x0] =	vst.idx.msk $0xffff, v60  }
0x390: {  	s10 =	simm.s32 $0xC520;
	s16 =	simm.s32 $0x3;
	s28 =	simm.s32 $0x5;
	v51 =	vmul.f32 $8.000000000e+00, v45;
	v62 =	vmov s11;
	[tilespmem:v35+s23+$0x0] =	vst.idx.msk $0xffff, v61;
	v35 =	vmov s12  }
0x391: {  	s1 =	simm.s32 $0x7;
	p0 =	por $0x0, $0x0;
	s9 =	simm.s32 $0x7;
	v46 =	vmovc v34;
	v47 =	vmovc v36;
	v38 =	vmov s16;
	[tilespmem:v39+s23+$0x0] =	vst.idx.msk $0xffff, v63;
	v39 =	vmov s28;
	v33 =	vshrl.u32 v62, $0x3  }
0x392: {  	s6 =	simm.s32 $0xC520;
	p2 =	por $0x0, $0x0;
	s0 =	simm.s32 $0x8;
	v49 =	vmovc v37;
	[tilespmem:v44+s23+$0x0] =	vst.idx.msk $0xffff, v51;
	v45 =	vmovc v35;
	v48 =	vmov v38;
	v50 =	vmov v39;
	v42 =	vmov v33  }
0x393: {  	v40 =	vshll.u32 v33, v1;
	v41 =	vshrl.u32 v35, $0x3;
	v42 =	vmov s1  }
0x394: {  	v43 =	vshrl.u32 v34, $0x3;
	v44 =	vshrl.u32 v38, $0x3;
	v45 =	vshrl.u32 v36, $0x3  }
0x395: {  	v46 =	vshrl.u32 v39, $0x3;
	v47 =	vshrl.u32 v37, $0x3;
	v41 =	vshll.u32 v41, v1  }
0x396: {  	v49 =	vld [tilespmem:s10+$0xFFFFFF40];
	v42 =	vshrl.u32 v42, $0x3;
	v43 =	vshll.u32 v43, v1;
	v41 =	vbroadcast v41, $0x0  }
0x397: {  	v50 =	vld [tilespmem:s10+$0xFFFFFF80];
	v44 =	vshll.u32 v44, v1;
	v45 =	vshll.u32 v45, v1;
	v43 =	vbroadcast v43, $0x0  }
0x398: {  	v51 =	vld [tilespmem:s10+$0xFFFFFFC0];
	v46 =	vshll.u32 v46, v1;
	v44 =	vbroadcast v44, $0x0;
	v41 =	vadd.s32 v18, v41  }
0x399: {  	v52 =	vld [tilespmem:s10+$0x0];
	v42 =	vshll.u32 v42, v1;
	v45 =	vbroadcast v45, $0x0;
	v43 =	vadd.s32 v19, v43  }
0x39a: {  	v48 =	vld [tilespmem:s10+$0xC0];
	v47 =	vshll.u32 v47, v1;
	v42 =	vbroadcast v42, $0x0;
	v44 =	vadd.s32 v20, v44  }
0x39b: {  	v53 =	vld [tilespmem:s10+$0x40];
	v46 =	vbroadcast v46, $0x0;
	v54 =	vadd.s32 v21, v45;
	v49 =	vmul.f32 $8.000000000e+00, v49  }
0x39c: {  	v55 =	vld [tilespmem:s10+$0x80];
	v62 =	vbroadcast v47, $0x0;
	v42 =	vadd.s32 v24, v42;
	v50 =	vmul.f32 $8.000000000e+00, v50  }
0x39d: {  	v56 =	vld [tilespmem:s10+$0xFFFFFF00];
	p3 =	por $0x1, $0x1;
	v63 =	vbroadcast v40, $0x0;
	v57 =	vadd.s32 v22, v46;
	v61 =	vmul.f32 $8.000000000e+00, v51;
	[tilespmem:v41+s23+$0x0] =	vst.idx.msk $0xffff, v49  }
.Ltmp35:
0x39e: {  	v60 =	vmov s0;
	s28 =	simm.s32 $0xC;
	v40 =	vadd.s32 v23, v62;
	v62 =	vmul.f32 $8.000000000e+00, v52;
	[tilespmem:v43+s23+$0x0] =	vst.idx.msk $0xffff, v50;
	(pc) =	sbr.rel @!p3 .LBB2_57-.Ltmp35, $4  }
0x39f: {  	s6 =	simm.s32 $0x9;
	s9 =	simm.s32 $0xA;
	v47 =	vmov s28;
	v48 =	vmul.f32 $8.000000000e+00, v48;
	v41 =	vadd.s32 v17, v63;
	[tilespmem:v44+s23+$0x0] =	vst.idx.msk $0xffff, v61  }
0x3a0: {  	s31 =	simm.s32 $0xD;
	s11 =	simm.s32 $0xE;
	v45 =	vmov s6;
	v46 =	vmov s9;
	v63 =	vmul.f32 $8.000000000e+00, v53;
	[tilespmem:v54+s23+$0x0] =	vst.idx.msk $0xffff, v62  }
0x3a1: {  	s17 =	simm.s32 $0xB;
	p2 =	por $0x1, $0x1;
	v43 =	vmul.f32 $8.000000000e+00, v55;
	v50 =	vmov s31;
	v49 =	vmov s11;
	[tilespmem:v42+s23+$0x0] =	vst.idx.msk $0xffff, v48  }
0x3a2: {  	s9 =	simm.s32 $0xF;
	s6 =	simm.s32 $0xC520;
	s11 =	simm.s32 $0x10;
	v44 =	vmul.f32 $8.000000000e+00, v56;
	v42 =	vshrl.u32 v60, $0x3;
	v48 =	vmov s17;
	[tilespmem:v57+s23+$0x0] =	vst.idx.msk $0xffff, v63  }
.LBB2_58:
0x3a3: {  	p3 =	slt.u32 s11, $0x78;
	v42 =	vshll.u32 v42, v1;
	v45 =	vshrl.u32 v45, $0x3;
	v51 =	vmov s9;
	[tilespmem:v40+s23+$0x0] =	vst.idx.msk $0xffff, v43  }
0x3a4: {  	v40 =	vshrl.u32 v46, $0x3;
	v43 =	vshrl.u32 v48, $0x3;
	v46 =	vshrl.u32 v51, $0x3;
	[tilespmem:v41+s23+$0x0] =	vst.idx.msk $0xffff, v44  }
0x3a5: {  	s6 =	sadd.s32 $0x200, s6;
	v41 =	vshrl.u32 v47, $0x3;
	v44 =	vshrl.u32 v50, $0x3;
	v46 =	vshll.u32 v46, v1  }
0x3a6: {  	v45 =	vshll.u32 v45, v1;
	v47 =	vshrl.u32 v49, $0x3;
	v48 =	vld [tilespmem:s6+$0xC0];
	v46 =	vbroadcast v46, $0x0  }
0x3a7: {  	v40 =	vshll.u32 v40, v1;
	v43 =	vshll.u32 v43, v1;
	v45 =	vbroadcast v45, $0x0;
	v49 =	vld [tilespmem:s6+$0xFFFFFF40]  }
0x3a8: {  	v40 =	vbroadcast v40, $0x0;
	v41 =	vshll.u32 v41, v1;
	v50 =	vld [tilespmem:s6+$0xFFFFFF80];
	v46 =	vadd.s32 v24, v46  }
0x3a9: {  	v43 =	vbroadcast v43, $0x0;
	v44 =	vshll.u32 v44, v1;
	v45 =	vadd.s32 v18, v45;
	v51 =	vld [tilespmem:s6+$0xFFFFFFC0]  }
0x3aa: {  	v52 =	vadd.s32 v19, v40;
	v40 =	vbroadcast v41, $0x0;
	v41 =	vshll.u32 v47, v1;
	v53 =	vld [tilespmem:s6+$0x0]  }
0x3ab: {  	v44 =	vbroadcast v44, $0x0;
	v43 =	vadd.s32 v20, v43;
	v47 =	vld [tilespmem:s6+$0x40];
	v48 =	vmul.f32 $8.000000000e+00, v48  }
0x3ac: {  	v54 =	vadd.s32 v21, v40;
	v40 =	vbroadcast v41, $0x0;
	v49 =	vmul.f32 $8.000000000e+00, v49;
	v55 =	vld [tilespmem:s6+$0x80]  }
0x3ad: {  	v57 =	vadd.s32 v22, v44;
	v41 =	vbroadcast v42, $0x0;
	v56 =	vld [tilespmem:s6+$0xFFFFFF00];
	v50 =	vmul.f32 $8.000000000e+00, v50;
	[tilespmem:v46+s23+$0x0] =	vst.idx.msk $0xffff, v48  }
.Ltmp36:
0x3ae: {  	v42 =	vmov s11;
	v40 =	vadd.s32 v23, v40;
	[tilespmem:v45+s23+$0x0] =	vst.idx.msk $0xffff, v49;
	v44 =	vmul.f32 $8.000000000e+00, v51;
	(pc) =	sbr.rel @p3 .LBB2_58-.Ltmp36, $4  }
0x3af: {  	s9 =	sadd.s32 $0x1, s11;
	s12 =	sadd.s32 $0x2, s11;
	v42 =	vshrl.u32 v42, $0x3;
	v41 =	vadd.s32 v17, v41;
	[tilespmem:v52+s23+$0x0] =	vst.idx.msk $0xffff, v50;
	v49 =	vmul.f32 $8.000000000e+00, v53  }
0x3b0: {  	v46 =	vmov s12;
	s12 =	sadd.s32 $0x4, s11;
	v45 =	vmov s9;
	s9 =	sadd.s32 $0x3, s11;
	[tilespmem:v43+s23+$0x0] =	vst.idx.msk $0xffff, v44;
	v51 =	vmul.f32 $8.000000000e+00, v47  }
0x3b1: {  	v48 =	vmov s9;
	s9 =	sadd.s32 $0x5, s11;
	v47 =	vmov s12;
	s12 =	sadd.s32 $0x6, s11;
	[tilespmem:v54+s23+$0x0] =	vst.idx.msk $0xffff, v49;
	v43 =	vmul.f32 $8.000000000e+00, v55  }
0x3b2: {  	v50 =	vmov s9;
	s9 =	sadd.s32 $0x7, s11;
	s11 =	sadd.s32 $0x8, s11;
	v49 =	vmov s12;
	v44 =	vmul.f32 $8.000000000e+00, v56;
	[tilespmem:v57+s23+$0x0] =	vst.idx.msk $0xffff, v51  }
.LBB2_59:
0x3b3: {  	v42 =	vshll.u32 v42, v1  }
0x3b4: {  	v45 =	vshrl.u32 v45, $0x3;
	v51 =	vmov s9;
	v46 =	vshrl.u32 v46, $0x3  }
0x3b5: {  	v48 =	vshrl.u32 v48, $0x3;
	s6 =	sadd.s32 @p2 $0x200, s6;
	v47 =	vshrl.u32 v47, $0x3;
	v50 =	vshrl.u32 v50, $0x3  }
0x3b6: {  	v49 =	vshrl.u32 v49, $0x3;
	v51 =	vshrl.u32 v51, $0x3;
	s10 =	smov.u32 @p2 s6;
	v45 =	vshll.u32 v45, v1  }
0x3b7: {  	v46 =	vshll.u32 v46, v1;
	v48 =	vshll.u32 v48, v1;
	v53 =	vld [tilespmem:s10+$0xFFFFFF40];
	v45 =	vbroadcast v45, $0x0  }
0x3b8: {  	v50 =	vshll.u32 v50, v1;
	v49 =	vshll.u32 v49, v1;
	v54 =	vld [tilespmem:s10+$0xFFFFFF80];
	v46 =	vbroadcast v46, $0x0  }
0x3b9: {  	v51 =	vshll.u32 v51, v1;
	v55 =	vld [tilespmem:s10+$0xFFFFFFC0];
	v48 =	vbroadcast v48, $0x0;
	v45 =	vadd.s32 v18, v45  }
0x3ba: {  	v59 =	vbroadcast v50, $0x0;
	v62 =	vld [tilespmem:s10+$0x80];
	v49 =	vbroadcast v49, $0x0;
	v46 =	vadd.s32 v19, v46  }
0x3bb: {  	[tilespmem:v40+s23+$0x0] =	vst.idx.msk @p2 $0xffff, v43;
	v42 =	vbroadcast v42, $0x0;
	v63 =	vld [tilespmem:s10+$0xFFFFFF00];
	v51 =	vbroadcast v51, $0x0;
	v40 =	vadd.s32 v20, v48  }
0x3bc: {  	v52 =	vld [tilespmem:s10+$0xC0];
	v48 =	vadd.s32 v22, v59;
	v59 =	vadd.s32 v23, v49;
	v61 =	vmul.f32 $8.000000000e+00, v53  }
0x3bd: {  	v47 =	vshll.u32 v47, v1;
	[tilespmem:v41+s23+$0x0] =	vst.idx.msk @p2 $0xffff, v44;
	v43 =	vld [tilespmem:s10+$0x40];
	v42 =	vadd.s32 v17, v42;
	v57 =	vmul.f32 $8.000000000e+00, v54  }
0x3be: {  	v56 =	vld [tilespmem:s10+$0x0];
	v47 =	vbroadcast v47, $0x0;
	v51 =	vadd.s32 v24, v51;
	v58 =	vmul.f32 $8.000000000e+00, v55;
	[tilespmem:v45+s23+$0x0] =	vst.idx.msk $0xffff, v61  }
0x3bf: {  	v62 =	vmul.f32 $8.000000000e+00, v62;
	[tilespmem:v46+s23+$0x0] =	vst.idx.msk $0xffff, v57  }
0x3c0: {  	v44 =	vadd.s32 v21, v47;
	v63 =	vmul.f32 $8.000000000e+00, v63;
	[tilespmem:v40+s23+$0x0] =	vst.idx.msk $0xffff, v58  }
.Ltmp37:
0x3c1: {  	v60 =	vmul.f32 $8.000000000e+00, v52;
	[tilespmem:v59+s23+$0x0] =	vst.idx.msk $0xffff, v62;
	(pc) =	sbr.rel @!p1 .LBB2_60-.Ltmp37, $4  }
0x3c2: {  	v61 =	vmul.f32 $8.000000000e+00, v43;
	[tilespmem:v42+s23+$0x0] =	vst.idx.msk $0xffff, v63  }
0x3c3: {  	[tilespmem:v51+s23+$0x0] =	vst.idx.msk $0xffff, v60;
	v60 =	vmul.f32 $8.000000000e+00, v56  }
0x3c4: {  	[tilespmem:v48+s23+$0x0] =	vst.idx.msk $0xffff, v61  }
0x3c5: {  	s10 =	simm.s32 $0xC530;
	[tilespmem:v44+s23+$0x0] =	vst.idx.msk $0xffff, v60  }
0x3c6: {  	v33 =	vshll.u32 v33, v1;
	v35 =	vshrl.u32 v35, $0x3;
	v40 =	vmov s1  }
0x3c7: {  	v34 =	vshrl.u32 v34, $0x3;
	v38 =	vshrl.u32 v38, $0x3;
	v36 =	vshrl.u32 v36, $0x3  }
0x3c8: {  	v39 =	vshrl.u32 v39, $0x3;
	v40 =	vshrl.u32 v40, $0x3;
	v35 =	vshll.u32 v35, v1  }
0x3c9: {  	v37 =	vshrl.u32 v37, $0x3;
	v42 =	vld [tilespmem:s10+$0xFFFFFF40];
	v40 =	vshll.u32 v40, v1;
	v35 =	vbroadcast v35, $0x0  }
0x3ca: {  	v41 =	vld [tilespmem:s10+$0xC0];
	v34 =	vshll.u32 v34, v1;
	v38 =	vshll.u32 v38, v1;
	v40 =	vbroadcast v40, $0x0  }
0x3cb: {  	v43 =	vld [tilespmem:s10+$0xFFFFFF80];
	v36 =	vshll.u32 v36, v1;
	v34 =	vbroadcast v34, $0x0;
	v35 =	vadd.s32 v26, v35  }
0x3cc: {  	v44 =	vld [tilespmem:s10+$0xFFFFFFC0];
	v39 =	vshll.u32 v39, v1;
	v38 =	vbroadcast v38, $0x0;
	v40 =	vadd.s32 v32, v40  }
0x3cd: {  	v45 =	vld [tilespmem:s10+$0x0];
	v37 =	vshll.u32 v37, v1;
	v36 =	vbroadcast v36, $0x0;
	v34 =	vadd.s32 v27, v34  }
0x3ce: {  	v46 =	vld [tilespmem:s10+$0x40];
	v39 =	vbroadcast v39, $0x0;
	v38 =	vadd.s32 v28, v38;
	v42 =	vmul.f32 $8.000000000e+00, v42  }
0x3cf: {  	v48 =	vld [tilespmem:s10+$0x80];
	v58 =	vbroadcast v37, $0x0;
	v47 =	vadd.s32 v29, v36;
	v41 =	vmul.f32 $8.000000000e+00, v41  }
0x3d0: {  	v49 =	vld [tilespmem:s10+$0xFFFFFF00];
	p1 =	por $0x1, $0x1;
	v59 =	vbroadcast v33, $0x0;
	v50 =	vadd.s32 v30, v39;
	v43 =	vmul.f32 $8.000000000e+00, v43;
	[tilespmem:v35+s23+$0x0] =	vst.idx.msk $0xffff, v42  }
.Ltmp38:
0x3d1: {  	v60 =	vmov s0;
	v61 =	vmul.f32 $8.000000000e+00, v44;
	[tilespmem:v40+s23+$0x0] =	vst.idx.msk $0xffff, v41;
	v40 =	vadd.s32 v31, v58;
	(pc) =	sbr.rel @!p1 .LBB2_62-.Ltmp38, $4  }
0x3d2: {  	s28 =	simm.s32 $0xC;
	s6 =	simm.s32 $0xE;
	v33 =	vshrl.u32 v60, $0x3;
	v62 =	vmul.f32 $8.000000000e+00, v45;
	[tilespmem:v34+s23+$0x0] =	vst.idx.msk $0xffff, v43;
	v41 =	vadd.s32 v25, v59  }
0x3d3: {  	s15 =	simm.s32 $0x9;
	s31 =	simm.s32 $0xD;
	v37 =	vmov s6;
	v36 =	vmov s28;
	v63 =	vmul.f32 $8.000000000e+00, v46;
	[tilespmem:v38+s23+$0x0] =	vst.idx.msk $0xffff, v61  }
0x3d4: {  	s16 =	simm.s32 $0xA;
	s17 =	simm.s32 $0xB;
	s1 =	simm.s32 $0xF;
	v39 =	vmov s31;
	v35 =	vmov s15;
	[tilespmem:v47+s23+$0x0] =	vst.idx.msk $0xffff, v62;
	v42 =	vmul.f32 $8.000000000e+00, v48  }
0x3d5: {  	p0 =	por $0x1, $0x1;
	s0 =	simm.s32 $0xC530;
	s6 =	simm.s32 $0x10;
	v34 =	vmov s16;
	v38 =	vmov s17;
	v43 =	vmul.f32 $8.000000000e+00, v49;
	[tilespmem:v50+s23+$0x0] =	vst.idx.msk $0xffff, v63  }
.LBB2_63:
0x3d6: {  	p1 =	slt.u32 s6, $0x78;
	v33 =	vshll.u32 v33, v1;
	v35 =	vshrl.u32 v35, $0x3;
	v44 =	vmov s1;
	[tilespmem:v40+s23+$0x0] =	vst.idx.msk $0xffff, v42  }
0x3d7: {  	v34 =	vshrl.u32 v34, $0x3;
	v38 =	vshrl.u32 v38, $0x3;
	v40 =	vshrl.u32 v44, $0x3;
	[tilespmem:v41+s23+$0x0] =	vst.idx.msk $0xffff, v43  }
0x3d8: {  	v36 =	vshrl.u32 v36, $0x3;
	v39 =	vshrl.u32 v39, $0x3;
	s0 =	sadd.s32 $0x200, s0;
	v40 =	vshll.u32 v40, v1  }
0x3d9: {  	v37 =	vshrl.u32 v37, $0x3;
	v35 =	vshll.u32 v35, v1;
	v41 =	vld [tilespmem:s0+$0xC0];
	v40 =	vbroadcast v40, $0x0  }
0x3da: {  	v34 =	vshll.u32 v34, v1;
	v38 =	vshll.u32 v38, v1;
	v35 =	vbroadcast v35, $0x0;
	v42 =	vld [tilespmem:s0+$0xFFFFFF40]  }
0x3db: {  	v36 =	vshll.u32 v36, v1;
	v34 =	vbroadcast v34, $0x0;
	v43 =	vld [tilespmem:s0+$0xFFFFFF80];
	v40 =	vadd.s32 v32, v40  }
0x3dc: {  	v39 =	vshll.u32 v39, v1;
	v38 =	vbroadcast v38, $0x0;
	v35 =	vadd.s32 v26, v35;
	v44 =	vld [tilespmem:s0+$0xFFFFFFC0]  }
0x3dd: {  	v37 =	vshll.u32 v37, v1;
	v36 =	vbroadcast v36, $0x0;
	v34 =	vadd.s32 v27, v34;
	v45 =	vld [tilespmem:s0+$0x0]  }
0x3de: {  	v39 =	vbroadcast v39, $0x0;
	v38 =	vadd.s32 v28, v38;
	v46 =	vld [tilespmem:s0+$0x40];
	v41 =	vmul.f32 $8.000000000e+00, v41  }
0x3df: {  	v47 =	vadd.s32 v29, v36;
	v36 =	vbroadcast v37, $0x0;
	v42 =	vmul.f32 $8.000000000e+00, v42;
	v48 =	vld [tilespmem:s0+$0x80]  }
0x3e0: {  	v37 =	vbroadcast v33, $0x0;
	v50 =	vadd.s32 v30, v39;
	v49 =	vld [tilespmem:s0+$0xFFFFFF00];
	v43 =	vmul.f32 $8.000000000e+00, v43;
	[tilespmem:v40+s23+$0x0] =	vst.idx.msk $0xffff, v41  }
.Ltmp39:
0x3e1: {  	v33 =	vmov s6;
	v40 =	vadd.s32 v31, v36;
	[tilespmem:v35+s23+$0x0] =	vst.idx.msk $0xffff, v42;
	v39 =	vmul.f32 $8.000000000e+00, v44;
	(pc) =	sbr.rel @p1 .LBB2_63-.Ltmp39, $4  }
0x3e2: {  	s1 =	sadd.s32 $0x1, s6;
	s9 =	sadd.s32 $0x2, s6;
	v33 =	vshrl.u32 v33, $0x3;
	v41 =	vadd.s32 v25, v37;
	[tilespmem:v34+s23+$0x0] =	vst.idx.msk $0xffff, v43;
	v37 =	vmul.f32 $8.000000000e+00, v45  }
0x3e3: {  	v35 =	vmov s1;
	s1 =	sadd.s32 $0x3, s6;
	v34 =	vmov s9;
	s9 =	sadd.s32 $0x4, s6;
	[tilespmem:v38+s23+$0x0] =	vst.idx.msk $0xffff, v39;
	v44 =	vmul.f32 $8.000000000e+00, v46  }
0x3e4: {  	v38 =	vmov s1;
	v36 =	vmov s9;
	s1 =	sadd.s32 $0x5, s6;
	s9 =	sadd.s32 $0x6, s6;
	[tilespmem:v47+s23+$0x0] =	vst.idx.msk $0xffff, v37;
	v42 =	vmul.f32 $8.000000000e+00, v48  }
0x3e5: {  	v39 =	vmov s1;
	v37 =	vmov s9;
	s1 =	sadd.s32 $0x7, s6;
	s6 =	sadd.s32 $0x8, s6;
	v43 =	vmul.f32 $8.000000000e+00, v49;
	[tilespmem:v50+s23+$0x0] =	vst.idx.msk $0xffff, v44  }
.LBB2_64:
0x3e6: {  	v33 =	vshll.u32 v33, v1;
	v35 =	vshrl.u32 v35, $0x3;
	v44 =	vmov s1  }
0x3e7: {  	v34 =	vshrl.u32 v34, $0x3;
	v38 =	vshrl.u32 v38, $0x3;
	s0 =	sadd.s32 @p0 $0x200, s0;
	v36 =	vshrl.u32 v36, $0x3  }
0x3e8: {  	v39 =	vshrl.u32 v39, $0x3;
	v37 =	vshrl.u32 v37, $0x3;
	s10 =	smov.u32 @p0 s0;
	v35 =	vshll.u32 v35, v1  }
0x3e9: {  	v44 =	vshrl.u32 v44, $0x3;
	v34 =	vshll.u32 v34, v1;
	v46 =	vld [tilespmem:s10+$0xFFFFFF40];
	v35 =	vbroadcast v35, $0x0  }
0x3ea: {  	v38 =	vshll.u32 v38, v1;
	v36 =	vshll.u32 v36, v1;
	v47 =	vld [tilespmem:s10+$0xFFFFFF80];
	v34 =	vbroadcast v34, $0x0  }
0x3eb: {  	v39 =	vshll.u32 v39, v1;
	v48 =	vld [tilespmem:s10+$0xFFFFFFC0];
	v38 =	vbroadcast v38, $0x0;
	v35 =	vadd.s32 v26, v35  }
0x3ec: {  	v37 =	vshll.u32 v37, v1;
	v49 =	vld [tilespmem:s10+$0x0];
	v36 =	vbroadcast v36, $0x0;
	v34 =	vadd.s32 v27, v34  }
0x3ed: {  	v33 =	vbroadcast v33, $0x0;
	v53 =	vld [tilespmem:s10+$0x40];
	v39 =	vbroadcast v39, $0x0;
	v38 =	vadd.s32 v28, v38  }
0x3ee: {  	[tilespmem:v40+s23+$0x0] =	vst.idx.msk @p0 $0xffff, v42;
	v56 =	vld [tilespmem:s10+$0x80];
	v37 =	vbroadcast v37, $0x0;
	v36 =	vadd.s32 v29, v36;
	v55 =	vmul.f32 $8.000000000e+00, v46  }
0x3ef: {  	[tilespmem:v41+s23+$0x0] =	vst.idx.msk @p0 $0xffff, v43;
	v44 =	vshll.u32 v44, v1;
	v57 =	vld [tilespmem:s10+$0xFFFFFF00];
	v39 =	vadd.s32 v30, v39;
	v58 =	vmul.f32 $8.000000000e+00, v47  }
0x3f0: {  	v45 =	vld [tilespmem:s10+$0xC0];
	v44 =	vbroadcast v44, $0x0;
	v37 =	vadd.s32 v31, v37;
	v59 =	vmul.f32 $8.000000000e+00, v48;
	[tilespmem:v35+s23+$0x0] =	vst.idx.msk $0xffff, v55  }
0x3f1: {  	v33 =	vadd.s32 v25, v33;
	v60 =	vmul.f32 $8.000000000e+00, v49;
	[tilespmem:v34+s23+$0x0] =	vst.idx.msk $0xffff, v58  }
0x3f2: {  	v44 =	vadd.s32 v32, v44;
	v61 =	vmul.f32 $8.000000000e+00, v53;
	[tilespmem:v38+s23+$0x0] =	vst.idx.msk $0xffff, v59  }
0x3f3: {  	v62 =	vmul.f32 $8.000000000e+00, v56;
	[tilespmem:v36+s23+$0x0] =	vst.idx.msk $0xffff, v60  }
0x3f4: {  	s28 =	sshll.u32 s30, $0x12;
	v63 =	vmul.f32 $8.000000000e+00, v57;
	[tilespmem:v39+s23+$0x0] =	vst.idx.msk $0xffff, v61  }
0x3f5: {  	s0 =	sor.u32 s4, s28;
	v54 =	vmul.f32 $8.000000000e+00, v45;
	[tilespmem:v37+s23+$0x0] =	vst.idx.msk $0xffff, v62  }
0x3f6: {  	s0 =	sshrl.u32 s0, $0x3;
	[tilespmem:v33+s23+$0x0] =	vst.idx.msk $0xffff, v63  }
0x3f7: {  	s30 =	simm.s32 $0x10600;
	s1 =	sadd.s32 s2, s0;
	[tilespmem:v44+s23+$0x0] =	vst.idx.msk $0xffff, v54  }
0x3f8: {  	[hbm4b:s1+s3] =	stream.linear.scatter [tilespmem:s30], [sflag:$0x6], $0x80, $0x38;
	[tilespmem:$0x12800] =	vst v63  }
0x3f9: {  	s31 =	simm.s32 $0x10688;
	s6 =	sadd.s32 $0x10, s1  }
0x3fa: {  	[hbm4b:s6+s3] =	stream.linear.scatter [tilespmem:s31], [sflag:$0x6], $0x80, $0x38;
	[tilespmem:$0x12800] =	vst v63  }
0x3fb: {  	s9 =	simm.s32 $0x10710;
	s11 =	simm.s32 $0x10798;
	s10 =	sadd.s32 $0x20, s1  }
0x3fc: {  	[hbm4b:s10+s3] =	stream.linear.scatter [tilespmem:s9], [sflag:$0x6], $0x80, $0x38;
	[tilespmem:$0x12800] =	vst v63  }
0x3fd: {  	s15 =	simm.s32 $0x10820;
	s17 =	simm.s32 $0x108A8;
	s12 =	sadd.s32 $0x30, s1  }
0x3fe: {  	[hbm4b:s12+s3] =	stream.linear.scatter [tilespmem:s11], [sflag:$0x6], $0x80, $0x38;
	[tilespmem:$0x12800] =	vst v63  }
0x3ff: {  	s0 =	simm.s32 $0x440;
	s16 =	sadd.s32 $0x40, s1;
	s28 =	sadd.s32 $0x50, s1  }
0x400: {  	[hbm4b:s16+s3] =	stream.linear.scatter [tilespmem:s15], [sflag:$0x6], $0x80, $0x38;
	[tilespmem:$0x12800] =	vst v63  }
0x401: {  	s30 =	simm.s32 $0x10930;
	s31 =	sadd.s32 $0x60, s1;
	s6 =	simm.s32 $0x2200  }
0x402: {  	[hbm4b:s28+s3] =	stream.linear.scatter [tilespmem:s17], [sflag:$0x6], $0x80, $0x38;
	[tilespmem:$0x12800] =	vst v63  }
0x403: {  	s9 =	simm.s32 $0x109B8;
	s10 =	sadd.s32 $0x70, s1;
	s1 =	sadd.s32 $0x1000, s1  }
0x404: {  	[hbm4b:s31+s3] =	stream.linear.scatter [tilespmem:s30], [sflag:$0x6], $0x80, $0x38;
	[tilespmem:$0x12800] =	vst v63  }
.LBB2_65:
0x405: {  	[hbm4b:s10+s3] =	stream.linear.scatter [tilespmem:s9], [sflag:$0x6], $0x80, $0x38;
	[tilespmem:$0x12800] =	vst v63  }
0x406: {  	s9 =	smov.u32 s0;
	s0 =	smov.u32 s6  }
0x407: {  	s11 =	sadd.s32 $0x1100, s6;
	s0 =	sshra.s32 s0, $0x2;
	s10 =	sadd.s32 $0x10600, s9  }
0x408: {  	[hbm4b:s1+s3] =	stream.linear.scatter [tilespmem:s10], [sflag:$0x6], $0x80, $0x38;
	[tilespmem:$0x12800] =	vst v63  }
0x409: {  	p0 =	sne.s32 s6, $0x7700;
	s6 =	sadd.s32 $0x10688, s9;
	s10 =	sadd.s32 $0x10, s1  }
0x40a: {  	[hbm4b:s10+s3] =	stream.linear.scatter [tilespmem:s6], [sflag:$0x6], $0x80, $0x38;
	[tilespmem:$0x12800] =	vst v63  }
0x40b: {  	s6 =	sadd.s32 $0x10710, s9;
	s10 =	sadd.s32 $0x20, s1  }
0x40c: {  	[hbm4b:s10+s3] =	stream.linear.scatter [tilespmem:s6], [sflag:$0x6], $0x80, $0x38;
	[tilespmem:$0x12800] =	vst v63  }
0x40d: {  	s6 =	sadd.s32 $0x10798, s9;
	s10 =	sadd.s32 $0x30, s1  }
0x40e: {  	[hbm4b:s10+s3] =	stream.linear.scatter [tilespmem:s6], [sflag:$0x6], $0x80, $0x38;
	[tilespmem:$0x12800] =	vst v63  }
0x40f: {  	s6 =	sadd.s32 $0x10820, s9;
	s10 =	sadd.s32 $0x40, s1  }
0x410: {  	[hbm4b:s10+s3] =	stream.linear.scatter [tilespmem:s6], [sflag:$0x6], $0x80, $0x38;
	[tilespmem:$0x12800] =	vst v63  }
.Ltmp40:
0x411: {  	s6 =	sadd.s32 $0x108A8, s9;
	s10 =	sadd.s32 $0x50, s1;
	(pc) =	sbr.rel @p0 .LBB2_65-.Ltmp40, $4  }
0x412: {  	[hbm4b:s10+s3] =	stream.linear.scatter [tilespmem:s6], [sflag:$0x6], $0x80, $0x38;
	[tilespmem:$0x12800] =	vst v63  }
0x413: {  	s6 =	sadd.s32 $0x10930, s9;
	s10 =	sadd.s32 $0x60, s1;
	s9 =	sadd.s32 $0x109B8, s9  }
0x414: {  	[hbm4b:s10+s3] =	stream.linear.scatter [tilespmem:s6], [sflag:$0x6], $0x80, $0x38;
	[tilespmem:$0x12800] =	vst v63  }
0x415: {  	s10 =	sadd.s32 $0x70, s1;
	s1 =	sadd.s32 $0x1000, s1;
	s6 =	smov.u32 s11  }
0x416: {  	[hbm4b:s10+s3] =	stream.linear.scatter [tilespmem:s9], [sflag:$0x6], $0x80, $0x38;
	[tilespmem:$0x12800] =	vst v63  }
0x417: {  	s6 =	sadd.s32 $0x10600, s0  }
0x418: {  	[hbm4b:s1+s3] =	stream.linear.scatter [tilespmem:s6], [sflag:$0x6], $0x80, $0x38;
	[tilespmem:$0x12800] =	vst v63  }
0x419: {  	s17 =	sadd.s32 $0x10688, s0;
	s28 =	sadd.s32 $0x10, s1  }
0x41a: {  	[hbm4b:s28+s3] =	stream.linear.scatter [tilespmem:s17], [sflag:$0x6], $0x80, $0x38;
	[tilespmem:$0x12800] =	vst v63  }
0x41b: {  	s30 =	sadd.s32 $0x10710, s0;
	s31 =	sadd.s32 $0x20, s1  }
0x41c: {  	[hbm4b:s31+s3] =	stream.linear.scatter [tilespmem:s30], [sflag:$0x6], $0x80, $0x38;
	[tilespmem:$0x12800] =	vst v63  }
0x41d: {  	s9 =	sadd.s32 $0x10798, s0;
	s10 =	sadd.s32 $0x30, s1  }
0x41e: {  	[hbm4b:s10+s3] =	stream.linear.scatter [tilespmem:s9], [sflag:$0x6], $0x80, $0x38;
	[tilespmem:$0x12800] =	vst v63  }
0x41f: {  	s11 =	sadd.s32 $0x10820, s0;
	s12 =	sadd.s32 $0x40, s1;
	s29 =	sadd.s32 $0x1, s29  }
0x420: {  	[hbm4b:s12+s3] =	stream.linear.scatter [tilespmem:s11], [sflag:$0x6], $0x80, $0x38;
	[tilespmem:$0x12800] =	vst v63  }
0x421: {  	s15 =	sadd.s32 $0x108A8, s0;
	s16 =	sadd.s32 $0x50, s1;
	p0 =	sne.s32 s29, $0x32  }
0x422: {  	[hbm4b:s16+s3] =	stream.linear.scatter [tilespmem:s15], [sflag:$0x6], $0x80, $0x38;
	[tilespmem:$0x12800] =	vst v63  }
.Ltmp41:
0x423: {  	_ = 	snop;
	(pc) =	sbr.rel @p0 .LBB2_2-.Ltmp41, $4  }
.Ltmp42:
0x424: {  	s17 =	sadd.s32 $0x10930, s0;
	s28 =	sadd.s32 $0x60, s1;
	(pc) =	sbr.rel @!p0 .LBB2_67-.Ltmp42, $4  }
0x425: {  	[hbm4b:s28+s3] =	stream.linear.scatter [tilespmem:s17], [sflag:$0x6], $0x80, $0x38;
	[tilespmem:$0x12800] =	vst v63  }
0x426: {  	s30 =	sadd.s32 $0x109B8, s0;
	s31 =	sadd.s32 $0x70, s1  }
0x427: {  	[hbm4b:s31+s3] =	stream.linear.scatter [tilespmem:s30], [sflag:$0x6], $0x80, $0x38;
	[tilespmem:$0x12800] =	vst v63  }
0x428: {  	_ = 	snop  }
.LBB2_11:
.Ltmp43:
0x429: {  	(pc) =	sbr.rel .LBB2_15-.Ltmp43, $2  }
0x42a: {  	_ =	sdelay $0x2  }
0x42b: {  	s6 =	simm.s32 $0x6530  }
.LBB2_30:
.Ltmp44:
0x42c: {  	(pc) =	sbr.rel .LBB2_34-.Ltmp44, $2  }
0x42d: {  	_ =	sdelay $0x2  }
0x42e: {  	s1 =	simm.s32 $0x8530  }
.LBB2_45:
.Ltmp45:
0x42f: {  	(pc) =	sbr.rel .LBB2_49-.Ltmp45, $2  }
0x430: {  	_ =	sdelay $0x2  }
0x431: {  	s1 =	simm.s32 $0xA530  }
.LBB2_60:
.Ltmp46:
0x432: {  	(pc) =	sbr.rel .LBB2_64-.Ltmp46, $2  }
0x433: {  	_ =	sdelay $0x2  }
0x434: {  	s0 =	simm.s32 $0xC530  }
.LBB2_8:
.Ltmp47:
0x435: {  	(pc) =	sbr.rel .LBB2_10-.Ltmp47, $2  }
0x436: {  	_ =	sdelay $0x2  }
0x437: {  	s6 =	simm.s32 $0x6520  }
.LBB2_13:
.Ltmp48:
0x438: {  	(pc) =	sbr.rel .LBB2_15-.Ltmp48, $2  }
0x439: {  	_ =	sdelay $0x2  }
0x43a: {  	s6 =	simm.s32 $0x6530  }
.LBB2_27:
.Ltmp49:
0x43b: {  	(pc) =	sbr.rel .LBB2_29-.Ltmp49, $2  }
0x43c: {  	_ =	sdelay $0x2  }
0x43d: {  	s6 =	simm.s32 $0x8520  }
.LBB2_32:
.Ltmp50:
0x43e: {  	(pc) =	sbr.rel .LBB2_34-.Ltmp50, $2  }
0x43f: {  	_ =	sdelay $0x2  }
0x440: {  	s1 =	simm.s32 $0x8530  }
.LBB2_42:
.Ltmp51:
0x441: {  	(pc) =	sbr.rel .LBB2_44-.Ltmp51, $2  }
0x442: {  	_ =	sdelay $0x2  }
0x443: {  	s6 =	simm.s32 $0xA520  }
.LBB2_47:
.Ltmp52:
0x444: {  	(pc) =	sbr.rel .LBB2_49-.Ltmp52, $2  }
0x445: {  	_ =	sdelay $0x2  }
0x446: {  	s1 =	simm.s32 $0xA530  }
.LBB2_57:
.Ltmp53:
0x447: {  	(pc) =	sbr.rel .LBB2_59-.Ltmp53, $2  }
0x448: {  	_ =	sdelay $0x2  }
0x449: {  	s6 =	simm.s32 $0xC520  }
.LBB2_62:
.Ltmp54:
0x44a: {  	(pc) =	sbr.rel .LBB2_64-.Ltmp54, $2  }
0x44b: {  	_ =	sdelay $0x2  }
0x44c: {  	s0 =	simm.s32 $0xC530  }
.LBB2_68:
0x44d: {  	_ =	sfence.sel $0x180000  }
0x44e: {  	[bflag:$0x0] =	sbarrier.arrive $0xFFFF  }
0x44f: {  	_ =	strace $0x90000047  }
0x450: {  	s0 =	stileid.u32;
	[bflag:$0x2] =	sbarrier.arrive $0xFFFF  }
0x451: {  	p0 =	sne.s32 s0, $0x0;
	s0 =	rddreg [dreg:$0x3]  }
0x452: {  	s0 =	sadd.s32 @!p0 $0x100000, s0  }
0x453: {  	[sflag:s0] =	ssyncadd.tile.s32 @!p0 $0x1;
	_ =	shalt  }
.Lfunc_end2:
_tile_overlayer_lowered:
.L_overlay_start_2:
0x454: {  	(tag) =	ssettag $0x2  }
0x455: {  	s0 =	rddreg [dreg:$0x0];
	s2 =	stileid.u32  }
0x456: {  	s1 =	rddreg [dreg:$0x1];
	p0 =	sne.s32 s2, $0x0  }
0x457: {  	s3 =	rddreg [dreg:$0x2];
	[bflag:$0x3] =	sbarrier.arrive $0xFFFF;
	s2 =	simm.s32 @!p0 $0x1C07  }
0x458: {  	[timem:s3], [sflag:s2] =	dma.local @!p0 [hbm:s0], s1  }
0x459: {  	s0 =	simm.s32 @!p0 $0x7  }
0x45a: {  	_ =	swait.ge @!p0 [sflag:s0], s1  }
0x45b: {  	s1 =	ssub.s32 @!p0 $0x0, s1;
	[sflag:s0] =	ssyncset.done @!p0 $0x0  }
0x45c: {  	[sflag:s0] =	ssyncadd.s32 @!p0 s1  }
0x45d: {  	[bflag:$0x3] =	sbarrier.arrive $0xFFFF  }
0x45e: {  	_ =	shalt  }

</sc_bundles>
